<compile_context>
chip_gen: v7x
topology: tpu7x:2x2x1
jax: 0.10.2.dev20260603
libtpu: 0.0.44.dev20260713+nightly
codegen_flags: <defaults>
</compile_context>

<pallas_src>
import functools

import jax
import jax.numpy as jnp
from jax import lax
from jax.experimental import pallas as pl
from jax.experimental.pallas import tpu as pltpu
from jax.experimental.pallas import tpu_sc as plsc

NC = 2
NS = 16
NW = NC * NS
LANES = 16
CHUNK = 128


@functools.cache
def _make_agg(NP: int, D: int, CC: int, CHM: int, CH0: int, CH1: int,
              gather: bool):
    Z = NP // NS
    ZC, ZR = divmod(Z, CC)

    mesh = plsc.VectorSubcoreMesh(core_axis_name="c", subcore_axis_name="s")

    def body(*refs):
        if gather:
            table, srcw, dstw, out, src_v, dst_v, buf, acc, gsem = refs
        else:
            dstw, out, dst_v, buf, acc = refs
        c = lax.axis_index("c")
        s = lax.axis_index("s")
        w = c * NS + s

        def fill(val):
            def frow(i, carry):
                for k in range(D // LANES):
                    buf[i, pl.ds(k * LANES, LANES)] = jnp.full(
                        (LANES,), val, jnp.float32)
                return carry
            lax.fori_loop(0, CC, frow, 0)

        fill(0.0)
        for z in range(ZC):
            pltpu.sync_copy(buf, acc.at[pl.ds(s * Z + z * CC, CC)])
        if ZR:
            pltpu.sync_copy(buf.at[pl.ds(0, ZR)],
                            acc.at[pl.ds(s * Z + ZC * CC, ZR)])
        if not gather:
            fill(1.0)

        pltpu.sync_copy(dstw.at[w], dst_v)
        if gather:
            pltpu.sync_copy(srcw.at[w], src_v)

        plsc.subcore_barrier()

        nch = jnp.where(c == 0, CH0, CH1)
        if gather:
            def chunk_g(j, cr):
                pltpu.async_copy(table.at[src_v.at[j]], buf, gsem).wait()
                pltpu.sync_copy(buf, acc.at[dst_v.at[j]], add=True)
                return cr
            lax.fori_loop(0, nch, chunk_g, 0)
        else:
            def chunk_s(j, cr):
                pltpu.sync_copy(buf, acc.at[dst_v.at[j]], add=True)
                return cr
            lax.fori_loop(0, nch, chunk_s, 0)

        plsc.subcore_barrier()

        pltpu.sync_copy(acc.at[pl.ds(s * Z, Z)],
                        out.at[pl.ds(c * NP + s * Z, Z)])

    scratch = []
    if gather:
        scratch.append(pltpu.VMEM((CHM, CC), jnp.int32))
    scratch.append(pltpu.VMEM((CHM, CC), jnp.int32))
    scratch.append(pltpu.VMEM((CC, D), jnp.float32))
    scratch.append(pltpu.VMEM_SHARED((NP, D), jnp.float32))
    if gather:
        scratch.append(pltpu.SemaphoreType.DMA)
    params = None
    if D % 128 != 0:
        params = pltpu.CompilerParams(use_tc_tiling_on_sc=False)
    return pl.kernel(
        body,
        out_type=jax.ShapeDtypeStruct((NC * NP, D), jnp.float32),
        mesh=mesh,
        scratch_types=scratch,
        compiler_params=params,
    )


def _row_spec(rows, cols):
    return pl.BlockSpec((rows, cols), lambda i: (i, 0))


def _full_spec(r, c):
    return pl.BlockSpec((r, c), lambda i: (0, 0))


def _prep_body(d0, d1, x, n_ref, u_ref):
    deg = d0[:, 0:1] + d1[:, 0:1]
    nm = lax.rsqrt(jnp.maximum(deg, 1.0))
    n_ref[...] = nm
    u_ref[...] = x[...] * nm


def _prep(NP, B, d0, d1, xp):
    return pl.pallas_call(
        lambda a, b, c, d, e: _prep_body(a, b, c, d, e),
        grid=(NP // B,),
        in_specs=[_row_spec(B, 16), _row_spec(B, 16), _row_spec(B, 128)],
        out_specs=[_row_spec(B, 1), _row_spec(B, 128)],
        out_shape=[jax.ShapeDtypeStruct((NP, 1), jnp.float32),
                   jax.ShapeDtypeStruct((NP, 128), jnp.float32)],
    )(d0, d1, xp)


def _layer1_body(p0, p1, n, x, w, h_ref, u_ref):
    s = (p0[...] + p1[...]) * n[...]
    h = jnp.tanh(jnp.dot(s, w[...], preferred_element_type=jnp.float32)
                 + x[...])
    h_ref[...] = h
    u_ref[...] = h * n[...]


def _layer1(NP, B, p0, p1, n, xp, w1b):
    return pl.pallas_call(
        _layer1_body,
        grid=(NP // B,),
        in_specs=[_row_spec(B, 128), _row_spec(B, 128), _row_spec(B, 1),
                  _row_spec(B, 128), _full_spec(128, 128)],
        out_specs=[_row_spec(B, 128), _row_spec(B, 128)],
        out_shape=[jax.ShapeDtypeStruct((NP, 128), jnp.float32),
                   jax.ShapeDtypeStruct((NP, 128), jnp.float32)],
    )(p0, p1, n, xp, w1b)


def _layer2_body(p0, p1, n, h1, w2, w3, z_ref):
    s = (p0[...] + p1[...]) * n[...]
    h2 = jnp.tanh(jnp.dot(s, w2[...], preferred_element_type=jnp.float32)
                  + h1[...])
    z_ref[...] = jnp.dot(h2 * n[...], w3[...],
                         preferred_element_type=jnp.float32)


def _layer2(NP, B, p0, p1, n, h1, w2b, w3b):
    return pl.pallas_call(
        _layer2_body,
        grid=(NP // B,),
        in_specs=[_row_spec(B, 128), _row_spec(B, 128), _row_spec(B, 1),
                  _row_spec(B, 128), _full_spec(128, 128),
                  _full_spec(128, 64)],
        out_specs=_row_spec(B, 64),
        out_shape=jax.ShapeDtypeStruct((NP, 64), jnp.float32),
    )(p0, p1, n, h1, w2b, w3b)


def _final_body(q0, q1, n, o_ref):
    o_ref[...] = (q0[...] + q1[...]) * n[...]


def _final(NP, B, q0, q1, n):
    return pl.pallas_call(
        _final_body,
        grid=(NP // B,),
        in_specs=[_row_spec(B, 64), _row_spec(B, 64), _row_spec(B, 1)],
        out_specs=_row_spec(B, 64),
        out_shape=jax.ShapeDtypeStruct((NP, 64), jnp.float32),
    )(q0, q1, n)


def kernel(x, edge_index, W1, W2, W3, beta1, beta2, beta3):
    N, D = x.shape
    E = edge_index.shape[1]
    DO = W3.shape[1]

    B = 1024
    NP = -(-(N + 1) // (NS * CHUNK)) * (NS * CHUNK)

    src = edge_index[0]
    dst = edge_index[1]

    CC = CHUNK
    CHT = (E + NS * CC - 1) // (NS * CC)
    CH0 = CHT * 5 // 8
    CH1 = CHT - CH0
    CHM = max(CH0, CH1)

    def edge_layout(idx, fillval):
        ep = NS * CHT * CC
        flat = jnp.pad(idx, (0, ep - E), constant_values=fillval)
        blk = flat.reshape(NS, CHT, CC)
        c0 = blk[:, :CH0]
        c1 = blk[:, CH0:]
        pad0 = jnp.full((NS, CHM - CH0, CC), fillval, jnp.int32)
        pad1 = jnp.full((NS, CHM - CH1, CC), fillval, jnp.int32)
        return jnp.concatenate(
            [jnp.concatenate([c0, pad0], axis=1),
             jnp.concatenate([c1, pad1], axis=1)], axis=0)

    srcw_e = edge_layout(src, 0)
    dstw_e = edge_layout(dst, N)
    xp = jnp.pad(x, ((0, NP - N), (0, 0)))

    w1b = W1 * beta1
    w2b = W2 * beta2
    w3b = W3 * beta3

    degp = _make_agg(NP, 16, CC, CHM, CH0, CH1, False)(dstw_e)
    norm, u1 = _prep(NP, B, degp[:NP], degp[NP:], xp)

    agg_d = _make_agg(NP, D, CC, CHM, CH0, CH1, True)
    s1 = agg_d(u1, srcw_e, dstw_e)
    h1, u2 = _layer1(NP, B, s1[:NP], s1[NP:], norm, xp, w1b)

    s2 = agg_d(u2, srcw_e, dstw_e)
    z3 = _layer2(NP, B, s2[:NP], s2[NP:], norm, h1, w2b, w3b)

    s3 = _make_agg(NP, DO, CC, CHM, CH0, CH1, True)(z3, srcw_e, dstw_e)
    out = _final(NP, B, s3[:NP], s3[NP:], norm)
    return out[:N]

# --- scband reference (transcript-rebuilt; emitter-appended) ---
"""Pipeline reference for scband-res-gcnnet-72224170049983 (READ-ONLY COPY).

The authoritative reference and input builder live on the scoring server;
editing this copy changes nothing except your own understanding.
"""

import jax, jax.numpy as jnp
import numpy as np

N = 10000
E = 320000
D_IN = 128
D_HID = 128
D_OUT = 64


def setup_inputs(seed: int = 0) -> dict:
    key = jax.random.key(seed)
    ks = jax.random.split(key, 8)
    x = jax.random.normal(ks[0], (N, D_IN), dtype=jnp.float32)
    edge_index = jax.random.randint(ks[1], (2, E), 0, N, dtype=jnp.int32)
    W1 = jax.random.normal(ks[2], (D_IN, D_HID), dtype=jnp.float32) * (1.0 / np.sqrt(D_IN))
    W2 = jax.random.normal(ks[3], (D_HID, D_HID), dtype=jnp.float32) * (1.0 / np.sqrt(D_HID))
    W3 = jax.random.normal(ks[4], (D_HID, D_OUT), dtype=jnp.float32) * (1.0 / np.sqrt(D_HID))
    beta1 = jnp.ones((), dtype=jnp.float32)
    beta2 = jnp.ones((), dtype=jnp.float32)
    beta3 = jnp.ones((), dtype=jnp.float32)
    return {"x": x, "edge_index": edge_index, "W1": W1, "W2": W2, "W3": W3,
            "beta1": beta1, "beta2": beta2, "beta3": beta3}


def _gcn_layer(x, W, beta, src, dst, norm, act):
    # symmetric-normalized GCN aggregation: D^-1/2 A D^-1/2 X, then linear, beta scale,
    # residual (when dims match, ResGCN), activation tanh
    msg = x[src] * norm[src][:, None]
    agg = jax.ops.segment_sum(msg, dst, num_segments=N)
    agg = agg * norm[:, None]
    h = (agg @ W) * beta
    if x.shape[-1] == W.shape[-1]:
        h = h + x
    if act:
        h = jnp.tanh(h)
    return h


def reference(x, edge_index, W1, W2, W3, beta1, beta2, beta3):
    src = edge_index[0]
    dst = edge_index[1]
    deg = jax.ops.segment_sum(jnp.ones((E,), dtype=jnp.float32), dst, num_segments=N)
    norm = jax.lax.rsqrt(jnp.clip(deg, 1.0))
    h = _gcn_layer(x, W1, beta1, src, dst, norm, True)   # layer 0: tanh, residual (128->128)
    h = _gcn_layer(h, W2, beta2, src, dst, norm, True)   # hidden: tanh, residual
    h = _gcn_layer(h, W3, beta3, src, dst, norm, False)  # last: no activation, no residual (128->64)
    return h

if __name__ == "__main__":
    import jax
    _d = setup_inputs()
    print(jax.jit(kernel)(*tuple(_d.values())))

</pallas_src>

<mosaic_0001>
#map = affine_map<(d0, d1) -> (0, 0, 0)>
#map1 = affine_map<(d0, d1) -> (0, 0)>
module attributes {stable_mosaic.version = 14 : i64} {
  func.func @body(%arg0: i32, %arg1: i32, %arg2: memref<32x98x128xi32, #tpu.memory_space<hbm>>, %arg3: memref<20480x16xf32, #tpu.memory_space<hbm>>, %arg4: memref<98x128xi32, #tpu.memory_space<vmem>>, %arg5: memref<128x16xf32, #tpu.memory_space<vmem>>, %arg6: memref<10240x16xf32, #tpu.memory_space<vmem_shared>>) attributes {dimension_semantics = [#tpu.dimension_semantics<core_parallel>, #tpu.dimension_semantics<subcore_parallel>], iteration_bounds = array<i64: 2, 16>, scalar_prefetch = 0 : i64, scratch_operands = 3 : i64, tpu.core_type = #tpu.core_type<sc_vector_subcore>, window_params = [{transform_indices = #map}, {transform_indices = #map1}]} {
    %mul3A = arith.constant 16 : i32
    %mul3A_0 = arith.muli %arg0, %mul3A : i32
    %add3A = arith.addi %mul3A_0, %arg1 : i32
    %scan3A = arith.constant 0 : i32
    %scan3A_1 = arith.constant 0 : i32
    %scan3A_2 = arith.constant 128 : i32
    %scan3A_3 = arith.addi %scan3A_1, %scan3A_2 : i32
    %scan3A_4 = arith.constant 1 : i32
    scf.for %scan3A_51 = %scan3A_1 to %scan3A_3 step %scan3A_4  : i32 {
      %broadcast_in_dim3A = arith.constant 0.000000e+00 : f32
      %broadcast_in_dim3A_52 = vector.broadcast %broadcast_in_dim3A : f32 to vector<16xf32>
      %swap3A = arith.index_cast %scan3A_51 : i32 to index
      %swap3A_53 = arith.constant 0 : index
      %swap3A_54 = tpu.vector_load %arg5[%swap3A, %swap3A_53] {strides = array<i32>} : memref<128x16xf32, #tpu.memory_space<vmem>>, vector<1x16xf32>,
      %swap3A_55 = vector.shape_cast %swap3A_54 : vector<1x16xf32> to vector<16xf32>
      %swap3A_56 = vector.shape_cast %broadcast_in_dim3A_52 : vector<16xf32> to vector<1x16xf32>
      tpu.vector_store %arg5[%swap3A, %swap3A_53], %swap3A_56 {strides = array<i32>} : memref<128x16xf32, #tpu.memory_space<vmem>>, vector<1x16xf32>,
    }
    %scan3A_5 = arith.constant 128 : i32
    %mul3A_6 = arith.constant 640 : i32
    %mul3A_7 = arith.muli %arg1, %mul3A_6 : i32
    %add3A_8 = arith.constant 0 : i32
    %add3A_9 = arith.addi %mul3A_7, %add3A_8 : i32
    "tpu.region"() ({
      %run_scoped3A = tpu.sem_alloc : memref<!tpu.dma_semaphore, #tpu.memory_space<semaphore_mem>>
      %dma_start3A = arith.constant 0 : i32
      %dma_start3A_51 = tpu.memref_slice %arg6[%add3A_9, %dma_start3A] : memref<10240x16xf32, #tpu.memory_space<vmem_shared>> -> memref<128x16xf32, #tpu.memory_space<vmem_shared>>
      %dma_start3A_52 = arith.constant 0 : i32
      %dma_start3A_53 = tpu.memref_slice %arg6[%add3A_9, %dma_start3A_52] : memref<10240x16xf32, #tpu.memory_space<vmem_shared>> -> memref<128x16xf32, #tpu.memory_space<vmem_shared>>
      tpu.enqueue_dma source(%arg5 : memref<128x16xf32, #tpu.memory_space<vmem>>) target(%dma_start3A_53 : memref<128x16xf32, #tpu.memory_space<vmem_shared>>) target_semaphore(%run_scoped3A : memref<!tpu.dma_semaphore, #tpu.memory_space<semaphore_mem>>)
      %dma_wait3A = arith.constant 0 : i32
      %dma_wait3A_54 = tpu.memref_slice %arg6[%add3A_9, %dma_wait3A] : memref<10240x16xf32, #tpu.memory_space<vmem_shared>> -> memref<128x16xf32, #tpu.memory_space<vmem_shared>>
      %dma_wait3A_55 = arith.constant 0 : i32
      %dma_wait3A_56 = tpu.memref_slice %arg6[%add3A_9, %dma_wait3A_55] : memref<10240x16xf32, #tpu.memory_space<vmem_shared>> -> memref<128x16xf32, #tpu.memory_space<vmem_shared>>
      tpu.wait_dma2 semaphore(%run_scoped3A : memref<!tpu.dma_semaphore, #tpu.memory_space<semaphore_mem>>) src(%arg5 : memref<128x16xf32, #tpu.memory_space<vmem>>) dst(%dma_wait3A_56 : memref<128x16xf32, #tpu.memory_space<vmem_shared>>)
      tpu.yield
    }) : () -> ()
    %mul3A_10 = arith.constant 640 : i32
    %mul3A_11 = arith.muli %arg1, %mul3A_10 : i32
    %add3A_12 = arith.constant 128 : i32
    %add3A_13 = arith.addi %mul3A_11, %add3A_12 : i32
    "tpu.region"() ({
      %run_scoped3A = tpu.sem_alloc : memref<!tpu.dma_semaphore, #tpu.memory_space<semaphore_mem>>
      %dma_start3A = arith.constant 0 : i32
      %dma_start3A_51 = tpu.memref_slice %arg6[%add3A_13, %dma_start3A] : memref<10240x16xf32, #tpu.memory_space<vmem_shared>> -> memref<128x16xf32, #tpu.memory_space<vmem_shared>>
      %dma_start3A_52 = arith.constant 0 : i32
      %dma_start3A_53 = tpu.memref_slice %arg6[%add3A_13, %dma_start3A_52] : memref<10240x16xf32, #tpu.memory_space<vmem_shared>> -> memref<128x16xf32, #tpu.memory_space<vmem_shared>>
      tpu.enqueue_dma source(%arg5 : memref<128x16xf32, #tpu.memory_space<vmem>>) target(%dma_start3A_53 : memref<128x16xf32, #tpu.memory_space<vmem_shared>>) target_semaphore(%run_scoped3A : memref<!tpu.dma_semaphore, #tpu.memory_space<semaphore_mem>>)
      %dma_wait3A = arith.constant 0 : i32
      %dma_wait3A_54 = tpu.memref_slice %arg6[%add3A_13, %dma_wait3A] : memref<10240x16xf32, #tpu.memory_space<vmem_shared>> -> memref<128x16xf32, #tpu.memory_space<vmem_shared>>
      %dma_wait3A_55 = arith.constant 0 : i32
      %dma_wait3A_56 = tpu.memref_slice %arg6[%add3A_13, %dma_wait3A_55] : memref<10240x16xf32, #tpu.memory_space<vmem_shared>> -> memref<128x16xf32, #tpu.memory_space<vmem_shared>>
      tpu.wait_dma2 semaphore(%run_scoped3A : memref<!tpu.dma_semaphore, #tpu.memory_space<semaphore_mem>>) src(%arg5 : memref<128x16xf32, #tpu.memory_space<vmem>>) dst(%dma_wait3A_56 : memref<128x16xf32, #tpu.memory_space<vmem_shared>>)
      tpu.yield
    }) : () -> ()
    %mul3A_14 = arith.constant 640 : i32
    %mul3A_15 = arith.muli %arg1, %mul3A_14 : i32
    %add3A_16 = arith.constant 256 : i32
    %add3A_17 = arith.addi %mul3A_15, %add3A_16 : i32
    "tpu.region"() ({
      %run_scoped3A = tpu.sem_alloc : memref<!tpu.dma_semaphore, #tpu.memory_space<semaphore_mem>>
      %dma_start3A = arith.constant 0 : i32
      %dma_start3A_51 = tpu.memref_slice %arg6[%add3A_17, %dma_start3A] : memref<10240x16xf32, #tpu.memory_space<vmem_shared>> -> memref<128x16xf32, #tpu.memory_space<vmem_shared>>
      %dma_start3A_52 = arith.constant 0 : i32
      %dma_start3A_53 = tpu.memref_slice %arg6[%add3A_17, %dma_start3A_52] : memref<10240x16xf32, #tpu.memory_space<vmem_shared>> -> memref<128x16xf32, #tpu.memory_space<vmem_shared>>
      tpu.enqueue_dma source(%arg5 : memref<128x16xf32, #tpu.memory_space<vmem>>) target(%dma_start3A_53 : memref<128x16xf32, #tpu.memory_space<vmem_shared>>) target_semaphore(%run_scoped3A : memref<!tpu.dma_semaphore, #tpu.memory_space<semaphore_mem>>)
      %dma_wait3A = arith.constant 0 : i32
      %dma_wait3A_54 = tpu.memref_slice %arg6[%add3A_17, %dma_wait3A] : memref<10240x16xf32, #tpu.memory_space<vmem_shared>> -> memref<128x16xf32, #tpu.memory_space<vmem_shared>>
      %dma_wait3A_55 = arith.constant 0 : i32
      %dma_wait3A_56 = tpu.memref_slice %arg6[%add3A_17, %dma_wait3A_55] : memref<10240x16xf32, #tpu.memory_space<vmem_shared>> -> memref<128x16xf32, #tpu.memory_space<vmem_shared>>
      tpu.wait_dma2 semaphore(%run_scoped3A : memref<!tpu.dma_semaphore, #tpu.memory_space<semaphore_mem>>) src(%arg5 : memref<128x16xf32, #tpu.memory_space<vmem>>) dst(%dma_wait3A_56 : memref<128x16xf32, #tpu.memory_space<vmem_shared>>)
      tpu.yield
    }) : () -> ()
    %mul3A_18 = arith.constant 640 : i32
    %mul3A_19 = arith.muli %arg1, %mul3A_18 : i32
    %add3A_20 = arith.constant 384 : i32
    %add3A_21 = arith.addi %mul3A_19, %add3A_20 : i32
    "tpu.region"() ({
      %run_scoped3A = tpu.sem_alloc : memref<!tpu.dma_semaphore, #tpu.memory_space<semaphore_mem>>
      %dma_start3A = arith.constant 0 : i32
      %dma_start3A_51 = tpu.memref_slice %arg6[%add3A_21, %dma_start3A] : memref<10240x16xf32, #tpu.memory_space<vmem_shared>> -> memref<128x16xf32, #tpu.memory_space<vmem_shared>>
      %dma_start3A_52 = arith.constant 0 : i32
      %dma_start3A_53 = tpu.memref_slice %arg6[%add3A_21, %dma_start3A_52] : memref<10240x16xf32, #tpu.memory_space<vmem_shared>> -> memref<128x16xf32, #tpu.memory_space<vmem_shared>>
      tpu.enqueue_dma source(%arg5 : memref<128x16xf32, #tpu.memory_space<vmem>>) target(%dma_start3A_53 : memref<128x16xf32, #tpu.memory_space<vmem_shared>>) target_semaphore(%run_scoped3A : memref<!tpu.dma_semaphore, #tpu.memory_space<semaphore_mem>>)
      %dma_wait3A = arith.constant 0 : i32
      %dma_wait3A_54 = tpu.memref_slice %arg6[%add3A_21, %dma_wait3A] : memref<10240x16xf32, #tpu.memory_space<vmem_shared>> -> memref<128x16xf32, #tpu.memory_space<vmem_shared>>
      %dma_wait3A_55 = arith.constant 0 : i32
      %dma_wait3A_56 = tpu.memref_slice %arg6[%add3A_21, %dma_wait3A_55] : memref<10240x16xf32, #tpu.memory_space<vmem_shared>> -> memref<128x16xf32, #tpu.memory_space<vmem_shared>>
      tpu.wait_dma2 semaphore(%run_scoped3A : memref<!tpu.dma_semaphore, #tpu.memory_space<semaphore_mem>>) src(%arg5 : memref<128x16xf32, #tpu.memory_space<vmem>>) dst(%dma_wait3A_56 : memref<128x16xf32, #tpu.memory_space<vmem_shared>>)
      tpu.yield
    }) : () -> ()
    %mul3A_22 = arith.constant 640 : i32
    %mul3A_23 = arith.muli %arg1, %mul3A_22 : i32
    %add3A_24 = arith.constant 512 : i32
    %add3A_25 = arith.addi %mul3A_23, %add3A_24 : i32
    "tpu.region"() ({
      %run_scoped3A = tpu.sem_alloc : memref<!tpu.dma_semaphore, #tpu.memory_space<semaphore_mem>>
      %dma_start3A = arith.constant 0 : i32
      %dma_start3A_51 = tpu.memref_slice %arg6[%add3A_25, %dma_start3A] : memref<10240x16xf32, #tpu.memory_space<vmem_shared>> -> memref<128x16xf32, #tpu.memory_space<vmem_shared>>
      %dma_start3A_52 = arith.constant 0 : i32
      %dma_start3A_53 = tpu.memref_slice %arg6[%add3A_25, %dma_start3A_52] : memref<10240x16xf32, #tpu.memory_space<vmem_shared>> -> memref<128x16xf32, #tpu.memory_space<vmem_shared>>
      tpu.enqueue_dma source(%arg5 : memref<128x16xf32, #tpu.memory_space<vmem>>) target(%dma_start3A_53 : memref<128x16xf32, #tpu.memory_space<vmem_shared>>) target_semaphore(%run_scoped3A : memref<!tpu.dma_semaphore, #tpu.memory_space<semaphore_mem>>)
      %dma_wait3A = arith.constant 0 : i32
      %dma_wait3A_54 = tpu.memref_slice %arg6[%add3A_25, %dma_wait3A] : memref<10240x16xf32, #tpu.memory_space<vmem_shared>> -> memref<128x16xf32, #tpu.memory_space<vmem_shared>>
      %dma_wait3A_55 = arith.constant 0 : i32
      %dma_wait3A_56 = tpu.memref_slice %arg6[%add3A_25, %dma_wait3A_55] : memref<10240x16xf32, #tpu.memory_space<vmem_shared>> -> memref<128x16xf32, #tpu.memory_space<vmem_shared>>
      tpu.wait_dma2 semaphore(%run_scoped3A : memref<!tpu.dma_semaphore, #tpu.memory_space<semaphore_mem>>) src(%arg5 : memref<128x16xf32, #tpu.memory_space<vmem>>) dst(%dma_wait3A_56 : memref<128x16xf32, #tpu.memory_space<vmem_shared>>)
      tpu.yield
    }) : () -> ()
    %scan3A_26 = arith.constant 0 : i32
    %scan3A_27 = arith.constant 0 : i32
    %scan3A_28 = arith.constant 128 : i32
    %scan3A_29 = arith.addi %scan3A_27, %scan3A_28 : i32
    %scan3A_30 = arith.constant 1 : i32
    scf.for %scan3A_51 = %scan3A_27 to %scan3A_29 step %scan3A_30  : i32 {
      %broadcast_in_dim3A = arith.constant 1.000000e+00 : f32
      %broadcast_in_dim3A_52 = vector.broadcast %broadcast_in_dim3A : f32 to vector<16xf32>
      %swap3A = arith.index_cast %scan3A_51 : i32 to index
      %swap3A_53 = arith.constant 0 : index
      %swap3A_54 = tpu.vector_load %arg5[%swap3A, %swap3A_53] {strides = array<i32>} : memref<128x16xf32, #tpu.memory_space<vmem>>, vector<1x16xf32>,
      %swap3A_55 = vector.shape_cast %swap3A_54 : vector<1x16xf32> to vector<16xf32>
      %swap3A_56 = vector.shape_cast %broadcast_in_dim3A_52 : vector<16xf32> to vector<1x16xf32>
      tpu.vector_store %arg5[%swap3A, %swap3A_53], %swap3A_56 {strides = array<i32>} : memref<128x16xf32, #tpu.memory_space<vmem>>, vector<1x16xf32>,
    }
    %scan3A_31 = arith.constant 128 : i32
    "tpu.region"() ({
      %run_scoped3A = tpu.sem_alloc : memref<!tpu.dma_semaphore, #tpu.memory_space<semaphore_mem>>
      %dma_start3A = arith.constant 0 : i32
      %dma_start3A_51 = arith.constant 0 : i32
      %dma_start3A_52 = tpu.memref_slice %arg2[%add3A, %dma_start3A, %dma_start3A_51] : memref<32x98x128xi32, #tpu.memory_space<hbm>> -> memref<1x98x128xi32, #tpu.memory_space<hbm>>
      %dma_start3A_53 = tpu.memref_squeeze %dma_start3A_52 : memref<1x98x128xi32, #tpu.memory_space<hbm>> -> memref<98x128xi32, #tpu.memory_space<hbm>>
      %dma_start3A_54 = arith.constant 0 : i32
      %dma_start3A_55 = arith.constant 0 : i32
      %dma_start3A_56 = tpu.memref_slice %arg2[%add3A, %dma_start3A_54, %dma_start3A_55] : memref<32x98x128xi32, #tpu.memory_space<hbm>> -> memref<1x98x128xi32, #tpu.memory_space<hbm>>
      %dma_start3A_57 = tpu.memref_squeeze %dma_start3A_56 : memref<1x98x128xi32, #tpu.memory_space<hbm>> -> memref<98x128xi32, #tpu.memory_space<hbm>>
      tpu.enqueue_dma source(%dma_start3A_57 : memref<98x128xi32, #tpu.memory_space<hbm>>) target(%arg4 : memref<98x128xi32, #tpu.memory_space<vmem>>) target_semaphore(%run_scoped3A : memref<!tpu.dma_semaphore, #tpu.memory_space<semaphore_mem>>)
      %dma_wait3A = arith.constant 0 : i32
      %dma_wait3A_58 = arith.constant 0 : i32
      %dma_wait3A_59 = tpu.memref_slice %arg2[%add3A, %dma_wait3A, %dma_wait3A_58] : memref<32x98x128xi32, #tpu.memory_space<hbm>> -> memref<1x98x128xi32, #tpu.memory_space<hbm>>
      %dma_wait3A_60 = tpu.memref_squeeze %dma_wait3A_59 : memref<1x98x128xi32, #tpu.memory_space<hbm>> -> memref<98x128xi32, #tpu.memory_space<hbm>>
      %dma_wait3A_61 = arith.constant 0 : i32
      %dma_wait3A_62 = arith.constant 0 : i32
      %dma_wait3A_63 = tpu.memref_slice %arg2[%add3A, %dma_wait3A_61, %dma_wait3A_62] : memref<32x98x128xi32, #tpu.memory_space<hbm>> -> memref<1x98x128xi32, #tpu.memory_space<hbm>>
      %dma_wait3A_64 = tpu.memref_squeeze %dma_wait3A_63 : memref<1x98x128xi32, #tpu.memory_space<hbm>> -> memref<98x128xi32, #tpu.memory_space<hbm>>
      tpu.wait_dma2 semaphore(%run_scoped3A : memref<!tpu.dma_semaphore, #tpu.memory_space<semaphore_mem>>) src(%dma_wait3A_64 : memref<98x128xi32, #tpu.memory_space<hbm>>) dst(%arg4 : memref<98x128xi32, #tpu.memory_space<vmem>>)
      tpu.yield
    }) : () -> ()
    %barrier3A = arith.constant 0 : index
    tpu.barrier barrier_id(%barrier3A)
    %eq3A = arith.constant 0 : i32
    %eq3A_32 = arith.cmpi eq, %arg0, %eq3A : i32
    %jit3A = arith.constant 98 : i32
    %jit3A_33 = arith.constant 59 : i32
    %select_n3A = arith.select %eq3A_32, %jit3A, %jit3A_33 : i32
    %while3A = arith.constant 0 : i32
    %while3A_34 = arith.constant 0 : i32
    %while3A_35 = arith.subi %select_n3A, %while3A_34 : i32
    %while3A_36 = arith.addi %while3A_34, %while3A_35 : i32
    %while3A_37 = arith.constant 1 : i32
    %while3A_38 = arith.divsi %while3A_35, %while3A_37 : i32
    %while3A_39 = arith.muli %while3A_38, %while3A_37 : i32
    %while3A_40 = arith.addi %while3A_34, %while3A_39 : i32
    %while3A_41 = arith.constant 1 : i32
    scf.for %while3A_51 = %while3A_34 to %while3A_40 step %while3A_41  : i32 {
      "tpu.region"() ({
        %run_scoped3A = tpu.sem_alloc : memref<!tpu.dma_semaphore, #tpu.memory_space<semaphore_mem>>
        %dma_start3A = arith.constant 0 : i32
        %dma_start3A_52 = tpu.memref_slice %arg4[%while3A_51, %dma_start3A] : memref<98x128xi32, #tpu.memory_space<vmem>> -> memref<1x128xi32, #tpu.memory_space<vmem>>
        %dma_start3A_53 = tpu.memref_squeeze %dma_start3A_52 : memref<1x128xi32, #tpu.memory_space<vmem>> -> memref<128xi32, #tpu.memory_space<vmem>>
        %dma_start3A_54 = arith.constant 0 : i32
        %dma_start3A_55 = arith.constant 0 : i32
        %dma_start3A_56 = tpu.memref_slice %arg6[%dma_start3A_54, %dma_start3A_55] : memref<10240x16xf32, #tpu.memory_space<vmem_shared>> -> memref<10240x16xf32, #tpu.memory_space<vmem_shared>>
        tpu.enqueue_indirect_dma source(%arg5 : memref<128x16xf32, #tpu.memory_space<vmem>>) target(%dma_start3A_56 : memref<10240x16xf32, #tpu.memory_space<vmem_shared>>) offsets(%dma_start3A_53 : memref<128xi32, #tpu.memory_space<vmem>>) semaphore(%run_scoped3A : memref<!tpu.dma_semaphore, #tpu.memory_space<semaphore_mem>>) {add = true}
        %dma_wait3A = arith.constant 0 : i32
        %dma_wait3A_57 = tpu.memref_slice %arg4[%while3A_51, %dma_wait3A] : memref<98x128xi32, #tpu.memory_space<vmem>> -> memref<1x128xi32, #tpu.memory_space<vmem>>
        %dma_wait3A_58 = tpu.memref_squeeze %dma_wait3A_57 : memref<1x128xi32, #tpu.memory_space<vmem>> -> memref<128xi32, #tpu.memory_space<vmem>>
        %dma_wait3A_59 = arith.constant 0 : i32
        %dma_wait3A_60 = arith.constant 0 : i32
        %dma_wait3A_61 = tpu.memref_slice %arg6[%dma_wait3A_59, %dma_wait3A_60] : memref<10240x16xf32, #tpu.memory_space<vmem_shared>> -> memref<10240x16xf32, #tpu.memory_space<vmem_shared>>
        tpu.wait_indirect_dma semaphore(%run_scoped3A : memref<!tpu.dma_semaphore, #tpu.memory_space<semaphore_mem>>) src(%arg5 : memref<128x16xf32, #tpu.memory_space<vmem>>) dst(%dma_wait3A_61 : memref<10240x16xf32, #tpu.memory_space<vmem_shared>>)
        tpu.yield
      }) : () -> ()
    }
    %while3A_42 = arith.constant 1 : i32
    scf.for %while3A_51 = %while3A_40 to %while3A_36 step %while3A_42  : i32 {
      "tpu.region"() ({
        %run_scoped3A = tpu.sem_alloc : memref<!tpu.dma_semaphore, #tpu.memory_space<semaphore_mem>>
        %dma_start3A = arith.constant 0 : i32
        %dma_start3A_52 = tpu.memref_slice %arg4[%while3A_51, %dma_start3A] : memref<98x128xi32, #tpu.memory_space<vmem>> -> memref<1x128xi32, #tpu.memory_space<vmem>>
        %dma_start3A_53 = tpu.memref_squeeze %dma_start3A_52 : memref<1x128xi32, #tpu.memory_space<vmem>> -> memref<128xi32, #tpu.memory_space<vmem>>
        %dma_start3A_54 = arith.constant 0 : i32
        %dma_start3A_55 = arith.constant 0 : i32
        %dma_start3A_56 = tpu.memref_slice %arg6[%dma_start3A_54, %dma_start3A_55] : memref<10240x16xf32, #tpu.memory_space<vmem_shared>> -> memref<10240x16xf32, #tpu.memory_space<vmem_shared>>
        tpu.enqueue_indirect_dma source(%arg5 : memref<128x16xf32, #tpu.memory_space<vmem>>) target(%dma_start3A_56 : memref<10240x16xf32, #tpu.memory_space<vmem_shared>>) offsets(%dma_start3A_53 : memref<128xi32, #tpu.memory_space<vmem>>) semaphore(%run_scoped3A : memref<!tpu.dma_semaphore, #tpu.memory_space<semaphore_mem>>) {add = true}
        %dma_wait3A = arith.constant 0 : i32
        %dma_wait3A_57 = tpu.memref_slice %arg4[%while3A_51, %dma_wait3A] : memref<98x128xi32, #tpu.memory_space<vmem>> -> memref<1x128xi32, #tpu.memory_space<vmem>>
        %dma_wait3A_58 = tpu.memref_squeeze %dma_wait3A_57 : memref<1x128xi32, #tpu.memory_space<vmem>> -> memref<128xi32, #tpu.memory_space<vmem>>
        %dma_wait3A_59 = arith.constant 0 : i32
        %dma_wait3A_60 = arith.constant 0 : i32
        %dma_wait3A_61 = tpu.memref_slice %arg6[%dma_wait3A_59, %dma_wait3A_60] : memref<10240x16xf32, #tpu.memory_space<vmem_shared>> -> memref<10240x16xf32, #tpu.memory_space<vmem_shared>>
        tpu.wait_indirect_dma semaphore(%run_scoped3A : memref<!tpu.dma_semaphore, #tpu.memory_space<semaphore_mem>>) src(%arg5 : memref<128x16xf32, #tpu.memory_space<vmem>>) dst(%dma_wait3A_61 : memref<10240x16xf32, #tpu.memory_space<vmem_shared>>)
        tpu.yield
      }) : () -> ()
    }
    %barrier3A_43 = arith.constant 0 : index
    tpu.barrier barrier_id(%barrier3A_43)
    %mul3A_44 = arith.constant 640 : i32
    %mul3A_45 = arith.muli %arg1, %mul3A_44 : i32
    %mul3A_46 = arith.constant 10240 : i32
    %mul3A_47 = arith.muli %arg0, %mul3A_46 : i32
    %mul3A_48 = arith.constant 640 : i32
    %mul3A_49 = arith.muli %arg1, %mul3A_48 : i32
    %add3A_50 = arith.addi %mul3A_47, %mul3A_49 : i32
    "tpu.region"() ({
      %run_scoped3A = tpu.sem_alloc : memref<!tpu.dma_semaphore, #tpu.memory_space<semaphore_mem>>
      %dma_start3A = arith.constant 0 : i32
      %dma_start3A_51 = tpu.memref_slice %arg3[%add3A_50, %dma_start3A] : memref<20480x16xf32, #tpu.memory_space<hbm>> -> memref<640x16xf32, #tpu.memory_space<hbm>>
      %dma_start3A_52 = arith.constant 0 : i32
      %dma_start3A_53 = tpu.memref_slice %arg6[%mul3A_45, %dma_start3A_52] : memref<10240x16xf32, #tpu.memory_space<vmem_shared>> -> memref<640x16xf32, #tpu.memory_space<vmem_shared>>
      tpu.enqueue_dma source(%dma_start3A_53 : memref<640x16xf32, #tpu.memory_space<vmem_shared>>) target(%dma_start3A_51 : memref<640x16xf32, #tpu.memory_space<hbm>>) target_semaphore(%run_scoped3A : memref<!tpu.dma_semaphore, #tpu.memory_space<semaphore_mem>>)
      %dma_wait3A = arith.constant 0 : i32
      %dma_wait3A_54 = tpu.memref_slice %arg3[%add3A_50, %dma_wait3A] : memref<20480x16xf32, #tpu.memory_space<hbm>> -> memref<640x16xf32, #tpu.memory_space<hbm>>
      %dma_wait3A_55 = arith.constant 0 : i32
      %dma_wait3A_56 = tpu.memref_slice %arg6[%mul3A_45, %dma_wait3A_55] : memref<10240x16xf32, #tpu.memory_space<vmem_shared>> -> memref<640x16xf32, #tpu.memory_space<vmem_shared>>
      tpu.wait_dma2 semaphore(%run_scoped3A : memref<!tpu.dma_semaphore, #tpu.memory_space<semaphore_mem>>) src(%dma_wait3A_56 : memref<640x16xf32, #tpu.memory_space<vmem_shared>>) dst(%dma_wait3A_54 : memref<640x16xf32, #tpu.memory_space<hbm>>)
      tpu.yield
    }) : () -> ()
    return
  }
}

#map = affine_map<(d0, d1) -> (0, 0)>
#map1 = affine_map<(d0, d1) -> (0, 0, 0)>
module attributes {stable_mosaic.version = 14 : i64} {
  func.func @body(%arg0: i32, %arg1: i32, %arg2: memref<10240x128xf32, #tpu.memory_space<hbm>>, %arg3: memref<32x98x128xi32, #tpu.memory_space<hbm>>, %arg4: memref<32x98x128xi32, #tpu.memory_space<hbm>>, %arg5: memref<20480x128xf32, #tpu.memory_space<hbm>>, %arg6: memref<98x128xi32, #tpu.memory_space<vmem>>, %arg7: memref<98x128xi32, #tpu.memory_space<vmem>>, %arg8: memref<128x128xf32, #tpu.memory_space<vmem>>, %arg9: memref<10240x128xf32, #tpu.memory_space<vmem_shared>>, %arg10: memref<!tpu.dma_semaphore, #tpu.memory_space<semaphore_mem>>) attributes {dimension_semantics = [#tpu.dimension_semantics<core_parallel>, #tpu.dimension_semantics<subcore_parallel>], iteration_bounds = array<i64: 2, 16>, scalar_prefetch = 0 : i64, scratch_operands = 5 : i64, tpu.core_type = #tpu.core_type<sc_vector_subcore>, window_params = [{transform_indices = #map}, {transform_indices = #map1}, {transform_indices = #map1}, {transform_indices = #map}]} {
    %mul3A = arith.constant 16 : i32
    %mul3A_0 = arith.muli %arg0, %mul3A : i32
    %add3A = arith.addi %mul3A_0, %arg1 : i32
    %scan3A = arith.constant 0 : i32
    %scan3A_1 = arith.constant 0 : i32
    %scan3A_2 = arith.constant 128 : i32
    %scan3A_3 = arith.addi %scan3A_1, %scan3A_2 : i32
    %scan3A_4 = arith.constant 1 : i32
    scf.for %scan3A_45 = %scan3A_1 to %scan3A_3 step %scan3A_4  : i32 {
      %broadcast_in_dim3A = arith.constant 0.000000e+00 : f32
      %broadcast_in_dim3A_46 = vector.broadcast %broadcast_in_dim3A : f32 to vector<16xf32>
      %swap3A = arith.index_cast %scan3A_45 : i32 to index
      %swap3A_47 = arith.constant 0 : index
      %swap3A_48 = tpu.vector_load %arg8[%swap3A, %swap3A_47] {strides = array<i32>} : memref<128x128xf32, #tpu.memory_space<vmem>>, vector<1x16xf32>,
      %swap3A_49 = vector.shape_cast %swap3A_48 : vector<1x16xf32> to vector<16xf32>
      %swap3A_50 = vector.shape_cast %broadcast_in_dim3A_46 : vector<16xf32> to vector<1x16xf32>
      tpu.vector_store %arg8[%swap3A, %swap3A_47], %swap3A_50 {strides = array<i32>} : memref<128x128xf32, #tpu.memory_space<vmem>>, vector<1x16xf32>,
      %broadcast_in_dim3A_51 = arith.constant 0.000000e+00 : f32
      %broadcast_in_dim3A_52 = vector.broadcast %broadcast_in_dim3A_51 : f32 to vector<16xf32>
      %swap3A_53 = arith.index_cast %scan3A_45 : i32 to index
      %swap3A_54 = arith.constant 16 : index
      %swap3A_55 = tpu.vector_load %arg8[%swap3A_53, %swap3A_54] {strides = array<i32>} : memref<128x128xf32, #tpu.memory_space<vmem>>, vector<1x16xf32>,
      %swap3A_56 = vector.shape_cast %swap3A_55 : vector<1x16xf32> to vector<16xf32>
      %swap3A_57 = vector.shape_cast %broadcast_in_dim3A_52 : vector<16xf32> to vector<1x16xf32>
      tpu.vector_store %arg8[%swap3A_53, %swap3A_54], %swap3A_57 {strides = array<i32>} : memref<128x128xf32, #tpu.memory_space<vmem>>, vector<1x16xf32>,
      %broadcast_in_dim3A_58 = arith.constant 0.000000e+00 : f32
      %broadcast_in_dim3A_59 = vector.broadcast %broadcast_in_dim3A_58 : f32 to vector<16xf32>
      %swap3A_60 = arith.index_cast %scan3A_45 : i32 to index
      %swap3A_61 = arith.constant 32 : index
      %swap3A_62 = tpu.vector_load %arg8[%swap3A_60, %swap3A_61] {strides = array<i32>} : memref<128x128xf32, #tpu.memory_space<vmem>>, vector<1x16xf32>,
      %swap3A_63 = vector.shape_cast %swap3A_62 : vector<1x16xf32> to vector<16xf32>
      %swap3A_64 = vector.shape_cast %broadcast_in_dim3A_59 : vector<16xf32> to vector<1x16xf32>
      tpu.vector_store %arg8[%swap3A_60, %swap3A_61], %swap3A_64 {strides = array<i32>} : memref<128x128xf32, #tpu.memory_space<vmem>>, vector<1x16xf32>,
      %broadcast_in_dim3A_65 = arith.constant 0.000000e+00 : f32
      %broadcast_in_dim3A_66 = vector.broadcast %broadcast_in_dim3A_65 : f32 to vector<16xf32>
      %swap3A_67 = arith.index_cast %scan3A_45 : i32 to index
      %swap3A_68 = arith.constant 48 : index
      %swap3A_69 = tpu.vector_load %arg8[%swap3A_67, %swap3A_68] {strides = array<i32>} : memref<128x128xf32, #tpu.memory_space<vmem>>, vector<1x16xf32>,
      %swap3A_70 = vector.shape_cast %swap3A_69 : vector<1x16xf32> to vector<16xf32>
      %swap3A_71 = vector.shape_cast %broadcast_in_dim3A_66 : vector<16xf32> to vector<1x16xf32>
      tpu.vector_store %arg8[%swap3A_67, %swap3A_68], %swap3A_71 {strides = array<i32>} : memref<128x128xf32, #tpu.memory_space<vmem>>, vector<1x16xf32>,
      %broadcast_in_dim3A_72 = arith.constant 0.000000e+00 : f32
      %broadcast_in_dim3A_73 = vector.broadcast %broadcast_in_dim3A_72 : f32 to vector<16xf32>
      %swap3A_74 = arith.index_cast %scan3A_45 : i32 to index
      %swap3A_75 = arith.constant 64 : index
      %swap3A_76 = tpu.vector_load %arg8[%swap3A_74, %swap3A_75] {strides = array<i32>} : memref<128x128xf32, #tpu.memory_space<vmem>>, vector<1x16xf32>,
      %swap3A_77 = vector.shape_cast %swap3A_76 : vector<1x16xf32> to vector<16xf32>
      %swap3A_78 = vector.shape_cast %broadcast_in_dim3A_73 : vector<16xf32> to vector<1x16xf32>
      tpu.vector_store %arg8[%swap3A_74, %swap3A_75], %swap3A_78 {strides = array<i32>} : memref<128x128xf32, #tpu.memory_space<vmem>>, vector<1x16xf32>,
      %broadcast_in_dim3A_79 = arith.constant 0.000000e+00 : f32
      %broadcast_in_dim3A_80 = vector.broadcast %broadcast_in_dim3A_79 : f32 to vector<16xf32>
      %swap3A_81 = arith.index_cast %scan3A_45 : i32 to index
      %swap3A_82 = arith.constant 80 : index
      %swap3A_83 = tpu.vector_load %arg8[%swap3A_81, %swap3A_82] {strides = array<i32>} : memref<128x128xf32, #tpu.memory_space<vmem>>, vector<1x16xf32>,
      %swap3A_84 = vector.shape_cast %swap3A_83 : vector<1x16xf32> to vector<16xf32>
      %swap3A_85 = vector.shape_cast %broadcast_in_dim3A_80 : vector<16xf32> to vector<1x16xf32>
      tpu.vector_store %arg8[%swap3A_81, %swap3A_82], %swap3A_85 {strides = array<i32>} : memref<128x128xf32, #tpu.memory_space<vmem>>, vector<1x16xf32>,
      %broadcast_in_dim3A_86 = arith.constant 0.000000e+00 : f32
      %broadcast_in_dim3A_87 = vector.broadcast %broadcast_in_dim3A_86 : f32 to vector<16xf32>
      %swap3A_88 = arith.index_cast %scan3A_45 : i32 to index
      %swap3A_89 = arith.constant 96 : index
      %swap3A_90 = tpu.vector_load %arg8[%swap3A_88, %swap3A_89] {strides = array<i32>} : memref<128x128xf32, #tpu.memory_space<vmem>>, vector<1x16xf32>,
      %swap3A_91 = vector.shape_cast %swap3A_90 : vector<1x16xf32> to vector<16xf32>
      %swap3A_92 = vector.shape_cast %broadcast_in_dim3A_87 : vector<16xf32> to vector<1x16xf32>
      tpu.vector_store %arg8[%swap3A_88, %swap3A_89], %swap3A_92 {strides = array<i32>} : memref<128x128xf32, #tpu.memory_space<vmem>>, vector<1x16xf32>,
      %broadcast_in_dim3A_93 = arith.constant 0.000000e+00 : f32
      %broadcast_in_dim3A_94 = vector.broadcast %broadcast_in_dim3A_93 : f32 to vector<16xf32>
      %swap3A_95 = arith.index_cast %scan3A_45 : i32 to index
      %swap3A_96 = arith.constant 112 : index
      %swap3A_97 = tpu.vector_load %arg8[%swap3A_95, %swap3A_96] {strides = array<i32>} : memref<128x128xf32, #tpu.memory_space<vmem>>, vector<1x16xf32>,
      %swap3A_98 = vector.shape_cast %swap3A_97 : vector<1x16xf32> to vector<16xf32>
      %swap3A_99 = vector.shape_cast %broadcast_in_dim3A_94 : vector<16xf32> to vector<1x16xf32>
      tpu.vector_store %arg8[%swap3A_95, %swap3A_96], %swap3A_99 {strides = array<i32>} : memref<128x128xf32, #tpu.memory_space<vmem>>, vector<1x16xf32>,
    }
    %scan3A_5 = arith.constant 128 : i32
    %mul3A_6 = arith.constant 640 : i32
    %mul3A_7 = arith.muli %arg1, %mul3A_6 : i32
    %add3A_8 = arith.constant 0 : i32
    %add3A_9 = arith.addi %mul3A_7, %add3A_8 : i32
    "tpu.region"() ({
      %run_scoped3A = tpu.sem_alloc : memref<!tpu.dma_semaphore, #tpu.memory_space<semaphore_mem>>
      %dma_start3A = arith.constant 0 : i32
      %dma_start3A_45 = tpu.memref_slice %arg9[%add3A_9, %dma_start3A] : memref<10240x128xf32, #tpu.memory_space<vmem_shared>> -> memref<128x128xf32, #tpu.memory_space<vmem_shared>>
      %dma_start3A_46 = arith.constant 0 : i32
      %dma_start3A_47 = tpu.memref_slice %arg9[%add3A_9, %dma_start3A_46] : memref<10240x128xf32, #tpu.memory_space<vmem_shared>> -> memref<128x128xf32, #tpu.memory_space<vmem_shared>>
      tpu.enqueue_dma source(%arg8 : memref<128x128xf32, #tpu.memory_space<vmem>>) target(%dma_start3A_47 : memref<128x128xf32, #tpu.memory_space<vmem_shared>>) target_semaphore(%run_scoped3A : memref<!tpu.dma_semaphore, #tpu.memory_space<semaphore_mem>>)
      %dma_wait3A = arith.constant 0 : i32
      %dma_wait3A_48 = tpu.memref_slice %arg9[%add3A_9, %dma_wait3A] : memref<10240x128xf32, #tpu.memory_space<vmem_shared>> -> memref<128x128xf32, #tpu.memory_space<vmem_shared>>
      %dma_wait3A_49 = arith.constant 0 : i32
      %dma_wait3A_50 = tpu.memref_slice %arg9[%add3A_9, %dma_wait3A_49] : memref<10240x128xf32, #tpu.memory_space<vmem_shared>> -> memref<128x128xf32, #tpu.memory_space<vmem_shared>>
      tpu.wait_dma2 semaphore(%run_scoped3A : memref<!tpu.dma_semaphore, #tpu.memory_space<semaphore_mem>>) src(%arg8 : memref<128x128xf32, #tpu.memory_space<vmem>>) dst(%dma_wait3A_50 : memref<128x128xf32, #tpu.memory_space<vmem_shared>>)
      tpu.yield
    }) : () -> ()
    %mul3A_10 = arith.constant 640 : i32
    %mul3A_11 = arith.muli %arg1, %mul3A_10 : i32
    %add3A_12 = arith.constant 128 : i32
    %add3A_13 = arith.addi %mul3A_11, %add3A_12 : i32
    "tpu.region"() ({
      %run_scoped3A = tpu.sem_alloc : memref<!tpu.dma_semaphore, #tpu.memory_space<semaphore_mem>>
      %dma_start3A = arith.constant 0 : i32
      %dma_start3A_45 = tpu.memref_slice %arg9[%add3A_13, %dma_start3A] : memref<10240x128xf32, #tpu.memory_space<vmem_shared>> -> memref<128x128xf32, #tpu.memory_space<vmem_shared>>
      %dma_start3A_46 = arith.constant 0 : i32
      %dma_start3A_47 = tpu.memref_slice %arg9[%add3A_13, %dma_start3A_46] : memref<10240x128xf32, #tpu.memory_space<vmem_shared>> -> memref<128x128xf32, #tpu.memory_space<vmem_shared>>
      tpu.enqueue_dma source(%arg8 : memref<128x128xf32, #tpu.memory_space<vmem>>) target(%dma_start3A_47 : memref<128x128xf32, #tpu.memory_space<vmem_shared>>) target_semaphore(%run_scoped3A : memref<!tpu.dma_semaphore, #tpu.memory_space<semaphore_mem>>)
      %dma_wait3A = arith.constant 0 : i32
      %dma_wait3A_48 = tpu.memref_slice %arg9[%add3A_13, %dma_wait3A] : memref<10240x128xf32, #tpu.memory_space<vmem_shared>> -> memref<128x128xf32, #tpu.memory_space<vmem_shared>>
      %dma_wait3A_49 = arith.constant 0 : i32
      %dma_wait3A_50 = tpu.memref_slice %arg9[%add3A_13, %dma_wait3A_49] : memref<10240x128xf32, #tpu.memory_space<vmem_shared>> -> memref<128x128xf32, #tpu.memory_space<vmem_shared>>
      tpu.wait_dma2 semaphore(%run_scoped3A : memref<!tpu.dma_semaphore, #tpu.memory_space<semaphore_mem>>) src(%arg8 : memref<128x128xf32, #tpu.memory_space<vmem>>) dst(%dma_wait3A_50 : memref<128x128xf32, #tpu.memory_space<vmem_shared>>)
      tpu.yield
    }) : () -> ()
    %mul3A_14 = arith.constant 640 : i32
    %mul3A_15 = arith.muli %arg1, %mul3A_14 : i32
    %add3A_16 = arith.constant 256 : i32
    %add3A_17 = arith.addi %mul3A_15, %add3A_16 : i32
    "tpu.region"() ({
      %run_scoped3A = tpu.sem_alloc : memref<!tpu.dma_semaphore, #tpu.memory_space<semaphore_mem>>
      %dma_start3A = arith.constant 0 : i32
      %dma_start3A_45 = tpu.memref_slice %arg9[%add3A_17, %dma_start3A] : memref<10240x128xf32, #tpu.memory_space<vmem_shared>> -> memref<128x128xf32, #tpu.memory_space<vmem_shared>>
      %dma_start3A_46 = arith.constant 0 : i32
      %dma_start3A_47 = tpu.memref_slice %arg9[%add3A_17, %dma_start3A_46] : memref<10240x128xf32, #tpu.memory_space<vmem_shared>> -> memref<128x128xf32, #tpu.memory_space<vmem_shared>>
      tpu.enqueue_dma source(%arg8 : memref<128x128xf32, #tpu.memory_space<vmem>>) target(%dma_start3A_47 : memref<128x128xf32, #tpu.memory_space<vmem_shared>>) target_semaphore(%run_scoped3A : memref<!tpu.dma_semaphore, #tpu.memory_space<semaphore_mem>>)
      %dma_wait3A = arith.constant 0 : i32
      %dma_wait3A_48 = tpu.memref_slice %arg9[%add3A_17, %dma_wait3A] : memref<10240x128xf32, #tpu.memory_space<vmem_shared>> -> memref<128x128xf32, #tpu.memory_space<vmem_shared>>
      %dma_wait3A_49 = arith.constant 0 : i32
      %dma_wait3A_50 = tpu.memref_slice %arg9[%add3A_17, %dma_wait3A_49] : memref<10240x128xf32, #tpu.memory_space<vmem_shared>> -> memref<128x128xf32, #tpu.memory_space<vmem_shared>>
      tpu.wait_dma2 semaphore(%run_scoped3A : memref<!tpu.dma_semaphore, #tpu.memory_space<semaphore_mem>>) src(%arg8 : memref<128x128xf32, #tpu.memory_space<vmem>>) dst(%dma_wait3A_50 : memref<128x128xf32, #tpu.memory_space<vmem_shared>>)
      tpu.yield
    }) : () -> ()
    %mul3A_18 = arith.constant 640 : i32
    %mul3A_19 = arith.muli %arg1, %mul3A_18 : i32
    %add3A_20 = arith.constant 384 : i32
    %add3A_21 = arith.addi %mul3A_19, %add3A_20 : i32
    "tpu.region"() ({
      %run_scoped3A = tpu.sem_alloc : memref<!tpu.dma_semaphore, #tpu.memory_space<semaphore_mem>>
      %dma_start3A = arith.constant 0 : i32
      %dma_start3A_45 = tpu.memref_slice %arg9[%add3A_21, %dma_start3A] : memref<10240x128xf32, #tpu.memory_space<vmem_shared>> -> memref<128x128xf32, #tpu.memory_space<vmem_shared>>
      %dma_start3A_46 = arith.constant 0 : i32
      %dma_start3A_47 = tpu.memref_slice %arg9[%add3A_21, %dma_start3A_46] : memref<10240x128xf32, #tpu.memory_space<vmem_shared>> -> memref<128x128xf32, #tpu.memory_space<vmem_shared>>
      tpu.enqueue_dma source(%arg8 : memref<128x128xf32, #tpu.memory_space<vmem>>) target(%dma_start3A_47 : memref<128x128xf32, #tpu.memory_space<vmem_shared>>) target_semaphore(%run_scoped3A : memref<!tpu.dma_semaphore, #tpu.memory_space<semaphore_mem>>)
      %dma_wait3A = arith.constant 0 : i32
      %dma_wait3A_48 = tpu.memref_slice %arg9[%add3A_21, %dma_wait3A] : memref<10240x128xf32, #tpu.memory_space<vmem_shared>> -> memref<128x128xf32, #tpu.memory_space<vmem_shared>>
      %dma_wait3A_49 = arith.constant 0 : i32
      %dma_wait3A_50 = tpu.memref_slice %arg9[%add3A_21, %dma_wait3A_49] : memref<10240x128xf32, #tpu.memory_space<vmem_shared>> -> memref<128x128xf32, #tpu.memory_space<vmem_shared>>
      tpu.wait_dma2 semaphore(%run_scoped3A : memref<!tpu.dma_semaphore, #tpu.memory_space<semaphore_mem>>) src(%arg8 : memref<128x128xf32, #tpu.memory_space<vmem>>) dst(%dma_wait3A_50 : memref<128x128xf32, #tpu.memory_space<vmem_shared>>)
      tpu.yield
    }) : () -> ()
    %mul3A_22 = arith.constant 640 : i32
    %mul3A_23 = arith.muli %arg1, %mul3A_22 : i32
    %add3A_24 = arith.constant 512 : i32
    %add3A_25 = arith.addi %mul3A_23, %add3A_24 : i32
    "tpu.region"() ({
      %run_scoped3A = tpu.sem_alloc : memref<!tpu.dma_semaphore, #tpu.memory_space<semaphore_mem>>
      %dma_start3A = arith.constant 0 : i32
      %dma_start3A_45 = tpu.memref_slice %arg9[%add3A_25, %dma_start3A] : memref<10240x128xf32, #tpu.memory_space<vmem_shared>> -> memref<128x128xf32, #tpu.memory_space<vmem_shared>>
      %dma_start3A_46 = arith.constant 0 : i32
      %dma_start3A_47 = tpu.memref_slice %arg9[%add3A_25, %dma_start3A_46] : memref<10240x128xf32, #tpu.memory_space<vmem_shared>> -> memref<128x128xf32, #tpu.memory_space<vmem_shared>>
      tpu.enqueue_dma source(%arg8 : memref<128x128xf32, #tpu.memory_space<vmem>>) target(%dma_start3A_47 : memref<128x128xf32, #tpu.memory_space<vmem_shared>>) target_semaphore(%run_scoped3A : memref<!tpu.dma_semaphore, #tpu.memory_space<semaphore_mem>>)
      %dma_wait3A = arith.constant 0 : i32
      %dma_wait3A_48 = tpu.memref_slice %arg9[%add3A_25, %dma_wait3A] : memref<10240x128xf32, #tpu.memory_space<vmem_shared>> -> memref<128x128xf32, #tpu.memory_space<vmem_shared>>
      %dma_wait3A_49 = arith.constant 0 : i32
      %dma_wait3A_50 = tpu.memref_slice %arg9[%add3A_25, %dma_wait3A_49] : memref<10240x128xf32, #tpu.memory_space<vmem_shared>> -> memref<128x128xf32, #tpu.memory_space<vmem_shared>>
      tpu.wait_dma2 semaphore(%run_scoped3A : memref<!tpu.dma_semaphore, #tpu.memory_space<semaphore_mem>>) src(%arg8 : memref<128x128xf32, #tpu.memory_space<vmem>>) dst(%dma_wait3A_50 : memref<128x128xf32, #tpu.memory_space<vmem_shared>>)
      tpu.yield
    }) : () -> ()
    "tpu.region"() ({
      %run_scoped3A = tpu.sem_alloc : memref<!tpu.dma_semaphore, #tpu.memory_space<semaphore_mem>>
      %dma_start3A = arith.constant 0 : i32
      %dma_start3A_45 = arith.constant 0 : i32
      %dma_start3A_46 = tpu.memref_slice %arg4[%add3A, %dma_start3A, %dma_start3A_45] : memref<32x98x128xi32, #tpu.memory_space<hbm>> -> memref<1x98x128xi32, #tpu.memory_space<hbm>>
      %dma_start3A_47 = tpu.memref_squeeze %dma_start3A_46 : memref<1x98x128xi32, #tpu.memory_space<hbm>> -> memref<98x128xi32, #tpu.memory_space<hbm>>
      %dma_start3A_48 = arith.constant 0 : i32
      %dma_start3A_49 = arith.constant 0 : i32
      %dma_start3A_50 = tpu.memref_slice %arg4[%add3A, %dma_start3A_48, %dma_start3A_49] : memref<32x98x128xi32, #tpu.memory_space<hbm>> -> memref<1x98x128xi32, #tpu.memory_space<hbm>>
      %dma_start3A_51 = tpu.memref_squeeze %dma_start3A_50 : memref<1x98x128xi32, #tpu.memory_space<hbm>> -> memref<98x128xi32, #tpu.memory_space<hbm>>
      tpu.enqueue_dma source(%dma_start3A_51 : memref<98x128xi32, #tpu.memory_space<hbm>>) target(%arg7 : memref<98x128xi32, #tpu.memory_space<vmem>>) target_semaphore(%run_scoped3A : memref<!tpu.dma_semaphore, #tpu.memory_space<semaphore_mem>>)
      %dma_wait3A = arith.constant 0 : i32
      %dma_wait3A_52 = arith.constant 0 : i32
      %dma_wait3A_53 = tpu.memref_slice %arg4[%add3A, %dma_wait3A, %dma_wait3A_52] : memref<32x98x128xi32, #tpu.memory_space<hbm>> -> memref<1x98x128xi32, #tpu.memory_space<hbm>>
      %dma_wait3A_54 = tpu.memref_squeeze %dma_wait3A_53 : memref<1x98x128xi32, #tpu.memory_space<hbm>> -> memref<98x128xi32, #tpu.memory_space<hbm>>
      %dma_wait3A_55 = arith.constant 0 : i32
      %dma_wait3A_56 = arith.constant 0 : i32
      %dma_wait3A_57 = tpu.memref_slice %arg4[%add3A, %dma_wait3A_55, %dma_wait3A_56] : memref<32x98x128xi32, #tpu.memory_space<hbm>> -> memref<1x98x128xi32, #tpu.memory_space<hbm>>
      %dma_wait3A_58 = tpu.memref_squeeze %dma_wait3A_57 : memref<1x98x128xi32, #tpu.memory_space<hbm>> -> memref<98x128xi32, #tpu.memory_space<hbm>>
      tpu.wait_dma2 semaphore(%run_scoped3A : memref<!tpu.dma_semaphore, #tpu.memory_space<semaphore_mem>>) src(%dma_wait3A_58 : memref<98x128xi32, #tpu.memory_space<hbm>>) dst(%arg7 : memref<98x128xi32, #tpu.memory_space<vmem>>)
      tpu.yield
    }) : () -> ()
    "tpu.region"() ({
      %run_scoped3A = tpu.sem_alloc : memref<!tpu.dma_semaphore, #tpu.memory_space<semaphore_mem>>
      %dma_start3A = arith.constant 0 : i32
      %dma_start3A_45 = arith.constant 0 : i32
      %dma_start3A_46 = tpu.memref_slice %arg3[%add3A, %dma_start3A, %dma_start3A_45] : memref<32x98x128xi32, #tpu.memory_space<hbm>> -> memref<1x98x128xi32, #tpu.memory_space<hbm>>
      %dma_start3A_47 = tpu.memref_squeeze %dma_start3A_46 : memref<1x98x128xi32, #tpu.memory_space<hbm>> -> memref<98x128xi32, #tpu.memory_space<hbm>>
      %dma_start3A_48 = arith.constant 0 : i32
      %dma_start3A_49 = arith.constant 0 : i32
      %dma_start3A_50 = tpu.memref_slice %arg3[%add3A, %dma_start3A_48, %dma_start3A_49] : memref<32x98x128xi32, #tpu.memory_space<hbm>> -> memref<1x98x128xi32, #tpu.memory_space<hbm>>
      %dma_start3A_51 = tpu.memref_squeeze %dma_start3A_50 : memref<1x98x128xi32, #tpu.memory_space<hbm>> -> memref<98x128xi32, #tpu.memory_space<hbm>>
      tpu.enqueue_dma source(%dma_start3A_51 : memref<98x128xi32, #tpu.memory_space<hbm>>) target(%arg6 : memref<98x128xi32, #tpu.memory_space<vmem>>) target_semaphore(%run_scoped3A : memref<!tpu.dma_semaphore, #tpu.memory_space<semaphore_mem>>)
      %dma_wait3A = arith.constant 0 : i32
      %dma_wait3A_52 = arith.constant 0 : i32
      %dma_wait3A_53 = tpu.memref_slice %arg3[%add3A, %dma_wait3A, %dma_wait3A_52] : memref<32x98x128xi32, #tpu.memory_space<hbm>> -> memref<1x98x128xi32, #tpu.memory_space<hbm>>
      %dma_wait3A_54 = tpu.memref_squeeze %dma_wait3A_53 : memref<1x98x128xi32, #tpu.memory_space<hbm>> -> memref<98x128xi32, #tpu.memory_space<hbm>>
      %dma_wait3A_55 = arith.constant 0 : i32
      %dma_wait3A_56 = arith.constant 0 : i32
      %dma_wait3A_57 = tpu.memref_slice %arg3[%add3A, %dma_wait3A_55, %dma_wait3A_56] : memref<32x98x128xi32, #tpu.memory_space<hbm>> -> memref<1x98x128xi32, #tpu.memory_space<hbm>>
      %dma_wait3A_58 = tpu.memref_squeeze %dma_wait3A_57 : memref<1x98x128xi32, #tpu.memory_space<hbm>> -> memref<98x128xi32, #tpu.memory_space<hbm>>
      tpu.wait_dma2 semaphore(%run_scoped3A : memref<!tpu.dma_semaphore, #tpu.memory_space<semaphore_mem>>) src(%dma_wait3A_58 : memref<98x128xi32, #tpu.memory_space<hbm>>) dst(%arg6 : memref<98x128xi32, #tpu.memory_space<vmem>>)
      tpu.yield
    }) : () -> ()
    %barrier3A = arith.constant 0 : index
    tpu.barrier barrier_id(%barrier3A)
    %eq3A = arith.constant 0 : i32
    %eq3A_26 = arith.cmpi eq, %arg0, %eq3A : i32
    %jit3A = arith.constant 98 : i32
    %jit3A_27 = arith.constant 59 : i32
    %select_n3A = arith.select %eq3A_26, %jit3A, %jit3A_27 : i32
    %while3A = arith.constant 0 : i32
    %while3A_28 = arith.constant 0 : i32
    %while3A_29 = arith.subi %select_n3A, %while3A_28 : i32
    %while3A_30 = arith.addi %while3A_28, %while3A_29 : i32
    %while3A_31 = arith.constant 1 : i32
    %while3A_32 = arith.divsi %while3A_29, %while3A_31 : i32
    %while3A_33 = arith.muli %while3A_32, %while3A_31 : i32
    %while3A_34 = arith.addi %while3A_28, %while3A_33 : i32
    %while3A_35 = arith.constant 1 : i32
    scf.for %while3A_45 = %while3A_28 to %while3A_34 step %while3A_35  : i32 {
      %dma_start3A = arith.constant 0 : i32
      %dma_start3A_46 = tpu.memref_slice %arg6[%while3A_45, %dma_start3A] : memref<98x128xi32, #tpu.memory_space<vmem>> -> memref<1x128xi32, #tpu.memory_space<vmem>>
      %dma_start3A_47 = tpu.memref_squeeze %dma_start3A_46 : memref<1x128xi32, #tpu.memory_space<vmem>> -> memref<128xi32, #tpu.memory_space<vmem>>
      %dma_start3A_48 = arith.constant 0 : i32
      %dma_start3A_49 = arith.constant 0 : i32
      %dma_start3A_50 = tpu.memref_slice %arg2[%dma_start3A_48, %dma_start3A_49] : memref<10240x128xf32, #tpu.memory_space<hbm>> -> memref<10240x128xf32, #tpu.memory_space<hbm>>
      tpu.enqueue_indirect_dma source(%dma_start3A_50 : memref<10240x128xf32, #tpu.memory_space<hbm>>) target(%arg8 : memref<128x128xf32, #tpu.memory_space<vmem>>) offsets(%dma_start3A_47 : memref<128xi32, #tpu.memory_space<vmem>>) semaphore(%arg10 : memref<!tpu.dma_semaphore, #tpu.memory_space<semaphore_mem>>)
      %dma_wait3A = arith.constant 0 : i32
      %dma_wait3A_51 = tpu.memref_slice %arg6[%while3A_45, %dma_wait3A] : memref<98x128xi32, #tpu.memory_space<vmem>> -> memref<1x128xi32, #tpu.memory_space<vmem>>
      %dma_wait3A_52 = tpu.memref_squeeze %dma_wait3A_51 : memref<1x128xi32, #tpu.memory_space<vmem>> -> memref<128xi32, #tpu.memory_space<vmem>>
      %dma_wait3A_53 = arith.constant 0 : i32
      %dma_wait3A_54 = arith.constant 0 : i32
      %dma_wait3A_55 = tpu.memref_slice %arg2[%dma_wait3A_53, %dma_wait3A_54] : memref<10240x128xf32, #tpu.memory_space<hbm>> -> memref<10240x128xf32, #tpu.memory_space<hbm>>
      tpu.wait_indirect_dma semaphore(%arg10 : memref<!tpu.dma_semaphore, #tpu.memory_space<semaphore_mem>>) src(%dma_wait3A_55 : memref<10240x128xf32, #tpu.memory_space<hbm>>) dst(%arg8 : memref<128x128xf32, #tpu.memory_space<vmem>>)
      "tpu.region"() ({
        %run_scoped3A = tpu.sem_alloc : memref<!tpu.dma_semaphore, #tpu.memory_space<semaphore_mem>>
        %dma_start3A_56 = arith.constant 0 : i32
        %dma_start3A_57 = tpu.memref_slice %arg7[%while3A_45, %dma_start3A_56] : memref<98x128xi32, #tpu.memory_space<vmem>> -> memref<1x128xi32, #tpu.memory_space<vmem>>
        %dma_start3A_58 = tpu.memref_squeeze %dma_start3A_57 : memref<1x128xi32, #tpu.memory_space<vmem>> -> memref<128xi32, #tpu.memory_space<vmem>>
        %dma_start3A_59 = arith.constant 0 : i32
        %dma_start3A_60 = arith.constant 0 : i32
        %dma_start3A_61 = tpu.memref_slice %arg9[%dma_start3A_59, %dma_start3A_60] : memref<10240x128xf32, #tpu.memory_space<vmem_shared>> -> memref<10240x128xf32, #tpu.memory_space<vmem_shared>>
        tpu.enqueue_indirect_dma source(%arg8 : memref<128x128xf32, #tpu.memory_space<vmem>>) target(%dma_start3A_61 : memref<10240x128xf32, #tpu.memory_space<vmem_shared>>) offsets(%dma_start3A_58 : memref<128xi32, #tpu.memory_space<vmem>>) semaphore(%run_scoped3A : memref<!tpu.dma_semaphore, #tpu.memory_space<semaphore_mem>>) {add = true}
        %dma_wait3A_62 = arith.constant 0 : i32
        %dma_wait3A_63 = tpu.memref_slice %arg7[%while3A_45, %dma_wait3A_62] : memref<98x128xi32, #tpu.memory_space<vmem>> -> memref<1x128xi32, #tpu.memory_space<vmem>>
        %dma_wait3A_64 = tpu.memref_squeeze %dma_wait3A_63 : memref<1x128xi32, #tpu.memory_space<vmem>> -> memref<128xi32, #tpu.memory_space<vmem>>
        %dma_wait3A_65 = arith.constant 0 : i32
        %dma_wait3A_66 = arith.constant 0 : i32
        %dma_wait3A_67 = tpu.memref_slice %arg9[%dma_wait3A_65, %dma_wait3A_66] : memref<10240x128xf32, #tpu.memory_space<vmem_shared>> -> memref<10240x128xf32, #tpu.memory_space<vmem_shared>>
        tpu.wait_indirect_dma semaphore(%run_scoped3A : memref<!tpu.dma_semaphore, #tpu.memory_space<semaphore_mem>>) src(%arg8 : memref<128x128xf32, #tpu.memory_space<vmem>>) dst(%dma_wait3A_67 : memref<10240x128xf32, #tpu.memory_space<vmem_shared>>)
        tpu.yield
      }) : () -> ()
    }
    %while3A_36 = arith.constant 1 : i32
    scf.for %while3A_45 = %while3A_34 to %while3A_30 step %while3A_36  : i32 {
      %dma_start3A = arith.constant 0 : i32
      %dma_start3A_46 = tpu.memref_slice %arg6[%while3A_45, %dma_start3A] : memref<98x128xi32, #tpu.memory_space<vmem>> -> memref<1x128xi32, #tpu.memory_space<vmem>>
      %dma_start3A_47 = tpu.memref_squeeze %dma_start3A_46 : memref<1x128xi32, #tpu.memory_space<vmem>> -> memref<128xi32, #tpu.memory_space<vmem>>
      %dma_start3A_48 = arith.constant 0 : i32
      %dma_start3A_49 = arith.constant 0 : i32
      %dma_start3A_50 = tpu.memref_slice %arg2[%dma_start3A_48, %dma_start3A_49] : memref<10240x128xf32, #tpu.memory_space<hbm>> -> memref<10240x128xf32, #tpu.memory_space<hbm>>
      tpu.enqueue_indirect_dma source(%dma_start3A_50 : memref<10240x128xf32, #tpu.memory_space<hbm>>) target(%arg8 : memref<128x128xf32, #tpu.memory_space<vmem>>) offsets(%dma_start3A_47 : memref<128xi32, #tpu.memory_space<vmem>>) semaphore(%arg10 : memref<!tpu.dma_semaphore, #tpu.memory_space<semaphore_mem>>)
      %dma_wait3A = arith.constant 0 : i32
      %dma_wait3A_51 = tpu.memref_slice %arg6[%while3A_45, %dma_wait3A] : memref<98x128xi32, #tpu.memory_space<vmem>> -> memref<1x128xi32, #tpu.memory_space<vmem>>
      %dma_wait3A_52 = tpu.memref_squeeze %dma_wait3A_51 : memref<1x128xi32, #tpu.memory_space<vmem>> -> memref<128xi32, #tpu.memory_space<vmem>>
      %dma_wait3A_53 = arith.constant 0 : i32
      %dma_wait3A_54 = arith.constant 0 : i32
      %dma_wait3A_55 = tpu.memref_slice %arg2[%dma_wait3A_53, %dma_wait3A_54] : memref<10240x128xf32, #tpu.memory_space<hbm>> -> memref<10240x128xf32, #tpu.memory_space<hbm>>
      tpu.wait_indirect_dma semaphore(%arg10 : memref<!tpu.dma_semaphore, #tpu.memory_space<semaphore_mem>>) src(%dma_wait3A_55 : memref<10240x128xf32, #tpu.memory_space<hbm>>) dst(%arg8 : memref<128x128xf32, #tpu.memory_space<vmem>>)
      "tpu.region"() ({
        %run_scoped3A = tpu.sem_alloc : memref<!tpu.dma_semaphore, #tpu.memory_space<semaphore_mem>>
        %dma_start3A_56 = arith.constant 0 : i32
        %dma_start3A_57 = tpu.memref_slice %arg7[%while3A_45, %dma_start3A_56] : memref<98x128xi32, #tpu.memory_space<vmem>> -> memref<1x128xi32, #tpu.memory_space<vmem>>
        %dma_start3A_58 = tpu.memref_squeeze %dma_start3A_57 : memref<1x128xi32, #tpu.memory_space<vmem>> -> memref<128xi32, #tpu.memory_space<vmem>>
        %dma_start3A_59 = arith.constant 0 : i32
        %dma_start3A_60 = arith.constant 0 : i32
        %dma_start3A_61 = tpu.memref_slice %arg9[%dma_start3A_59, %dma_start3A_60] : memref<10240x128xf32, #tpu.memory_space<vmem_shared>> -> memref<10240x128xf32, #tpu.memory_space<vmem_shared>>
        tpu.enqueue_indirect_dma source(%arg8 : memref<128x128xf32, #tpu.memory_space<vmem>>) target(%dma_start3A_61 : memref<10240x128xf32, #tpu.memory_space<vmem_shared>>) offsets(%dma_start3A_58 : memref<128xi32, #tpu.memory_space<vmem>>) semaphore(%run_scoped3A : memref<!tpu.dma_semaphore, #tpu.memory_space<semaphore_mem>>) {add = true}
        %dma_wait3A_62 = arith.constant 0 : i32
        %dma_wait3A_63 = tpu.memref_slice %arg7[%while3A_45, %dma_wait3A_62] : memref<98x128xi32, #tpu.memory_space<vmem>> -> memref<1x128xi32, #tpu.memory_space<vmem>>
        %dma_wait3A_64 = tpu.memref_squeeze %dma_wait3A_63 : memref<1x128xi32, #tpu.memory_space<vmem>> -> memref<128xi32, #tpu.memory_space<vmem>>
        %dma_wait3A_65 = arith.constant 0 : i32
        %dma_wait3A_66 = arith.constant 0 : i32
        %dma_wait3A_67 = tpu.memref_slice %arg9[%dma_wait3A_65, %dma_wait3A_66] : memref<10240x128xf32, #tpu.memory_space<vmem_shared>> -> memref<10240x128xf32, #tpu.memory_space<vmem_shared>>
        tpu.wait_indirect_dma semaphore(%run_scoped3A : memref<!tpu.dma_semaphore, #tpu.memory_space<semaphore_mem>>) src(%arg8 : memref<128x128xf32, #tpu.memory_space<vmem>>) dst(%dma_wait3A_67 : memref<10240x128xf32, #tpu.memory_space<vmem_shared>>)
        tpu.yield
      }) : () -> ()
    }
    %barrier3A_37 = arith.constant 0 : index
    tpu.barrier barrier_id(%barrier3A_37)
    %mul3A_38 = arith.constant 640 : i32
    %mul3A_39 = arith.muli %arg1, %mul3A_38 : i32
    %mul3A_40 = arith.constant 10240 : i32
    %mul3A_41 = arith.muli %arg0, %mul3A_40 : i32
    %mul3A_42 = arith.constant 640 : i32
    %mul3A_43 = arith.muli %arg1, %mul3A_42 : i32
    %add3A_44 = arith.addi %mul3A_41, %mul3A_43 : i32
    "tpu.region"() ({
      %run_scoped3A = tpu.sem_alloc : memref<!tpu.dma_semaphore, #tpu.memory_space<semaphore_mem>>
      %dma_start3A = arith.constant 0 : i32
      %dma_start3A_45 = tpu.memref_slice %arg5[%add3A_44, %dma_start3A] : memref<20480x128xf32, #tpu.memory_space<hbm>> -> memref<640x128xf32, #tpu.memory_space<hbm>>
      %dma_start3A_46 = arith.constant 0 : i32
      %dma_start3A_47 = tpu.memref_slice %arg9[%mul3A_39, %dma_start3A_46] : memref<10240x128xf32, #tpu.memory_space<vmem_shared>> -> memref<640x128xf32, #tpu.memory_space<vmem_shared>>
      tpu.enqueue_dma source(%dma_start3A_47 : memref<640x128xf32, #tpu.memory_space<vmem_shared>>) target(%dma_start3A_45 : memref<640x128xf32, #tpu.memory_space<hbm>>) target_semaphore(%run_scoped3A : memref<!tpu.dma_semaphore, #tpu.memory_space<semaphore_mem>>)
      %dma_wait3A = arith.constant 0 : i32
      %dma_wait3A_48 = tpu.memref_slice %arg5[%add3A_44, %dma_wait3A] : memref<20480x128xf32, #tpu.memory_space<hbm>> -> memref<640x128xf32, #tpu.memory_space<hbm>>
      %dma_wait3A_49 = arith.constant 0 : i32
      %dma_wait3A_50 = tpu.memref_slice %arg9[%mul3A_39, %dma_wait3A_49] : memref<10240x128xf32, #tpu.memory_space<vmem_shared>> -> memref<640x128xf32, #tpu.memory_space<vmem_shared>>
      tpu.wait_dma2 semaphore(%run_scoped3A : memref<!tpu.dma_semaphore, #tpu.memory_space<semaphore_mem>>) src(%dma_wait3A_50 : memref<640x128xf32, #tpu.memory_space<vmem_shared>>) dst(%dma_wait3A_48 : memref<640x128xf32, #tpu.memory_space<hbm>>)
      tpu.yield
    }) : () -> ()
    return
  }
}

#map = affine_map<(d0, d1) -> (0, 0)>
#map1 = affine_map<(d0, d1) -> (0, 0, 0)>
module attributes {stable_mosaic.version = 14 : i64} {
  func.func @body(%arg0: i32, %arg1: i32, %arg2: memref<10240x64xf32, #tpu.memory_space<hbm>>, %arg3: memref<32x98x128xi32, #tpu.memory_space<hbm>>, %arg4: memref<32x98x128xi32, #tpu.memory_space<hbm>>, %arg5: memref<20480x64xf32, #tpu.memory_space<hbm>>, %arg6: memref<98x128xi32, #tpu.memory_space<vmem>>, %arg7: memref<98x128xi32, #tpu.memory_space<vmem>>, %arg8: memref<128x64xf32, #tpu.memory_space<vmem>>, %arg9: memref<10240x64xf32, #tpu.memory_space<vmem_shared>>, %arg10: memref<!tpu.dma_semaphore, #tpu.memory_space<semaphore_mem>>) attributes {dimension_semantics = [#tpu.dimension_semantics<core_parallel>, #tpu.dimension_semantics<subcore_parallel>], iteration_bounds = array<i64: 2, 16>, scalar_prefetch = 0 : i64, scratch_operands = 5 : i64, tpu.core_type = #tpu.core_type<sc_vector_subcore>, window_params = [{transform_indices = #map}, {transform_indices = #map1}, {transform_indices = #map1}, {transform_indices = #map}]} {
    %mul3A = arith.constant 16 : i32
    %mul3A_0 = arith.muli %arg0, %mul3A : i32
    %add3A = arith.addi %mul3A_0, %arg1 : i32
    %scan3A = arith.constant 0 : i32
    %scan3A_1 = arith.constant 0 : i32
    %scan3A_2 = arith.constant 128 : i32
    %scan3A_3 = arith.addi %scan3A_1, %scan3A_2 : i32
    %scan3A_4 = arith.constant 1 : i32
    scf.for %scan3A_45 = %scan3A_1 to %scan3A_3 step %scan3A_4  : i32 {
      %broadcast_in_dim3A = arith.constant 0.000000e+00 : f32
      %broadcast_in_dim3A_46 = vector.broadcast %broadcast_in_dim3A : f32 to vector<16xf32>
      %swap3A = arith.index_cast %scan3A_45 : i32 to index
      %swap3A_47 = arith.constant 0 : index
      %swap3A_48 = tpu.vector_load %arg8[%swap3A, %swap3A_47] {strides = array<i32>} : memref<128x64xf32, #tpu.memory_space<vmem>>, vector<1x16xf32>,
      %swap3A_49 = vector.shape_cast %swap3A_48 : vector<1x16xf32> to vector<16xf32>
      %swap3A_50 = vector.shape_cast %broadcast_in_dim3A_46 : vector<16xf32> to vector<1x16xf32>
      tpu.vector_store %arg8[%swap3A, %swap3A_47], %swap3A_50 {strides = array<i32>} : memref<128x64xf32, #tpu.memory_space<vmem>>, vector<1x16xf32>,
      %broadcast_in_dim3A_51 = arith.constant 0.000000e+00 : f32
      %broadcast_in_dim3A_52 = vector.broadcast %broadcast_in_dim3A_51 : f32 to vector<16xf32>
      %swap3A_53 = arith.index_cast %scan3A_45 : i32 to index
      %swap3A_54 = arith.constant 16 : index
      %swap3A_55 = tpu.vector_load %arg8[%swap3A_53, %swap3A_54] {strides = array<i32>} : memref<128x64xf32, #tpu.memory_space<vmem>>, vector<1x16xf32>,
      %swap3A_56 = vector.shape_cast %swap3A_55 : vector<1x16xf32> to vector<16xf32>
      %swap3A_57 = vector.shape_cast %broadcast_in_dim3A_52 : vector<16xf32> to vector<1x16xf32>
      tpu.vector_store %arg8[%swap3A_53, %swap3A_54], %swap3A_57 {strides = array<i32>} : memref<128x64xf32, #tpu.memory_space<vmem>>, vector<1x16xf32>,
      %broadcast_in_dim3A_58 = arith.constant 0.000000e+00 : f32
      %broadcast_in_dim3A_59 = vector.broadcast %broadcast_in_dim3A_58 : f32 to vector<16xf32>
      %swap3A_60 = arith.index_cast %scan3A_45 : i32 to index
      %swap3A_61 = arith.constant 32 : index
      %swap3A_62 = tpu.vector_load %arg8[%swap3A_60, %swap3A_61] {strides = array<i32>} : memref<128x64xf32, #tpu.memory_space<vmem>>, vector<1x16xf32>,
      %swap3A_63 = vector.shape_cast %swap3A_62 : vector<1x16xf32> to vector<16xf32>
      %swap3A_64 = vector.shape_cast %broadcast_in_dim3A_59 : vector<16xf32> to vector<1x16xf32>
      tpu.vector_store %arg8[%swap3A_60, %swap3A_61], %swap3A_64 {strides = array<i32>} : memref<128x64xf32, #tpu.memory_space<vmem>>, vector<1x16xf32>,
      %broadcast_in_dim3A_65 = arith.constant 0.000000e+00 : f32
      %broadcast_in_dim3A_66 = vector.broadcast %broadcast_in_dim3A_65 : f32 to vector<16xf32>
      %swap3A_67 = arith.index_cast %scan3A_45 : i32 to index
      %swap3A_68 = arith.constant 48 : index
      %swap3A_69 = tpu.vector_load %arg8[%swap3A_67, %swap3A_68] {strides = array<i32>} : memref<128x64xf32, #tpu.memory_space<vmem>>, vector<1x16xf32>,
      %swap3A_70 = vector.shape_cast %swap3A_69 : vector<1x16xf32> to vector<16xf32>
      %swap3A_71 = vector.shape_cast %broadcast_in_dim3A_66 : vector<16xf32> to vector<1x16xf32>
      tpu.vector_store %arg8[%swap3A_67, %swap3A_68], %swap3A_71 {strides = array<i32>} : memref<128x64xf32, #tpu.memory_space<vmem>>, vector<1x16xf32>,
    }
    %scan3A_5 = arith.constant 128 : i32
    %mul3A_6 = arith.constant 640 : i32
    %mul3A_7 = arith.muli %arg1, %mul3A_6 : i32
    %add3A_8 = arith.constant 0 : i32
    %add3A_9 = arith.addi %mul3A_7, %add3A_8 : i32
    "tpu.region"() ({
      %run_scoped3A = tpu.sem_alloc : memref<!tpu.dma_semaphore, #tpu.memory_space<semaphore_mem>>
      %dma_start3A = arith.constant 0 : i32
      %dma_start3A_45 = tpu.memref_slice %arg9[%add3A_9, %dma_start3A] : memref<10240x64xf32, #tpu.memory_space<vmem_shared>> -> memref<128x64xf32, #tpu.memory_space<vmem_shared>>
      %dma_start3A_46 = arith.constant 0 : i32
      %dma_start3A_47 = tpu.memref_slice %arg9[%add3A_9, %dma_start3A_46] : memref<10240x64xf32, #tpu.memory_space<vmem_shared>> -> memref<128x64xf32, #tpu.memory_space<vmem_shared>>
      tpu.enqueue_dma source(%arg8 : memref<128x64xf32, #tpu.memory_space<vmem>>) target(%dma_start3A_47 : memref<128x64xf32, #tpu.memory_space<vmem_shared>>) target_semaphore(%run_scoped3A : memref<!tpu.dma_semaphore, #tpu.memory_space<semaphore_mem>>)
      %dma_wait3A = arith.constant 0 : i32
      %dma_wait3A_48 = tpu.memref_slice %arg9[%add3A_9, %dma_wait3A] : memref<10240x64xf32, #tpu.memory_space<vmem_shared>> -> memref<128x64xf32, #tpu.memory_space<vmem_shared>>
      %dma_wait3A_49 = arith.constant 0 : i32
      %dma_wait3A_50 = tpu.memref_slice %arg9[%add3A_9, %dma_wait3A_49] : memref<10240x64xf32, #tpu.memory_space<vmem_shared>> -> memref<128x64xf32, #tpu.memory_space<vmem_shared>>
      tpu.wait_dma2 semaphore(%run_scoped3A : memref<!tpu.dma_semaphore, #tpu.memory_space<semaphore_mem>>) src(%arg8 : memref<128x64xf32, #tpu.memory_space<vmem>>) dst(%dma_wait3A_50 : memref<128x64xf32, #tpu.memory_space<vmem_shared>>)
      tpu.yield
    }) : () -> ()
    %mul3A_10 = arith.constant 640 : i32
    %mul3A_11 = arith.muli %arg1, %mul3A_10 : i32
    %add3A_12 = arith.constant 128 : i32
    %add3A_13 = arith.addi %mul3A_11, %add3A_12 : i32
    "tpu.region"() ({
      %run_scoped3A = tpu.sem_alloc : memref<!tpu.dma_semaphore, #tpu.memory_space<semaphore_mem>>
      %dma_start3A = arith.constant 0 : i32
      %dma_start3A_45 = tpu.memref_slice %arg9[%add3A_13, %dma_start3A] : memref<10240x64xf32, #tpu.memory_space<vmem_shared>> -> memref<128x64xf32, #tpu.memory_space<vmem_shared>>
      %dma_start3A_46 = arith.constant 0 : i32
      %dma_start3A_47 = tpu.memref_slice %arg9[%add3A_13, %dma_start3A_46] : memref<10240x64xf32, #tpu.memory_space<vmem_shared>> -> memref<128x64xf32, #tpu.memory_space<vmem_shared>>
      tpu.enqueue_dma source(%arg8 : memref<128x64xf32, #tpu.memory_space<vmem>>) target(%dma_start3A_47 : memref<128x64xf32, #tpu.memory_space<vmem_shared>>) target_semaphore(%run_scoped3A : memref<!tpu.dma_semaphore, #tpu.memory_space<semaphore_mem>>)
      %dma_wait3A = arith.constant 0 : i32
      %dma_wait3A_48 = tpu.memref_slice %arg9[%add3A_13, %dma_wait3A] : memref<10240x64xf32, #tpu.memory_space<vmem_shared>> -> memref<128x64xf32, #tpu.memory_space<vmem_shared>>
      %dma_wait3A_49 = arith.constant 0 : i32
      %dma_wait3A_50 = tpu.memref_slice %arg9[%add3A_13, %dma_wait3A_49] : memref<10240x64xf32, #tpu.memory_space<vmem_shared>> -> memref<128x64xf32, #tpu.memory_space<vmem_shared>>
      tpu.wait_dma2 semaphore(%run_scoped3A : memref<!tpu.dma_semaphore, #tpu.memory_space<semaphore_mem>>) src(%arg8 : memref<128x64xf32, #tpu.memory_space<vmem>>) dst(%dma_wait3A_50 : memref<128x64xf32, #tpu.memory_space<vmem_shared>>)
      tpu.yield
    }) : () -> ()
    %mul3A_14 = arith.constant 640 : i32
    %mul3A_15 = arith.muli %arg1, %mul3A_14 : i32
    %add3A_16 = arith.constant 256 : i32
    %add3A_17 = arith.addi %mul3A_15, %add3A_16 : i32
    "tpu.region"() ({
      %run_scoped3A = tpu.sem_alloc : memref<!tpu.dma_semaphore, #tpu.memory_space<semaphore_mem>>
      %dma_start3A = arith.constant 0 : i32
      %dma_start3A_45 = tpu.memref_slice %arg9[%add3A_17, %dma_start3A] : memref<10240x64xf32, #tpu.memory_space<vmem_shared>> -> memref<128x64xf32, #tpu.memory_space<vmem_shared>>
      %dma_start3A_46 = arith.constant 0 : i32
      %dma_start3A_47 = tpu.memref_slice %arg9[%add3A_17, %dma_start3A_46] : memref<10240x64xf32, #tpu.memory_space<vmem_shared>> -> memref<128x64xf32, #tpu.memory_space<vmem_shared>>
      tpu.enqueue_dma source(%arg8 : memref<128x64xf32, #tpu.memory_space<vmem>>) target(%dma_start3A_47 : memref<128x64xf32, #tpu.memory_space<vmem_shared>>) target_semaphore(%run_scoped3A : memref<!tpu.dma_semaphore, #tpu.memory_space<semaphore_mem>>)
      %dma_wait3A = arith.constant 0 : i32
      %dma_wait3A_48 = tpu.memref_slice %arg9[%add3A_17, %dma_wait3A] : memref<10240x64xf32, #tpu.memory_space<vmem_shared>> -> memref<128x64xf32, #tpu.memory_space<vmem_shared>>
      %dma_wait3A_49 = arith.constant 0 : i32
      %dma_wait3A_50 = tpu.memref_slice %arg9[%add3A_17, %dma_wait3A_49] : memref<10240x64xf32, #tpu.memory_space<vmem_shared>> -> memref<128x64xf32, #tpu.memory_space<vmem_shared>>
      tpu.wait_dma2 semaphore(%run_scoped3A : memref<!tpu.dma_semaphore, #tpu.memory_space<semaphore_mem>>) src(%arg8 : memref<128x64xf32, #tpu.memory_space<vmem>>) dst(%dma_wait3A_50 : memref<128x64xf32, #tpu.memory_space<vmem_shared>>)
      tpu.yield
    }) : () -> ()
    %mul3A_18 = arith.constant 640 : i32
    %mul3A_19 = arith.muli %arg1, %mul3A_18 : i32
    %add3A_20 = arith.constant 384 : i32
    %add3A_21 = arith.addi %mul3A_19, %add3A_20 : i32
    "tpu.region"() ({
      %run_scoped3A = tpu.sem_alloc : memref<!tpu.dma_semaphore, #tpu.memory_space<semaphore_mem>>
      %dma_start3A = arith.constant 0 : i32
      %dma_start3A_45 = tpu.memref_slice %arg9[%add3A_21, %dma_start3A] : memref<10240x64xf32, #tpu.memory_space<vmem_shared>> -> memref<128x64xf32, #tpu.memory_space<vmem_shared>>
      %dma_start3A_46 = arith.constant 0 : i32
      %dma_start3A_47 = tpu.memref_slice %arg9[%add3A_21, %dma_start3A_46] : memref<10240x64xf32, #tpu.memory_space<vmem_shared>> -> memref<128x64xf32, #tpu.memory_space<vmem_shared>>
      tpu.enqueue_dma source(%arg8 : memref<128x64xf32, #tpu.memory_space<vmem>>) target(%dma_start3A_47 : memref<128x64xf32, #tpu.memory_space<vmem_shared>>) target_semaphore(%run_scoped3A : memref<!tpu.dma_semaphore, #tpu.memory_space<semaphore_mem>>)
      %dma_wait3A = arith.constant 0 : i32
      %dma_wait3A_48 = tpu.memref_slice %arg9[%add3A_21, %dma_wait3A] : memref<10240x64xf32, #tpu.memory_space<vmem_shared>> -> memref<128x64xf32, #tpu.memory_space<vmem_shared>>
      %dma_wait3A_49 = arith.constant 0 : i32
      %dma_wait3A_50 = tpu.memref_slice %arg9[%add3A_21, %dma_wait3A_49] : memref<10240x64xf32, #tpu.memory_space<vmem_shared>> -> memref<128x64xf32, #tpu.memory_space<vmem_shared>>
      tpu.wait_dma2 semaphore(%run_scoped3A : memref<!tpu.dma_semaphore, #tpu.memory_space<semaphore_mem>>) src(%arg8 : memref<128x64xf32, #tpu.memory_space<vmem>>) dst(%dma_wait3A_50 : memref<128x64xf32, #tpu.memory_space<vmem_shared>>)
      tpu.yield
    }) : () -> ()
    %mul3A_22 = arith.constant 640 : i32
    %mul3A_23 = arith.muli %arg1, %mul3A_22 : i32
    %add3A_24 = arith.constant 512 : i32
    %add3A_25 = arith.addi %mul3A_23, %add3A_24 : i32
    "tpu.region"() ({
      %run_scoped3A = tpu.sem_alloc : memref<!tpu.dma_semaphore, #tpu.memory_space<semaphore_mem>>
      %dma_start3A = arith.constant 0 : i32
      %dma_start3A_45 = tpu.memref_slice %arg9[%add3A_25, %dma_start3A] : memref<10240x64xf32, #tpu.memory_space<vmem_shared>> -> memref<128x64xf32, #tpu.memory_space<vmem_shared>>
      %dma_start3A_46 = arith.constant 0 : i32
      %dma_start3A_47 = tpu.memref_slice %arg9[%add3A_25, %dma_start3A_46] : memref<10240x64xf32, #tpu.memory_space<vmem_shared>> -> memref<128x64xf32, #tpu.memory_space<vmem_shared>>
      tpu.enqueue_dma source(%arg8 : memref<128x64xf32, #tpu.memory_space<vmem>>) target(%dma_start3A_47 : memref<128x64xf32, #tpu.memory_space<vmem_shared>>) target_semaphore(%run_scoped3A : memref<!tpu.dma_semaphore, #tpu.memory_space<semaphore_mem>>)
      %dma_wait3A = arith.constant 0 : i32
      %dma_wait3A_48 = tpu.memref_slice %arg9[%add3A_25, %dma_wait3A] : memref<10240x64xf32, #tpu.memory_space<vmem_shared>> -> memref<128x64xf32, #tpu.memory_space<vmem_shared>>
      %dma_wait3A_49 = arith.constant 0 : i32
      %dma_wait3A_50 = tpu.memref_slice %arg9[%add3A_25, %dma_wait3A_49] : memref<10240x64xf32, #tpu.memory_space<vmem_shared>> -> memref<128x64xf32, #tpu.memory_space<vmem_shared>>
      tpu.wait_dma2 semaphore(%run_scoped3A : memref<!tpu.dma_semaphore, #tpu.memory_space<semaphore_mem>>) src(%arg8 : memref<128x64xf32, #tpu.memory_space<vmem>>) dst(%dma_wait3A_50 : memref<128x64xf32, #tpu.memory_space<vmem_shared>>)
      tpu.yield
    }) : () -> ()
    "tpu.region"() ({
      %run_scoped3A = tpu.sem_alloc : memref<!tpu.dma_semaphore, #tpu.memory_space<semaphore_mem>>
      %dma_start3A = arith.constant 0 : i32
      %dma_start3A_45 = arith.constant 0 : i32
      %dma_start3A_46 = tpu.memref_slice %arg4[%add3A, %dma_start3A, %dma_start3A_45] : memref<32x98x128xi32, #tpu.memory_space<hbm>> -> memref<1x98x128xi32, #tpu.memory_space<hbm>>
      %dma_start3A_47 = tpu.memref_squeeze %dma_start3A_46 : memref<1x98x128xi32, #tpu.memory_space<hbm>> -> memref<98x128xi32, #tpu.memory_space<hbm>>
      %dma_start3A_48 = arith.constant 0 : i32
      %dma_start3A_49 = arith.constant 0 : i32
      %dma_start3A_50 = tpu.memref_slice %arg4[%add3A, %dma_start3A_48, %dma_start3A_49] : memref<32x98x128xi32, #tpu.memory_space<hbm>> -> memref<1x98x128xi32, #tpu.memory_space<hbm>>
      %dma_start3A_51 = tpu.memref_squeeze %dma_start3A_50 : memref<1x98x128xi32, #tpu.memory_space<hbm>> -> memref<98x128xi32, #tpu.memory_space<hbm>>
      tpu.enqueue_dma source(%dma_start3A_51 : memref<98x128xi32, #tpu.memory_space<hbm>>) target(%arg7 : memref<98x128xi32, #tpu.memory_space<vmem>>) target_semaphore(%run_scoped3A : memref<!tpu.dma_semaphore, #tpu.memory_space<semaphore_mem>>)
      %dma_wait3A = arith.constant 0 : i32
      %dma_wait3A_52 = arith.constant 0 : i32
      %dma_wait3A_53 = tpu.memref_slice %arg4[%add3A, %dma_wait3A, %dma_wait3A_52] : memref<32x98x128xi32, #tpu.memory_space<hbm>> -> memref<1x98x128xi32, #tpu.memory_space<hbm>>
      %dma_wait3A_54 = tpu.memref_squeeze %dma_wait3A_53 : memref<1x98x128xi32, #tpu.memory_space<hbm>> -> memref<98x128xi32, #tpu.memory_space<hbm>>
      %dma_wait3A_55 = arith.constant 0 : i32
      %dma_wait3A_56 = arith.constant 0 : i32
      %dma_wait3A_57 = tpu.memref_slice %arg4[%add3A, %dma_wait3A_55, %dma_wait3A_56] : memref<32x98x128xi32, #tpu.memory_space<hbm>> -> memref<1x98x128xi32, #tpu.memory_space<hbm>>
      %dma_wait3A_58 = tpu.memref_squeeze %dma_wait3A_57 : memref<1x98x128xi32, #tpu.memory_space<hbm>> -> memref<98x128xi32, #tpu.memory_space<hbm>>
      tpu.wait_dma2 semaphore(%run_scoped3A : memref<!tpu.dma_semaphore, #tpu.memory_space<semaphore_mem>>) src(%dma_wait3A_58 : memref<98x128xi32, #tpu.memory_space<hbm>>) dst(%arg7 : memref<98x128xi32, #tpu.memory_space<vmem>>)
      tpu.yield
    }) : () -> ()
    "tpu.region"() ({
      %run_scoped3A = tpu.sem_alloc : memref<!tpu.dma_semaphore, #tpu.memory_space<semaphore_mem>>
      %dma_start3A = arith.constant 0 : i32
      %dma_start3A_45 = arith.constant 0 : i32
      %dma_start3A_46 = tpu.memref_slice %arg3[%add3A, %dma_start3A, %dma_start3A_45] : memref<32x98x128xi32, #tpu.memory_space<hbm>> -> memref<1x98x128xi32, #tpu.memory_space<hbm>>
      %dma_start3A_47 = tpu.memref_squeeze %dma_start3A_46 : memref<1x98x128xi32, #tpu.memory_space<hbm>> -> memref<98x128xi32, #tpu.memory_space<hbm>>
      %dma_start3A_48 = arith.constant 0 : i32
      %dma_start3A_49 = arith.constant 0 : i32
      %dma_start3A_50 = tpu.memref_slice %arg3[%add3A, %dma_start3A_48, %dma_start3A_49] : memref<32x98x128xi32, #tpu.memory_space<hbm>> -> memref<1x98x128xi32, #tpu.memory_space<hbm>>
      %dma_start3A_51 = tpu.memref_squeeze %dma_start3A_50 : memref<1x98x128xi32, #tpu.memory_space<hbm>> -> memref<98x128xi32, #tpu.memory_space<hbm>>
      tpu.enqueue_dma source(%dma_start3A_51 : memref<98x128xi32, #tpu.memory_space<hbm>>) target(%arg6 : memref<98x128xi32, #tpu.memory_space<vmem>>) target_semaphore(%run_scoped3A : memref<!tpu.dma_semaphore, #tpu.memory_space<semaphore_mem>>)
      %dma_wait3A = arith.constant 0 : i32
      %dma_wait3A_52 = arith.constant 0 : i32
      %dma_wait3A_53 = tpu.memref_slice %arg3[%add3A, %dma_wait3A, %dma_wait3A_52] : memref<32x98x128xi32, #tpu.memory_space<hbm>> -> memref<1x98x128xi32, #tpu.memory_space<hbm>>
      %dma_wait3A_54 = tpu.memref_squeeze %dma_wait3A_53 : memref<1x98x128xi32, #tpu.memory_space<hbm>> -> memref<98x128xi32, #tpu.memory_space<hbm>>
      %dma_wait3A_55 = arith.constant 0 : i32
      %dma_wait3A_56 = arith.constant 0 : i32
      %dma_wait3A_57 = tpu.memref_slice %arg3[%add3A, %dma_wait3A_55, %dma_wait3A_56] : memref<32x98x128xi32, #tpu.memory_space<hbm>> -> memref<1x98x128xi32, #tpu.memory_space<hbm>>
      %dma_wait3A_58 = tpu.memref_squeeze %dma_wait3A_57 : memref<1x98x128xi32, #tpu.memory_space<hbm>> -> memref<98x128xi32, #tpu.memory_space<hbm>>
      tpu.wait_dma2 semaphore(%run_scoped3A : memref<!tpu.dma_semaphore, #tpu.memory_space<semaphore_mem>>) src(%dma_wait3A_58 : memref<98x128xi32, #tpu.memory_space<hbm>>) dst(%arg6 : memref<98x128xi32, #tpu.memory_space<vmem>>)
      tpu.yield
    }) : () -> ()
    %barrier3A = arith.constant 0 : index
    tpu.barrier barrier_id(%barrier3A)
    %eq3A = arith.constant 0 : i32
    %eq3A_26 = arith.cmpi eq, %arg0, %eq3A : i32
    %jit3A = arith.constant 98 : i32
    %jit3A_27 = arith.constant 59 : i32
    %select_n3A = arith.select %eq3A_26, %jit3A, %jit3A_27 : i32
    %while3A = arith.constant 0 : i32
    %while3A_28 = arith.constant 0 : i32
    %while3A_29 = arith.subi %select_n3A, %while3A_28 : i32
    %while3A_30 = arith.addi %while3A_28, %while3A_29 : i32
    %while3A_31 = arith.constant 1 : i32
    %while3A_32 = arith.divsi %while3A_29, %while3A_31 : i32
    %while3A_33 = arith.muli %while3A_32, %while3A_31 : i32
    %while3A_34 = arith.addi %while3A_28, %while3A_33 : i32
    %while3A_35 = arith.constant 1 : i32
    scf.for %while3A_45 = %while3A_28 to %while3A_34 step %while3A_35  : i32 {
      %dma_start3A = arith.constant 0 : i32
      %dma_start3A_46 = tpu.memref_slice %arg6[%while3A_45, %dma_start3A] : memref<98x128xi32, #tpu.memory_space<vmem>> -> memref<1x128xi32, #tpu.memory_space<vmem>>
      %dma_start3A_47 = tpu.memref_squeeze %dma_start3A_46 : memref<1x128xi32, #tpu.memory_space<vmem>> -> memref<128xi32, #tpu.memory_space<vmem>>
      %dma_start3A_48 = arith.constant 0 : i32
      %dma_start3A_49 = arith.constant 0 : i32
      %dma_start3A_50 = tpu.memref_slice %arg2[%dma_start3A_48, %dma_start3A_49] : memref<10240x64xf32, #tpu.memory_space<hbm>> -> memref<10240x64xf32, #tpu.memory_space<hbm>>
      tpu.enqueue_indirect_dma source(%dma_start3A_50 : memref<10240x64xf32, #tpu.memory_space<hbm>>) target(%arg8 : memref<128x64xf32, #tpu.memory_space<vmem>>) offsets(%dma_start3A_47 : memref<128xi32, #tpu.memory_space<vmem>>) semaphore(%arg10 : memref<!tpu.dma_semaphore, #tpu.memory_space<semaphore_mem>>)
      %dma_wait3A = arith.constant 0 : i32
      %dma_wait3A_51 = tpu.memref_slice %arg6[%while3A_45, %dma_wait3A] : memref<98x128xi32, #tpu.memory_space<vmem>> -> memref<1x128xi32, #tpu.memory_space<vmem>>
      %dma_wait3A_52 = tpu.memref_squeeze %dma_wait3A_51 : memref<1x128xi32, #tpu.memory_space<vmem>> -> memref<128xi32, #tpu.memory_space<vmem>>
      %dma_wait3A_53 = arith.constant 0 : i32
      %dma_wait3A_54 = arith.constant 0 : i32
      %dma_wait3A_55 = tpu.memref_slice %arg2[%dma_wait3A_53, %dma_wait3A_54] : memref<10240x64xf32, #tpu.memory_space<hbm>> -> memref<10240x64xf32, #tpu.memory_space<hbm>>
      tpu.wait_indirect_dma semaphore(%arg10 : memref<!tpu.dma_semaphore, #tpu.memory_space<semaphore_mem>>) src(%dma_wait3A_55 : memref<10240x64xf32, #tpu.memory_space<hbm>>) dst(%arg8 : memref<128x64xf32, #tpu.memory_space<vmem>>)
      "tpu.region"() ({
        %run_scoped3A = tpu.sem_alloc : memref<!tpu.dma_semaphore, #tpu.memory_space<semaphore_mem>>
        %dma_start3A_56 = arith.constant 0 : i32
        %dma_start3A_57 = tpu.memref_slice %arg7[%while3A_45, %dma_start3A_56] : memref<98x128xi32, #tpu.memory_space<vmem>> -> memref<1x128xi32, #tpu.memory_space<vmem>>
        %dma_start3A_58 = tpu.memref_squeeze %dma_start3A_57 : memref<1x128xi32, #tpu.memory_space<vmem>> -> memref<128xi32, #tpu.memory_space<vmem>>
        %dma_start3A_59 = arith.constant 0 : i32
        %dma_start3A_60 = arith.constant 0 : i32
        %dma_start3A_61 = tpu.memref_slice %arg9[%dma_start3A_59, %dma_start3A_60] : memref<10240x64xf32, #tpu.memory_space<vmem_shared>> -> memref<10240x64xf32, #tpu.memory_space<vmem_shared>>
        tpu.enqueue_indirect_dma source(%arg8 : memref<128x64xf32, #tpu.memory_space<vmem>>) target(%dma_start3A_61 : memref<10240x64xf32, #tpu.memory_space<vmem_shared>>) offsets(%dma_start3A_58 : memref<128xi32, #tpu.memory_space<vmem>>) semaphore(%run_scoped3A : memref<!tpu.dma_semaphore, #tpu.memory_space<semaphore_mem>>) {add = true}
        %dma_wait3A_62 = arith.constant 0 : i32
        %dma_wait3A_63 = tpu.memref_slice %arg7[%while3A_45, %dma_wait3A_62] : memref<98x128xi32, #tpu.memory_space<vmem>> -> memref<1x128xi32, #tpu.memory_space<vmem>>
        %dma_wait3A_64 = tpu.memref_squeeze %dma_wait3A_63 : memref<1x128xi32, #tpu.memory_space<vmem>> -> memref<128xi32, #tpu.memory_space<vmem>>
        %dma_wait3A_65 = arith.constant 0 : i32
        %dma_wait3A_66 = arith.constant 0 : i32
        %dma_wait3A_67 = tpu.memref_slice %arg9[%dma_wait3A_65, %dma_wait3A_66] : memref<10240x64xf32, #tpu.memory_space<vmem_shared>> -> memref<10240x64xf32, #tpu.memory_space<vmem_shared>>
        tpu.wait_indirect_dma semaphore(%run_scoped3A : memref<!tpu.dma_semaphore, #tpu.memory_space<semaphore_mem>>) src(%arg8 : memref<128x64xf32, #tpu.memory_space<vmem>>) dst(%dma_wait3A_67 : memref<10240x64xf32, #tpu.memory_space<vmem_shared>>)
        tpu.yield
      }) : () -> ()
    }
    %while3A_36 = arith.constant 1 : i32
    scf.for %while3A_45 = %while3A_34 to %while3A_30 step %while3A_36  : i32 {
      %dma_start3A = arith.constant 0 : i32
      %dma_start3A_46 = tpu.memref_slice %arg6[%while3A_45, %dma_start3A] : memref<98x128xi32, #tpu.memory_space<vmem>> -> memref<1x128xi32, #tpu.memory_space<vmem>>
      %dma_start3A_47 = tpu.memref_squeeze %dma_start3A_46 : memref<1x128xi32, #tpu.memory_space<vmem>> -> memref<128xi32, #tpu.memory_space<vmem>>
      %dma_start3A_48 = arith.constant 0 : i32
      %dma_start3A_49 = arith.constant 0 : i32
      %dma_start3A_50 = tpu.memref_slice %arg2[%dma_start3A_48, %dma_start3A_49] : memref<10240x64xf32, #tpu.memory_space<hbm>> -> memref<10240x64xf32, #tpu.memory_space<hbm>>
      tpu.enqueue_indirect_dma source(%dma_start3A_50 : memref<10240x64xf32, #tpu.memory_space<hbm>>) target(%arg8 : memref<128x64xf32, #tpu.memory_space<vmem>>) offsets(%dma_start3A_47 : memref<128xi32, #tpu.memory_space<vmem>>) semaphore(%arg10 : memref<!tpu.dma_semaphore, #tpu.memory_space<semaphore_mem>>)
      %dma_wait3A = arith.constant 0 : i32
      %dma_wait3A_51 = tpu.memref_slice %arg6[%while3A_45, %dma_wait3A] : memref<98x128xi32, #tpu.memory_space<vmem>> -> memref<1x128xi32, #tpu.memory_space<vmem>>
      %dma_wait3A_52 = tpu.memref_squeeze %dma_wait3A_51 : memref<1x128xi32, #tpu.memory_space<vmem>> -> memref<128xi32, #tpu.memory_space<vmem>>
      %dma_wait3A_53 = arith.constant 0 : i32
      %dma_wait3A_54 = arith.constant 0 : i32
      %dma_wait3A_55 = tpu.memref_slice %arg2[%dma_wait3A_53, %dma_wait3A_54] : memref<10240x64xf32, #tpu.memory_space<hbm>> -> memref<10240x64xf32, #tpu.memory_space<hbm>>
      tpu.wait_indirect_dma semaphore(%arg10 : memref<!tpu.dma_semaphore, #tpu.memory_space<semaphore_mem>>) src(%dma_wait3A_55 : memref<10240x64xf32, #tpu.memory_space<hbm>>) dst(%arg8 : memref<128x64xf32, #tpu.memory_space<vmem>>)
      "tpu.region"() ({
        %run_scoped3A = tpu.sem_alloc : memref<!tpu.dma_semaphore, #tpu.memory_space<semaphore_mem>>
        %dma_start3A_56 = arith.constant 0 : i32
        %dma_start3A_57 = tpu.memref_slice %arg7[%while3A_45, %dma_start3A_56] : memref<98x128xi32, #tpu.memory_space<vmem>> -> memref<1x128xi32, #tpu.memory_space<vmem>>
        %dma_start3A_58 = tpu.memref_squeeze %dma_start3A_57 : memref<1x128xi32, #tpu.memory_space<vmem>> -> memref<128xi32, #tpu.memory_space<vmem>>
        %dma_start3A_59 = arith.constant 0 : i32
        %dma_start3A_60 = arith.constant 0 : i32
        %dma_start3A_61 = tpu.memref_slice %arg9[%dma_start3A_59, %dma_start3A_60] : memref<10240x64xf32, #tpu.memory_space<vmem_shared>> -> memref<10240x64xf32, #tpu.memory_space<vmem_shared>>
        tpu.enqueue_indirect_dma source(%arg8 : memref<128x64xf32, #tpu.memory_space<vmem>>) target(%dma_start3A_61 : memref<10240x64xf32, #tpu.memory_space<vmem_shared>>) offsets(%dma_start3A_58 : memref<128xi32, #tpu.memory_space<vmem>>) semaphore(%run_scoped3A : memref<!tpu.dma_semaphore, #tpu.memory_space<semaphore_mem>>) {add = true}
        %dma_wait3A_62 = arith.constant 0 : i32
        %dma_wait3A_63 = tpu.memref_slice %arg7[%while3A_45, %dma_wait3A_62] : memref<98x128xi32, #tpu.memory_space<vmem>> -> memref<1x128xi32, #tpu.memory_space<vmem>>
        %dma_wait3A_64 = tpu.memref_squeeze %dma_wait3A_63 : memref<1x128xi32, #tpu.memory_space<vmem>> -> memref<128xi32, #tpu.memory_space<vmem>>
        %dma_wait3A_65 = arith.constant 0 : i32
        %dma_wait3A_66 = arith.constant 0 : i32
        %dma_wait3A_67 = tpu.memref_slice %arg9[%dma_wait3A_65, %dma_wait3A_66] : memref<10240x64xf32, #tpu.memory_space<vmem_shared>> -> memref<10240x64xf32, #tpu.memory_space<vmem_shared>>
        tpu.wait_indirect_dma semaphore(%run_scoped3A : memref<!tpu.dma_semaphore, #tpu.memory_space<semaphore_mem>>) src(%arg8 : memref<128x64xf32, #tpu.memory_space<vmem>>) dst(%dma_wait3A_67 : memref<10240x64xf32, #tpu.memory_space<vmem_shared>>)
        tpu.yield
      }) : () -> ()
    }
    %barrier3A_37 = arith.constant 0 : index
    tpu.barrier barrier_id(%barrier3A_37)
    %mul3A_38 = arith.constant 640 : i32
    %mul3A_39 = arith.muli %arg1, %mul3A_38 : i32
    %mul3A_40 = arith.constant 10240 : i32
    %mul3A_41 = arith.muli %arg0, %mul3A_40 : i32
    %mul3A_42 = arith.constant 640 : i32
    %mul3A_43 = arith.muli %arg1, %mul3A_42 : i32
    %add3A_44 = arith.addi %mul3A_41, %mul3A_43 : i32
    "tpu.region"() ({
      %run_scoped3A = tpu.sem_alloc : memref<!tpu.dma_semaphore, #tpu.memory_space<semaphore_mem>>
      %dma_start3A = arith.constant 0 : i32
      %dma_start3A_45 = tpu.memref_slice %arg5[%add3A_44, %dma_start3A] : memref<20480x64xf32, #tpu.memory_space<hbm>> -> memref<640x64xf32, #tpu.memory_space<hbm>>
      %dma_start3A_46 = arith.constant 0 : i32
      %dma_start3A_47 = tpu.memref_slice %arg9[%mul3A_39, %dma_start3A_46] : memref<10240x64xf32, #tpu.memory_space<vmem_shared>> -> memref<640x64xf32, #tpu.memory_space<vmem_shared>>
      tpu.enqueue_dma source(%dma_start3A_47 : memref<640x64xf32, #tpu.memory_space<vmem_shared>>) target(%dma_start3A_45 : memref<640x64xf32, #tpu.memory_space<hbm>>) target_semaphore(%run_scoped3A : memref<!tpu.dma_semaphore, #tpu.memory_space<semaphore_mem>>)
      %dma_wait3A = arith.constant 0 : i32
      %dma_wait3A_48 = tpu.memref_slice %arg5[%add3A_44, %dma_wait3A] : memref<20480x64xf32, #tpu.memory_space<hbm>> -> memref<640x64xf32, #tpu.memory_space<hbm>>
      %dma_wait3A_49 = arith.constant 0 : i32
      %dma_wait3A_50 = tpu.memref_slice %arg9[%mul3A_39, %dma_wait3A_49] : memref<10240x64xf32, #tpu.memory_space<vmem_shared>> -> memref<640x64xf32, #tpu.memory_space<vmem_shared>>
      tpu.wait_dma2 semaphore(%run_scoped3A : memref<!tpu.dma_semaphore, #tpu.memory_space<semaphore_mem>>) src(%dma_wait3A_50 : memref<640x64xf32, #tpu.memory_space<vmem_shared>>) dst(%dma_wait3A_48 : memref<640x64xf32, #tpu.memory_space<hbm>>)
      tpu.yield
    }) : () -> ()
    return
  }
}

#map = affine_map<(d0, d1) -> (0, 0)>
#map1 = affine_map<(d0, d1) -> (0, 0, 0)>
module attributes {stable_mosaic.version = 14 : i64} {
  func.func @body(%arg0: i32, %arg1: i32, %arg2: memref<10240x128xf32, #tpu.memory_space<hbm>>, %arg3: memref<32x98x128xi32, #tpu.memory_space<hbm>>, %arg4: memref<32x98x128xi32, #tpu.memory_space<hbm>>, %arg5: memref<20480x128xf32, #tpu.memory_space<hbm>>, %arg6: memref<98x128xi32, #tpu.memory_space<vmem>>, %arg7: memref<98x128xi32, #tpu.memory_space<vmem>>, %arg8: memref<128x128xf32, #tpu.memory_space<vmem>>, %arg9: memref<10240x128xf32, #tpu.memory_space<vmem_shared>>, %arg10: memref<!tpu.dma_semaphore, #tpu.memory_space<semaphore_mem>>) attributes {dimension_semantics = [#tpu.dimension_semantics<core_parallel>, #tpu.dimension_semantics<subcore_parallel>], iteration_bounds = array<i64: 2, 16>, scalar_prefetch = 0 : i64, scratch_operands = 5 : i64, tpu.core_type = #tpu.core_type<sc_vector_subcore>, window_params = [{transform_indices = #map}, {transform_indices = #map1}, {transform_indices = #map1}, {transform_indices = #map}]} {
    %mul3A = arith.constant 16 : i32
    %mul3A_0 = arith.muli %arg0, %mul3A : i32
    %add3A = arith.addi %mul3A_0, %arg1 : i32
    %scan3A = arith.constant 0 : i32
    %scan3A_1 = arith.constant 0 : i32
    %scan3A_2 = arith.constant 128 : i32
    %scan3A_3 = arith.addi %scan3A_1, %scan3A_2 : i32
    %scan3A_4 = arith.constant 1 : i32
    scf.for %scan3A_45 = %scan3A_1 to %scan3A_3 step %scan3A_4  : i32 {
      %broadcast_in_dim3A = arith.constant 0.000000e+00 : f32
      %broadcast_in_dim3A_46 = vector.broadcast %broadcast_in_dim3A : f32 to vector<16xf32>
      %swap3A = arith.index_cast %scan3A_45 : i32 to index
      %swap3A_47 = arith.constant 0 : index
      %swap3A_48 = tpu.vector_load %arg8[%swap3A, %swap3A_47] {strides = array<i32>} : memref<128x128xf32, #tpu.memory_space<vmem>>, vector<1x16xf32>,
      %swap3A_49 = vector.shape_cast %swap3A_48 : vector<1x16xf32> to vector<16xf32>
      %swap3A_50 = vector.shape_cast %broadcast_in_dim3A_46 : vector<16xf32> to vector<1x16xf32>
      tpu.vector_store %arg8[%swap3A, %swap3A_47], %swap3A_50 {strides = array<i32>} : memref<128x128xf32, #tpu.memory_space<vmem>>, vector<1x16xf32>,
      %broadcast_in_dim3A_51 = arith.constant 0.000000e+00 : f32
      %broadcast_in_dim3A_52 = vector.broadcast %broadcast_in_dim3A_51 : f32 to vector<16xf32>
      %swap3A_53 = arith.index_cast %scan3A_45 : i32 to index
      %swap3A_54 = arith.constant 16 : index
      %swap3A_55 = tpu.vector_load %arg8[%swap3A_53, %swap3A_54] {strides = array<i32>} : memref<128x128xf32, #tpu.memory_space<vmem>>, vector<1x16xf32>,
      %swap3A_56 = vector.shape_cast %swap3A_55 : vector<1x16xf32> to vector<16xf32>
      %swap3A_57 = vector.shape_cast %broadcast_in_dim3A_52 : vector<16xf32> to vector<1x16xf32>
      tpu.vector_store %arg8[%swap3A_53, %swap3A_54], %swap3A_57 {strides = array<i32>} : memref<128x128xf32, #tpu.memory_space<vmem>>, vector<1x16xf32>,
      %broadcast_in_dim3A_58 = arith.constant 0.000000e+00 : f32
      %broadcast_in_dim3A_59 = vector.broadcast %broadcast_in_dim3A_58 : f32 to vector<16xf32>
      %swap3A_60 = arith.index_cast %scan3A_45 : i32 to index
      %swap3A_61 = arith.constant 32 : index
      %swap3A_62 = tpu.vector_load %arg8[%swap3A_60, %swap3A_61] {strides = array<i32>} : memref<128x128xf32, #tpu.memory_space<vmem>>, vector<1x16xf32>,
      %swap3A_63 = vector.shape_cast %swap3A_62 : vector<1x16xf32> to vector<16xf32>
      %swap3A_64 = vector.shape_cast %broadcast_in_dim3A_59 : vector<16xf32> to vector<1x16xf32>
      tpu.vector_store %arg8[%swap3A_60, %swap3A_61], %swap3A_64 {strides = array<i32>} : memref<128x128xf32, #tpu.memory_space<vmem>>, vector<1x16xf32>,
      %broadcast_in_dim3A_65 = arith.constant 0.000000e+00 : f32
      %broadcast_in_dim3A_66 = vector.broadcast %broadcast_in_dim3A_65 : f32 to vector<16xf32>
      %swap3A_67 = arith.index_cast %scan3A_45 : i32 to index
      %swap3A_68 = arith.constant 48 : index
      %swap3A_69 = tpu.vector_load %arg8[%swap3A_67, %swap3A_68] {strides = array<i32>} : memref<128x128xf32, #tpu.memory_space<vmem>>, vector<1x16xf32>,
      %swap3A_70 = vector.shape_cast %swap3A_69 : vector<1x16xf32> to vector<16xf32>
      %swap3A_71 = vector.shape_cast %broadcast_in_dim3A_66 : vector<16xf32> to vector<1x16xf32>
      tpu.vector_store %arg8[%swap3A_67, %swap3A_68], %swap3A_71 {strides = array<i32>} : memref<128x128xf32, #tpu.memory_space<vmem>>, vector<1x16xf32>,
      %broadcast_in_dim3A_72 = arith.constant 0.000000e+00 : f32
      %broadcast_in_dim3A_73 = vector.broadcast %broadcast_in_dim3A_72 : f32 to vector<16xf32>
      %swap3A_74 = arith.index_cast %scan3A_45 : i32 to index
      %swap3A_75 = arith.constant 64 : index
      %swap3A_76 = tpu.vector_load %arg8[%swap3A_74, %swap3A_75] {strides = array<i32>} : memref<128x128xf32, #tpu.memory_space<vmem>>, vector<1x16xf32>,
      %swap3A_77 = vector.shape_cast %swap3A_76 : vector<1x16xf32> to vector<16xf32>
      %swap3A_78 = vector.shape_cast %broadcast_in_dim3A_73 : vector<16xf32> to vector<1x16xf32>
      tpu.vector_store %arg8[%swap3A_74, %swap3A_75], %swap3A_78 {strides = array<i32>} : memref<128x128xf32, #tpu.memory_space<vmem>>, vector<1x16xf32>,
      %broadcast_in_dim3A_79 = arith.constant 0.000000e+00 : f32
      %broadcast_in_dim3A_80 = vector.broadcast %broadcast_in_dim3A_79 : f32 to vector<16xf32>
      %swap3A_81 = arith.index_cast %scan3A_45 : i32 to index
      %swap3A_82 = arith.constant 80 : index
      %swap3A_83 = tpu.vector_load %arg8[%swap3A_81, %swap3A_82] {strides = array<i32>} : memref<128x128xf32, #tpu.memory_space<vmem>>, vector<1x16xf32>,
      %swap3A_84 = vector.shape_cast %swap3A_83 : vector<1x16xf32> to vector<16xf32>
      %swap3A_85 = vector.shape_cast %broadcast_in_dim3A_80 : vector<16xf32> to vector<1x16xf32>
      tpu.vector_store %arg8[%swap3A_81, %swap3A_82], %swap3A_85 {strides = array<i32>} : memref<128x128xf32, #tpu.memory_space<vmem>>, vector<1x16xf32>,
      %broadcast_in_dim3A_86 = arith.constant 0.000000e+00 : f32
      %broadcast_in_dim3A_87 = vector.broadcast %broadcast_in_dim3A_86 : f32 to vector<16xf32>
      %swap3A_88 = arith.index_cast %scan3A_45 : i32 to index
      %swap3A_89 = arith.constant 96 : index
      %swap3A_90 = tpu.vector_load %arg8[%swap3A_88, %swap3A_89] {strides = array<i32>} : memref<128x128xf32, #tpu.memory_space<vmem>>, vector<1x16xf32>,
      %swap3A_91 = vector.shape_cast %swap3A_90 : vector<1x16xf32> to vector<16xf32>
      %swap3A_92 = vector.shape_cast %broadcast_in_dim3A_87 : vector<16xf32> to vector<1x16xf32>
      tpu.vector_store %arg8[%swap3A_88, %swap3A_89], %swap3A_92 {strides = array<i32>} : memref<128x128xf32, #tpu.memory_space<vmem>>, vector<1x16xf32>,
      %broadcast_in_dim3A_93 = arith.constant 0.000000e+00 : f32
      %broadcast_in_dim3A_94 = vector.broadcast %broadcast_in_dim3A_93 : f32 to vector<16xf32>
      %swap3A_95 = arith.index_cast %scan3A_45 : i32 to index
      %swap3A_96 = arith.constant 112 : index
      %swap3A_97 = tpu.vector_load %arg8[%swap3A_95, %swap3A_96] {strides = array<i32>} : memref<128x128xf32, #tpu.memory_space<vmem>>, vector<1x16xf32>,
      %swap3A_98 = vector.shape_cast %swap3A_97 : vector<1x16xf32> to vector<16xf32>
      %swap3A_99 = vector.shape_cast %broadcast_in_dim3A_94 : vector<16xf32> to vector<1x16xf32>
      tpu.vector_store %arg8[%swap3A_95, %swap3A_96], %swap3A_99 {strides = array<i32>} : memref<128x128xf32, #tpu.memory_space<vmem>>, vector<1x16xf32>,
    }
    %scan3A_5 = arith.constant 128 : i32
    %mul3A_6 = arith.constant 640 : i32
    %mul3A_7 = arith.muli %arg1, %mul3A_6 : i32
    %add3A_8 = arith.constant 0 : i32
    %add3A_9 = arith.addi %mul3A_7, %add3A_8 : i32
    "tpu.region"() ({
      %run_scoped3A = tpu.sem_alloc : memref<!tpu.dma_semaphore, #tpu.memory_space<semaphore_mem>>
      %dma_start3A = arith.constant 0 : i32
      %dma_start3A_45 = tpu.memref_slice %arg9[%add3A_9, %dma_start3A] : memref<10240x128xf32, #tpu.memory_space<vmem_shared>> -> memref<128x128xf32, #tpu.memory_space<vmem_shared>>
      %dma_start3A_46 = arith.constant 0 : i32
      %dma_start3A_47 = tpu.memref_slice %arg9[%add3A_9, %dma_start3A_46] : memref<10240x128xf32, #tpu.memory_space<vmem_shared>> -> memref<128x128xf32, #tpu.memory_space<vmem_shared>>
      tpu.enqueue_dma source(%arg8 : memref<128x128xf32, #tpu.memory_space<vmem>>) target(%dma_start3A_47 : memref<128x128xf32, #tpu.memory_space<vmem_shared>>) target_semaphore(%run_scoped3A : memref<!tpu.dma_semaphore, #tpu.memory_space<semaphore_mem>>)
      %dma_wait3A = arith.constant 0 : i32
      %dma_wait3A_48 = tpu.memref_slice %arg9[%add3A_9, %dma_wait3A] : memref<10240x128xf32, #tpu.memory_space<vmem_shared>> -> memref<128x128xf32, #tpu.memory_space<vmem_shared>>
      %dma_wait3A_49 = arith.constant 0 : i32
      %dma_wait3A_50 = tpu.memref_slice %arg9[%add3A_9, %dma_wait3A_49] : memref<10240x128xf32, #tpu.memory_space<vmem_shared>> -> memref<128x128xf32, #tpu.memory_space<vmem_shared>>
      tpu.wait_dma2 semaphore(%run_scoped3A : memref<!tpu.dma_semaphore, #tpu.memory_space<semaphore_mem>>) src(%arg8 : memref<128x128xf32, #tpu.memory_space<vmem>>) dst(%dma_wait3A_50 : memref<128x128xf32, #tpu.memory_space<vmem_shared>>)
      tpu.yield
    }) : () -> ()
    %mul3A_10 = arith.constant 640 : i32
    %mul3A_11 = arith.muli %arg1, %mul3A_10 : i32
    %add3A_12 = arith.constant 128 : i32
    %add3A_13 = arith.addi %mul3A_11, %add3A_12 : i32
    "tpu.region"() ({
      %run_scoped3A = tpu.sem_alloc : memref<!tpu.dma_semaphore, #tpu.memory_space<semaphore_mem>>
      %dma_start3A = arith.constant 0 : i32
      %dma_start3A_45 = tpu.memref_slice %arg9[%add3A_13, %dma_start3A] : memref<10240x128xf32, #tpu.memory_space<vmem_shared>> -> memref<128x128xf32, #tpu.memory_space<vmem_shared>>
      %dma_start3A_46 = arith.constant 0 : i32
      %dma_start3A_47 = tpu.memref_slice %arg9[%add3A_13, %dma_start3A_46] : memref<10240x128xf32, #tpu.memory_space<vmem_shared>> -> memref<128x128xf32, #tpu.memory_space<vmem_shared>>
      tpu.enqueue_dma source(%arg8 : memref<128x128xf32, #tpu.memory_space<vmem>>) target(%dma_start3A_47 : memref<128x128xf32, #tpu.memory_space<vmem_shared>>) target_semaphore(%run_scoped3A : memref<!tpu.dma_semaphore, #tpu.memory_space<semaphore_mem>>)
      %dma_wait3A = arith.constant 0 : i32
      %dma_wait3A_48 = tpu.memref_slice %arg9[%add3A_13, %dma_wait3A] : memref<10240x128xf32, #tpu.memory_space<vmem_shared>> -> memref<128x128xf32, #tpu.memory_space<vmem_shared>>
      %dma_wait3A_49 = arith.constant 0 : i32
      %dma_wait3A_50 = tpu.memref_slice %arg9[%add3A_13, %dma_wait3A_49] : memref<10240x128xf32, #tpu.memory_space<vmem_shared>> -> memref<128x128xf32, #tpu.memory_space<vmem_shared>>
      tpu.wait_dma2 semaphore(%run_scoped3A : memref<!tpu.dma_semaphore, #tpu.memory_space<semaphore_mem>>) src(%arg8 : memref<128x128xf32, #tpu.memory_space<vmem>>) dst(%dma_wait3A_50 : memref<128x128xf32, #tpu.memory_space<vmem_shared>>)
      tpu.yield
    }) : () -> ()
    %mul3A_14 = arith.constant 640 : i32
    %mul3A_15 = arith.muli %arg1, %mul3A_14 : i32
    %add3A_16 = arith.constant 256 : i32
    %add3A_17 = arith.addi %mul3A_15, %add3A_16 : i32
    "tpu.region"() ({
      %run_scoped3A = tpu.sem_alloc : memref<!tpu.dma_semaphore, #tpu.memory_space<semaphore_mem>>
      %dma_start3A = arith.constant 0 : i32
      %dma_start3A_45 = tpu.memref_slice %arg9[%add3A_17, %dma_start3A] : memref<10240x128xf32, #tpu.memory_space<vmem_shared>> -> memref<128x128xf32, #tpu.memory_space<vmem_shared>>
      %dma_start3A_46 = arith.constant 0 : i32
      %dma_start3A_47 = tpu.memref_slice %arg9[%add3A_17, %dma_start3A_46] : memref<10240x128xf32, #tpu.memory_space<vmem_shared>> -> memref<128x128xf32, #tpu.memory_space<vmem_shared>>
      tpu.enqueue_dma source(%arg8 : memref<128x128xf32, #tpu.memory_space<vmem>>) target(%dma_start3A_47 : memref<128x128xf32, #tpu.memory_space<vmem_shared>>) target_semaphore(%run_scoped3A : memref<!tpu.dma_semaphore, #tpu.memory_space<semaphore_mem>>)
      %dma_wait3A = arith.constant 0 : i32
      %dma_wait3A_48 = tpu.memref_slice %arg9[%add3A_17, %dma_wait3A] : memref<10240x128xf32, #tpu.memory_space<vmem_shared>> -> memref<128x128xf32, #tpu.memory_space<vmem_shared>>
      %dma_wait3A_49 = arith.constant 0 : i32
      %dma_wait3A_50 = tpu.memref_slice %arg9[%add3A_17, %dma_wait3A_49] : memref<10240x128xf32, #tpu.memory_space<vmem_shared>> -> memref<128x128xf32, #tpu.memory_space<vmem_shared>>
      tpu.wait_dma2 semaphore(%run_scoped3A : memref<!tpu.dma_semaphore, #tpu.memory_space<semaphore_mem>>) src(%arg8 : memref<128x128xf32, #tpu.memory_space<vmem>>) dst(%dma_wait3A_50 : memref<128x128xf32, #tpu.memory_space<vmem_shared>>)
      tpu.yield
    }) : () -> ()
    %mul3A_18 = arith.constant 640 : i32
    %mul3A_19 = arith.muli %arg1, %mul3A_18 : i32
    %add3A_20 = arith.constant 384 : i32
    %add3A_21 = arith.addi %mul3A_19, %add3A_20 : i32
    "tpu.region"() ({
      %run_scoped3A = tpu.sem_alloc : memref<!tpu.dma_semaphore, #tpu.memory_space<semaphore_mem>>
      %dma_start3A = arith.constant 0 : i32
      %dma_start3A_45 = tpu.memref_slice %arg9[%add3A_21, %dma_start3A] : memref<10240x128xf32, #tpu.memory_space<vmem_shared>> -> memref<128x128xf32, #tpu.memory_space<vmem_shared>>
      %dma_start3A_46 = arith.constant 0 : i32
      %dma_start3A_47 = tpu.memref_slice %arg9[%add3A_21, %dma_start3A_46] : memref<10240x128xf32, #tpu.memory_space<vmem_shared>> -> memref<128x128xf32, #tpu.memory_space<vmem_shared>>
      tpu.enqueue_dma source(%arg8 : memref<128x128xf32, #tpu.memory_space<vmem>>) target(%dma_start3A_47 : memref<128x128xf32, #tpu.memory_space<vmem_shared>>) target_semaphore(%run_scoped3A : memref<!tpu.dma_semaphore, #tpu.memory_space<semaphore_mem>>)
      %dma_wait3A = arith.constant 0 : i32
      %dma_wait3A_48 = tpu.memref_slice %arg9[%add3A_21, %dma_wait3A] : memref<10240x128xf32, #tpu.memory_space<vmem_shared>> -> memref<128x128xf32, #tpu.memory_space<vmem_shared>>
      %dma_wait3A_49 = arith.constant 0 : i32
      %dma_wait3A_50 = tpu.memref_slice %arg9[%add3A_21, %dma_wait3A_49] : memref<10240x128xf32, #tpu.memory_space<vmem_shared>> -> memref<128x128xf32, #tpu.memory_space<vmem_shared>>
      tpu.wait_dma2 semaphore(%run_scoped3A : memref<!tpu.dma_semaphore, #tpu.memory_space<semaphore_mem>>) src(%arg8 : memref<128x128xf32, #tpu.memory_space<vmem>>) dst(%dma_wait3A_50 : memref<128x128xf32, #tpu.memory_space<vmem_shared>>)
      tpu.yield
    }) : () -> ()
    %mul3A_22 = arith.constant 640 : i32
    %mul3A_23 = arith.muli %arg1, %mul3A_22 : i32
    %add3A_24 = arith.constant 512 : i32
    %add3A_25 = arith.addi %mul3A_23, %add3A_24 : i32
    "tpu.region"() ({
      %run_scoped3A = tpu.sem_alloc : memref<!tpu.dma_semaphore, #tpu.memory_space<semaphore_mem>>
      %dma_start3A = arith.constant 0 : i32
      %dma_start3A_45 = tpu.memref_slice %arg9[%add3A_25, %dma_start3A] : memref<10240x128xf32, #tpu.memory_space<vmem_shared>> -> memref<128x128xf32, #tpu.memory_space<vmem_shared>>
      %dma_start3A_46 = arith.constant 0 : i32
      %dma_start3A_47 = tpu.memref_slice %arg9[%add3A_25, %dma_start3A_46] : memref<10240x128xf32, #tpu.memory_space<vmem_shared>> -> memref<128x128xf32, #tpu.memory_space<vmem_shared>>
      tpu.enqueue_dma source(%arg8 : memref<128x128xf32, #tpu.memory_space<vmem>>) target(%dma_start3A_47 : memref<128x128xf32, #tpu.memory_space<vmem_shared>>) target_semaphore(%run_scoped3A : memref<!tpu.dma_semaphore, #tpu.memory_space<semaphore_mem>>)
      %dma_wait3A = arith.constant 0 : i32
      %dma_wait3A_48 = tpu.memref_slice %arg9[%add3A_25, %dma_wait3A] : memref<10240x128xf32, #tpu.memory_space<vmem_shared>> -> memref<128x128xf32, #tpu.memory_space<vmem_shared>>
      %dma_wait3A_49 = arith.constant 0 : i32
      %dma_wait3A_50 = tpu.memref_slice %arg9[%add3A_25, %dma_wait3A_49] : memref<10240x128xf32, #tpu.memory_space<vmem_shared>> -> memref<128x128xf32, #tpu.memory_space<vmem_shared>>
      tpu.wait_dma2 semaphore(%run_scoped3A : memref<!tpu.dma_semaphore, #tpu.memory_space<semaphore_mem>>) src(%arg8 : memref<128x128xf32, #tpu.memory_space<vmem>>) dst(%dma_wait3A_50 : memref<128x128xf32, #tpu.memory_space<vmem_shared>>)
      tpu.yield
    }) : () -> ()
    "tpu.region"() ({
      %run_scoped3A = tpu.sem_alloc : memref<!tpu.dma_semaphore, #tpu.memory_space<semaphore_mem>>
      %dma_start3A = arith.constant 0 : i32
      %dma_start3A_45 = arith.constant 0 : i32
      %dma_start3A_46 = tpu.memref_slice %arg4[%add3A, %dma_start3A, %dma_start3A_45] : memref<32x98x128xi32, #tpu.memory_space<hbm>> -> memref<1x98x128xi32, #tpu.memory_space<hbm>>
      %dma_start3A_47 = tpu.memref_squeeze %dma_start3A_46 : memref<1x98x128xi32, #tpu.memory_space<hbm>> -> memref<98x128xi32, #tpu.memory_space<hbm>>
      %dma_start3A_48 = arith.constant 0 : i32
      %dma_start3A_49 = arith.constant 0 : i32
      %dma_start3A_50 = tpu.memref_slice %arg4[%add3A, %dma_start3A_48, %dma_start3A_49] : memref<32x98x128xi32, #tpu.memory_space<hbm>> -> memref<1x98x128xi32, #tpu.memory_space<hbm>>
      %dma_start3A_51 = tpu.memref_squeeze %dma_start3A_50 : memref<1x98x128xi32, #tpu.memory_space<hbm>> -> memref<98x128xi32, #tpu.memory_space<hbm>>
      tpu.enqueue_dma source(%dma_start3A_51 : memref<98x128xi32, #tpu.memory_space<hbm>>) target(%arg7 : memref<98x128xi32, #tpu.memory_space<vmem>>) target_semaphore(%run_scoped3A : memref<!tpu.dma_semaphore, #tpu.memory_space<semaphore_mem>>)
      %dma_wait3A = arith.constant 0 : i32
      %dma_wait3A_52 = arith.constant 0 : i32
      %dma_wait3A_53 = tpu.memref_slice %arg4[%add3A, %dma_wait3A, %dma_wait3A_52] : memref<32x98x128xi32, #tpu.memory_space<hbm>> -> memref<1x98x128xi32, #tpu.memory_space<hbm>>
      %dma_wait3A_54 = tpu.memref_squeeze %dma_wait3A_53 : memref<1x98x128xi32, #tpu.memory_space<hbm>> -> memref<98x128xi32, #tpu.memory_space<hbm>>
      %dma_wait3A_55 = arith.constant 0 : i32
      %dma_wait3A_56 = arith.constant 0 : i32
      %dma_wait3A_57 = tpu.memref_slice %arg4[%add3A, %dma_wait3A_55, %dma_wait3A_56] : memref<32x98x128xi32, #tpu.memory_space<hbm>> -> memref<1x98x128xi32, #tpu.memory_space<hbm>>
      %dma_wait3A_58 = tpu.memref_squeeze %dma_wait3A_57 : memref<1x98x128xi32, #tpu.memory_space<hbm>> -> memref<98x128xi32, #tpu.memory_space<hbm>>
      tpu.wait_dma2 semaphore(%run_scoped3A : memref<!tpu.dma_semaphore, #tpu.memory_space<semaphore_mem>>) src(%dma_wait3A_58 : memref<98x128xi32, #tpu.memory_space<hbm>>) dst(%arg7 : memref<98x128xi32, #tpu.memory_space<vmem>>)
      tpu.yield
    }) : () -> ()
    "tpu.region"() ({
      %run_scoped3A = tpu.sem_alloc : memref<!tpu.dma_semaphore, #tpu.memory_space<semaphore_mem>>
      %dma_start3A = arith.constant 0 : i32
      %dma_start3A_45 = arith.constant 0 : i32
      %dma_start3A_46 = tpu.memref_slice %arg3[%add3A, %dma_start3A, %dma_start3A_45] : memref<32x98x128xi32, #tpu.memory_space<hbm>> -> memref<1x98x128xi32, #tpu.memory_space<hbm>>
      %dma_start3A_47 = tpu.memref_squeeze %dma_start3A_46 : memref<1x98x128xi32, #tpu.memory_space<hbm>> -> memref<98x128xi32, #tpu.memory_space<hbm>>
      %dma_start3A_48 = arith.constant 0 : i32
      %dma_start3A_49 = arith.constant 0 : i32
      %dma_start3A_50 = tpu.memref_slice %arg3[%add3A, %dma_start3A_48, %dma_start3A_49] : memref<32x98x128xi32, #tpu.memory_space<hbm>> -> memref<1x98x128xi32, #tpu.memory_space<hbm>>
      %dma_start3A_51 = tpu.memref_squeeze %dma_start3A_50 : memref<1x98x128xi32, #tpu.memory_space<hbm>> -> memref<98x128xi32, #tpu.memory_space<hbm>>
      tpu.enqueue_dma source(%dma_start3A_51 : memref<98x128xi32, #tpu.memory_space<hbm>>) target(%arg6 : memref<98x128xi32, #tpu.memory_space<vmem>>) target_semaphore(%run_scoped3A : memref<!tpu.dma_semaphore, #tpu.memory_space<semaphore_mem>>)
      %dma_wait3A = arith.constant 0 : i32
      %dma_wait3A_52 = arith.constant 0 : i32
      %dma_wait3A_53 = tpu.memref_slice %arg3[%add3A, %dma_wait3A, %dma_wait3A_52] : memref<32x98x128xi32, #tpu.memory_space<hbm>> -> memref<1x98x128xi32, #tpu.memory_space<hbm>>
      %dma_wait3A_54 = tpu.memref_squeeze %dma_wait3A_53 : memref<1x98x128xi32, #tpu.memory_space<hbm>> -> memref<98x128xi32, #tpu.memory_space<hbm>>
      %dma_wait3A_55 = arith.constant 0 : i32
      %dma_wait3A_56 = arith.constant 0 : i32
      %dma_wait3A_57 = tpu.memref_slice %arg3[%add3A, %dma_wait3A_55, %dma_wait3A_56] : memref<32x98x128xi32, #tpu.memory_space<hbm>> -> memref<1x98x128xi32, #tpu.memory_space<hbm>>
      %dma_wait3A_58 = tpu.memref_squeeze %dma_wait3A_57 : memref<1x98x128xi32, #tpu.memory_space<hbm>> -> memref<98x128xi32, #tpu.memory_space<hbm>>
      tpu.wait_dma2 semaphore(%run_scoped3A : memref<!tpu.dma_semaphore, #tpu.memory_space<semaphore_mem>>) src(%dma_wait3A_58 : memref<98x128xi32, #tpu.memory_space<hbm>>) dst(%arg6 : memref<98x128xi32, #tpu.memory_space<vmem>>)
      tpu.yield
    }) : () -> ()
    %barrier3A = arith.constant 0 : index
    tpu.barrier barrier_id(%barrier3A)
    %eq3A = arith.constant 0 : i32
    %eq3A_26 = arith.cmpi eq, %arg0, %eq3A : i32
    %jit3A = arith.constant 98 : i32
    %jit3A_27 = arith.constant 59 : i32
    %select_n3A = arith.select %eq3A_26, %jit3A, %jit3A_27 : i32
    %while3A = arith.constant 0 : i32
    %while3A_28 = arith.constant 0 : i32
    %while3A_29 = arith.subi %select_n3A, %while3A_28 : i32
    %while3A_30 = arith.addi %while3A_28, %while3A_29 : i32
    %while3A_31 = arith.constant 1 : i32
    %while3A_32 = arith.divsi %while3A_29, %while3A_31 : i32
    %while3A_33 = arith.muli %while3A_32, %while3A_31 : i32
    %while3A_34 = arith.addi %while3A_28, %while3A_33 : i32
    %while3A_35 = arith.constant 1 : i32
    scf.for %while3A_45 = %while3A_28 to %while3A_34 step %while3A_35  : i32 {
      %dma_start3A = arith.constant 0 : i32
      %dma_start3A_46 = tpu.memref_slice %arg6[%while3A_45, %dma_start3A] : memref<98x128xi32, #tpu.memory_space<vmem>> -> memref<1x128xi32, #tpu.memory_space<vmem>>
      %dma_start3A_47 = tpu.memref_squeeze %dma_start3A_46 : memref<1x128xi32, #tpu.memory_space<vmem>> -> memref<128xi32, #tpu.memory_space<vmem>>
      %dma_start3A_48 = arith.constant 0 : i32
      %dma_start3A_49 = arith.constant 0 : i32
      %dma_start3A_50 = tpu.memref_slice %arg2[%dma_start3A_48, %dma_start3A_49] : memref<10240x128xf32, #tpu.memory_space<hbm>> -> memref<10240x128xf32, #tpu.memory_space<hbm>>
      tpu.enqueue_indirect_dma source(%dma_start3A_50 : memref<10240x128xf32, #tpu.memory_space<hbm>>) target(%arg8 : memref<128x128xf32, #tpu.memory_space<vmem>>) offsets(%dma_start3A_47 : memref<128xi32, #tpu.memory_space<vmem>>) semaphore(%arg10 : memref<!tpu.dma_semaphore, #tpu.memory_space<semaphore_mem>>)
      %dma_wait3A = arith.constant 0 : i32
      %dma_wait3A_51 = tpu.memref_slice %arg6[%while3A_45, %dma_wait3A] : memref<98x128xi32, #tpu.memory_space<vmem>> -> memref<1x128xi32, #tpu.memory_space<vmem>>
      %dma_wait3A_52 = tpu.memref_squeeze %dma_wait3A_51 : memref<1x128xi32, #tpu.memory_space<vmem>> -> memref<128xi32, #tpu.memory_space<vmem>>
      %dma_wait3A_53 = arith.constant 0 : i32
      %dma_wait3A_54 = arith.constant 0 : i32
      %dma_wait3A_55 = tpu.memref_slice %arg2[%dma_wait3A_53, %dma_wait3A_54] : memref<10240x128xf32, #tpu.memory_space<hbm>> -> memref<10240x128xf32, #tpu.memory_space<hbm>>
      tpu.wait_indirect_dma semaphore(%arg10 : memref<!tpu.dma_semaphore, #tpu.memory_space<semaphore_mem>>) src(%dma_wait3A_55 : memref<10240x128xf32, #tpu.memory_space<hbm>>) dst(%arg8 : memref<128x128xf32, #tpu.memory_space<vmem>>)
      "tpu.region"() ({
        %run_scoped3A = tpu.sem_alloc : memref<!tpu.dma_semaphore, #tpu.memory_space<semaphore_mem>>
        %dma_start3A_56 = arith.constant 0 : i32
        %dma_start3A_57 = tpu.memref_slice %arg7[%while3A_45, %dma_start3A_56] : memref<98x128xi32, #tpu.memory_space<vmem>> -> memref<1x128xi32, #tpu.memory_space<vmem>>
        %dma_start3A_58 = tpu.memref_squeeze %dma_start3A_57 : memref<1x128xi32, #tpu.memory_space<vmem>> -> memref<128xi32, #tpu.memory_space<vmem>>
        %dma_start3A_59 = arith.constant 0 : i32
        %dma_start3A_60 = arith.constant 0 : i32
        %dma_start3A_61 = tpu.memref_slice %arg9[%dma_start3A_59, %dma_start3A_60] : memref<10240x128xf32, #tpu.memory_space<vmem_shared>> -> memref<10240x128xf32, #tpu.memory_space<vmem_shared>>
        tpu.enqueue_indirect_dma source(%arg8 : memref<128x128xf32, #tpu.memory_space<vmem>>) target(%dma_start3A_61 : memref<10240x128xf32, #tpu.memory_space<vmem_shared>>) offsets(%dma_start3A_58 : memref<128xi32, #tpu.memory_space<vmem>>) semaphore(%run_scoped3A : memref<!tpu.dma_semaphore, #tpu.memory_space<semaphore_mem>>) {add = true}
        %dma_wait3A_62 = arith.constant 0 : i32
        %dma_wait3A_63 = tpu.memref_slice %arg7[%while3A_45, %dma_wait3A_62] : memref<98x128xi32, #tpu.memory_space<vmem>> -> memref<1x128xi32, #tpu.memory_space<vmem>>
        %dma_wait3A_64 = tpu.memref_squeeze %dma_wait3A_63 : memref<1x128xi32, #tpu.memory_space<vmem>> -> memref<128xi32, #tpu.memory_space<vmem>>
        %dma_wait3A_65 = arith.constant 0 : i32
        %dma_wait3A_66 = arith.constant 0 : i32
        %dma_wait3A_67 = tpu.memref_slice %arg9[%dma_wait3A_65, %dma_wait3A_66] : memref<10240x128xf32, #tpu.memory_space<vmem_shared>> -> memref<10240x128xf32, #tpu.memory_space<vmem_shared>>
        tpu.wait_indirect_dma semaphore(%run_scoped3A : memref<!tpu.dma_semaphore, #tpu.memory_space<semaphore_mem>>) src(%arg8 : memref<128x128xf32, #tpu.memory_space<vmem>>) dst(%dma_wait3A_67 : memref<10240x128xf32, #tpu.memory_space<vmem_shared>>)
        tpu.yield
      }) : () -> ()
    }
    %while3A_36 = arith.constant 1 : i32
    scf.for %while3A_45 = %while3A_34 to %while3A_30 step %while3A_36  : i32 {
      %dma_start3A = arith.constant 0 : i32
      %dma_start3A_46 = tpu.memref_slice %arg6[%while3A_45, %dma_start3A] : memref<98x128xi32, #tpu.memory_space<vmem>> -> memref<1x128xi32, #tpu.memory_space<vmem>>
      %dma_start3A_47 = tpu.memref_squeeze %dma_start3A_46 : memref<1x128xi32, #tpu.memory_space<vmem>> -> memref<128xi32, #tpu.memory_space<vmem>>
      %dma_start3A_48 = arith.constant 0 : i32
      %dma_start3A_49 = arith.constant 0 : i32
      %dma_start3A_50 = tpu.memref_slice %arg2[%dma_start3A_48, %dma_start3A_49] : memref<10240x128xf32, #tpu.memory_space<hbm>> -> memref<10240x128xf32, #tpu.memory_space<hbm>>
      tpu.enqueue_indirect_dma source(%dma_start3A_50 : memref<10240x128xf32, #tpu.memory_space<hbm>>) target(%arg8 : memref<128x128xf32, #tpu.memory_space<vmem>>) offsets(%dma_start3A_47 : memref<128xi32, #tpu.memory_space<vmem>>) semaphore(%arg10 : memref<!tpu.dma_semaphore, #tpu.memory_space<semaphore_mem>>)
      %dma_wait3A = arith.constant 0 : i32
      %dma_wait3A_51 = tpu.memref_slice %arg6[%while3A_45, %dma_wait3A] : memref<98x128xi32, #tpu.memory_space<vmem>> -> memref<1x128xi32, #tpu.memory_space<vmem>>
      %dma_wait3A_52 = tpu.memref_squeeze %dma_wait3A_51 : memref<1x128xi32, #tpu.memory_space<vmem>> -> memref<128xi32, #tpu.memory_space<vmem>>
      %dma_wait3A_53 = arith.constant 0 : i32
      %dma_wait3A_54 = arith.constant 0 : i32
      %dma_wait3A_55 = tpu.memref_slice %arg2[%dma_wait3A_53, %dma_wait3A_54] : memref<10240x128xf32, #tpu.memory_space<hbm>> -> memref<10240x128xf32, #tpu.memory_space<hbm>>
      tpu.wait_indirect_dma semaphore(%arg10 : memref<!tpu.dma_semaphore, #tpu.memory_space<semaphore_mem>>) src(%dma_wait3A_55 : memref<10240x128xf32, #tpu.memory_space<hbm>>) dst(%arg8 : memref<128x128xf32, #tpu.memory_space<vmem>>)
      "tpu.region"() ({
        %run_scoped3A = tpu.sem_alloc : memref<!tpu.dma_semaphore, #tpu.memory_space<semaphore_mem>>
        %dma_start3A_56 = arith.constant 0 : i32
        %dma_start3A_57 = tpu.memref_slice %arg7[%while3A_45, %dma_start3A_56] : memref<98x128xi32, #tpu.memory_space<vmem>> -> memref<1x128xi32, #tpu.memory_space<vmem>>
        %dma_start3A_58 = tpu.memref_squeeze %dma_start3A_57 : memref<1x128xi32, #tpu.memory_space<vmem>> -> memref<128xi32, #tpu.memory_space<vmem>>
        %dma_start3A_59 = arith.constant 0 : i32
        %dma_start3A_60 = arith.constant 0 : i32
        %dma_start3A_61 = tpu.memref_slice %arg9[%dma_start3A_59, %dma_start3A_60] : memref<10240x128xf32, #tpu.memory_space<vmem_shared>> -> memref<10240x128xf32, #tpu.memory_space<vmem_shared>>
        tpu.enqueue_indirect_dma source(%arg8 : memref<128x128xf32, #tpu.memory_space<vmem>>) target(%dma_start3A_61 : memref<10240x128xf32, #tpu.memory_space<vmem_shared>>) offsets(%dma_start3A_58 : memref<128xi32, #tpu.memory_space<vmem>>) semaphore(%run_scoped3A : memref<!tpu.dma_semaphore, #tpu.memory_space<semaphore_mem>>) {add = true}
        %dma_wait3A_62 = arith.constant 0 : i32
        %dma_wait3A_63 = tpu.memref_slice %arg7[%while3A_45, %dma_wait3A_62] : memref<98x128xi32, #tpu.memory_space<vmem>> -> memref<1x128xi32, #tpu.memory_space<vmem>>
        %dma_wait3A_64 = tpu.memref_squeeze %dma_wait3A_63 : memref<1x128xi32, #tpu.memory_space<vmem>> -> memref<128xi32, #tpu.memory_space<vmem>>
        %dma_wait3A_65 = arith.constant 0 : i32
        %dma_wait3A_66 = arith.constant 0 : i32
        %dma_wait3A_67 = tpu.memref_slice %arg9[%dma_wait3A_65, %dma_wait3A_66] : memref<10240x128xf32, #tpu.memory_space<vmem_shared>> -> memref<10240x128xf32, #tpu.memory_space<vmem_shared>>
        tpu.wait_indirect_dma semaphore(%run_scoped3A : memref<!tpu.dma_semaphore, #tpu.memory_space<semaphore_mem>>) src(%arg8 : memref<128x128xf32, #tpu.memory_space<vmem>>) dst(%dma_wait3A_67 : memref<10240x128xf32, #tpu.memory_space<vmem_shared>>)
        tpu.yield
      }) : () -> ()
    }
    %barrier3A_37 = arith.constant 0 : index
    tpu.barrier barrier_id(%barrier3A_37)
    %mul3A_38 = arith.constant 640 : i32
    %mul3A_39 = arith.muli %arg1, %mul3A_38 : i32
    %mul3A_40 = arith.constant 10240 : i32
    %mul3A_41 = arith.muli %arg0, %mul3A_40 : i32
    %mul3A_42 = arith.constant 640 : i32
    %mul3A_43 = arith.muli %arg1, %mul3A_42 : i32
    %add3A_44 = arith.addi %mul3A_41, %mul3A_43 : i32
    "tpu.region"() ({
      %run_scoped3A = tpu.sem_alloc : memref<!tpu.dma_semaphore, #tpu.memory_space<semaphore_mem>>
      %dma_start3A = arith.constant 0 : i32
      %dma_start3A_45 = tpu.memref_slice %arg5[%add3A_44, %dma_start3A] : memref<20480x128xf32, #tpu.memory_space<hbm>> -> memref<640x128xf32, #tpu.memory_space<hbm>>
      %dma_start3A_46 = arith.constant 0 : i32
      %dma_start3A_47 = tpu.memref_slice %arg9[%mul3A_39, %dma_start3A_46] : memref<10240x128xf32, #tpu.memory_space<vmem_shared>> -> memref<640x128xf32, #tpu.memory_space<vmem_shared>>
      tpu.enqueue_dma source(%dma_start3A_47 : memref<640x128xf32, #tpu.memory_space<vmem_shared>>) target(%dma_start3A_45 : memref<640x128xf32, #tpu.memory_space<hbm>>) target_semaphore(%run_scoped3A : memref<!tpu.dma_semaphore, #tpu.memory_space<semaphore_mem>>)
      %dma_wait3A = arith.constant 0 : i32
      %dma_wait3A_48 = tpu.memref_slice %arg5[%add3A_44, %dma_wait3A] : memref<20480x128xf32, #tpu.memory_space<hbm>> -> memref<640x128xf32, #tpu.memory_space<hbm>>
      %dma_wait3A_49 = arith.constant 0 : i32
      %dma_wait3A_50 = tpu.memref_slice %arg9[%mul3A_39, %dma_wait3A_49] : memref<10240x128xf32, #tpu.memory_space<vmem_shared>> -> memref<640x128xf32, #tpu.memory_space<vmem_shared>>
      tpu.wait_dma2 semaphore(%run_scoped3A : memref<!tpu.dma_semaphore, #tpu.memory_space<semaphore_mem>>) src(%dma_wait3A_50 : memref<640x128xf32, #tpu.memory_space<vmem_shared>>) dst(%dma_wait3A_48 : memref<640x128xf32, #tpu.memory_space<hbm>>)
      tpu.yield
    }) : () -> ()
    return
  }
}

module attributes {stable_mosaic.version = 14 : i64} {
  func.func @_lambda_(%arg0: i32, %arg1: memref<1024x16xf32, #tpu.memory_space<vmem>>, %arg2: memref<1024x16xf32, #tpu.memory_space<vmem>>, %arg3: memref<1024x128xf32, #tpu.memory_space<vmem>>, %arg4: memref<1024x1xf32, #tpu.memory_space<vmem>>, %arg5: memref<1024x128xf32, #tpu.memory_space<vmem>>) attributes {dimension_semantics = [#tpu.dimension_semantics<arbitrary>], iteration_bounds = array<i64: 10>, scalar_prefetch = 0 : i64, scratch_operands = 0 : i64, tpu.core_type = #tpu.core_type<tc>, window_params = [{transform_indices = @transform_0, window_bounds = array<i64: 1024, 16>}, {transform_indices = @transform_1, window_bounds = array<i64: 1024, 16>}, {transform_indices = @transform_2, window_bounds = array<i64: 1024, 128>}, {transform_indices = @transform_3, window_bounds = array<i64: 1024, 1>}, {transform_indices = @transform_4, window_bounds = array<i64: 1024, 128>}]} {
    %get3A = arith.constant 0 : index
    %get3A_0 = arith.constant 0 : index
    %get3A_1 = vector.load %arg1[%get3A, %get3A_0] : memref<1024x16xf32, #tpu.memory_space<vmem>>, vector<1024x1xf32>
    %get3A_2 = arith.constant 0 : index
    %get3A_3 = arith.constant 0 : index
    %get3A_4 = vector.load %arg2[%get3A_2, %get3A_3] : memref<1024x16xf32, #tpu.memory_space<vmem>>, vector<1024x1xf32>
    %add3A = arith.addf %get3A_1, %get3A_4 : vector<1024x1xf32>
    %max3A = arith.constant 1.000000e+00 : f32
    %max3A_5 = vector.broadcast %max3A : f32 to vector<1024x1xf32>
    %max3A_6 = arith.maximumf %add3A, %max3A_5 : vector<1024x1xf32>
    %rsqrt3A = math.rsqrt %max3A_6 : vector<1024x1xf32>
    %swap3A = arith.constant 0 : index
    %swap3A_7 = arith.constant 0 : index
    %swap3A_8 = vector.load %arg4[%swap3A, %swap3A_7] : memref<1024x1xf32, #tpu.memory_space<vmem>>, vector<1024x1xf32>
    tpu.vector_store %arg4[%swap3A, %swap3A_7], %rsqrt3A {strides = array<i32>} : memref<1024x1xf32, #tpu.memory_space<vmem>>, vector<1024x1xf32>,
    %get3A_9 = arith.constant 0 : index
    %get3A_10 = arith.constant 0 : index
    %get3A_11 = vector.load %arg3[%get3A_9, %get3A_10] : memref<1024x128xf32, #tpu.memory_space<vmem>>, vector<1024x128xf32>
    %mul3A = vector.broadcast %rsqrt3A : vector<1024x1xf32> to vector<1024x128xf32>
    %mul3A_12 = arith.mulf %get3A_11, %mul3A : vector<1024x128xf32>
    %swap3A_13 = arith.constant 0 : index
    %swap3A_14 = arith.constant 0 : index
    %swap3A_15 = vector.load %arg5[%swap3A_13, %swap3A_14] : memref<1024x128xf32, #tpu.memory_space<vmem>>, vector<1024x128xf32>
    tpu.vector_store %arg5[%swap3A_13, %swap3A_14], %mul3A_12 {strides = array<i32>} : memref<1024x128xf32, #tpu.memory_space<vmem>>, vector<1024x128xf32>,
    return
  }
  func.func @transform_0(%arg0: i32) -> (i32, i32) {
    %c0_i32 = arith.constant 0 : i32
    %c0_i32_0 = arith.constant 0 : i32
    return %arg0, %c0_i32 : i32, i32
  }
  func.func @transform_1(%arg0: i32) -> (i32, i32) {
    %c0_i32 = arith.constant 0 : i32
    %c0_i32_0 = arith.constant 0 : i32
    return %arg0, %c0_i32 : i32, i32
  }
  func.func @transform_2(%arg0: i32) -> (i32, i32) {
    %c0_i32 = arith.constant 0 : i32
    %c0_i32_0 = arith.constant 0 : i32
    return %arg0, %c0_i32 : i32, i32
  }
  func.func @transform_3(%arg0: i32) -> (i32, i32) {
    %c0_i32 = arith.constant 0 : i32
    %c0_i32_0 = arith.constant 0 : i32
    return %arg0, %c0_i32 : i32, i32
  }
  func.func @transform_4(%arg0: i32) -> (i32, i32) {
    %c0_i32 = arith.constant 0 : i32
    %c0_i32_0 = arith.constant 0 : i32
    return %arg0, %c0_i32 : i32, i32
  }
}

module attributes {stable_mosaic.version = 14 : i64} {
  func.func @_layer1_body(%arg0: i32, %arg1: memref<1024x128xf32, #tpu.memory_space<vmem>>, %arg2: memref<1024x128xf32, #tpu.memory_space<vmem>>, %arg3: memref<1024x1xf32, #tpu.memory_space<vmem>>, %arg4: memref<1024x128xf32, #tpu.memory_space<vmem>>, %arg5: memref<128x128xf32, #tpu.memory_space<vmem>>, %arg6: memref<1024x128xf32, #tpu.memory_space<vmem>>, %arg7: memref<1024x128xf32, #tpu.memory_space<vmem>>) attributes {dimension_semantics = [#tpu.dimension_semantics<arbitrary>], iteration_bounds = array<i64: 10>, scalar_prefetch = 0 : i64, scratch_operands = 0 : i64, tpu.core_type = #tpu.core_type<tc>, window_params = [{transform_indices = @transform_0, window_bounds = array<i64: 1024, 128>}, {transform_indices = @transform_1, window_bounds = array<i64: 1024, 128>}, {transform_indices = @transform_2, window_bounds = array<i64: 1024, 1>}, {transform_indices = @transform_3, window_bounds = array<i64: 1024, 128>}, {pipeline_mode = #tpu.pipeline_mode<synchronous>, transform_indices = @transform_4, window_bounds = array<i64: 128, 128>}, {transform_indices = @transform_5, window_bounds = array<i64: 1024, 128>}, {transform_indices = @transform_6, window_bounds = array<i64: 1024, 128>}]} {
    %get3A = arith.constant 0 : index
    %get3A_0 = arith.constant 0 : index
    %get3A_1 = vector.load %arg1[%get3A, %get3A_0] : memref<1024x128xf32, #tpu.memory_space<vmem>>, vector<1024x128xf32>
    %get3A_2 = arith.constant 0 : index
    %get3A_3 = arith.constant 0 : index
    %get3A_4 = vector.load %arg2[%get3A_2, %get3A_3] : memref<1024x128xf32, #tpu.memory_space<vmem>>, vector<1024x128xf32>
    %add3A = arith.addf %get3A_1, %get3A_4 : vector<1024x128xf32>
    %get3A_5 = arith.constant 0 : index
    %get3A_6 = arith.constant 0 : index
    %get3A_7 = vector.load %arg3[%get3A_5, %get3A_6] : memref<1024x1xf32, #tpu.memory_space<vmem>>, vector<1024x1xf32>
    %mul3A = vector.broadcast %get3A_7 : vector<1024x1xf32> to vector<1024x128xf32>
    %mul3A_8 = arith.mulf %add3A, %mul3A : vector<1024x128xf32>
    %get3A_9 = arith.constant 0 : index
    %get3A_10 = arith.constant 0 : index
    %get3A_11 = vector.load %arg5[%get3A_9, %get3A_10] : memref<128x128xf32, #tpu.memory_space<vmem>>, vector<128x128xf32>
    %dot_general3A = arith.constant dense<0.000000e+00> : vector<1024x128xf32>
    %dot_general3A_12 = tpu.matmul %mul3A_8, %get3A_11, %dot_general3A {dimension_numbers = #tpu.dot_dimension_numbers<[1], [0], [0], [1], [0, 0, 1, 1], [], []>, transpose_lhs_hint = false} : vector<1024x128xf32>, vector<128x128xf32>, vector<1024x128xf32> -> vector<1024x128xf32>
    %get3A_13 = arith.constant 0 : index
    %get3A_14 = arith.constant 0 : index
    %get3A_15 = vector.load %arg4[%get3A_13, %get3A_14] : memref<1024x128xf32, #tpu.memory_space<vmem>>, vector<1024x128xf32>
    %add3A_16 = arith.addf %dot_general3A_12, %get3A_15 : vector<1024x128xf32>
    %tanh3A = math.tanh %add3A_16 : vector<1024x128xf32>
    %swap3A = arith.constant 0 : index
    %swap3A_17 = arith.constant 0 : index
    %swap3A_18 = vector.load %arg6[%swap3A, %swap3A_17] : memref<1024x128xf32, #tpu.memory_space<vmem>>, vector<1024x128xf32>
    tpu.vector_store %arg6[%swap3A, %swap3A_17], %tanh3A {strides = array<i32>} : memref<1024x128xf32, #tpu.memory_space<vmem>>, vector<1024x128xf32>,
    %get3A_19 = arith.constant 0 : index
    %get3A_20 = arith.constant 0 : index
    %get3A_21 = vector.load %arg3[%get3A_19, %get3A_20] : memref<1024x1xf32, #tpu.memory_space<vmem>>, vector<1024x1xf32>
    %mul3A_22 = vector.broadcast %get3A_21 : vector<1024x1xf32> to vector<1024x128xf32>
    %mul3A_23 = arith.mulf %tanh3A, %mul3A_22 : vector<1024x128xf32>
    %swap3A_24 = arith.constant 0 : index
    %swap3A_25 = arith.constant 0 : index
    %swap3A_26 = vector.load %arg7[%swap3A_24, %swap3A_25] : memref<1024x128xf32, #tpu.memory_space<vmem>>, vector<1024x128xf32>
    tpu.vector_store %arg7[%swap3A_24, %swap3A_25], %mul3A_23 {strides = array<i32>} : memref<1024x128xf32, #tpu.memory_space<vmem>>, vector<1024x128xf32>,
    return
  }
  func.func @transform_0(%arg0: i32) -> (i32, i32) {
    %c0_i32 = arith.constant 0 : i32
    %c0_i32_0 = arith.constant 0 : i32
    return %arg0, %c0_i32 : i32, i32
  }
  func.func @transform_1(%arg0: i32) -> (i32, i32) {
    %c0_i32 = arith.constant 0 : i32
    %c0_i32_0 = arith.constant 0 : i32
    return %arg0, %c0_i32 : i32, i32
  }
  func.func @transform_2(%arg0: i32) -> (i32, i32) {
    %c0_i32 = arith.constant 0 : i32
    %c0_i32_0 = arith.constant 0 : i32
    return %arg0, %c0_i32 : i32, i32
  }
  func.func @transform_3(%arg0: i32) -> (i32, i32) {
    %c0_i32 = arith.constant 0 : i32
    %c0_i32_0 = arith.constant 0 : i32
    return %arg0, %c0_i32 : i32, i32
  }
  func.func @transform_4(%arg0: i32) -> (i32, i32) {
    %c0_i32 = arith.constant 0 : i32
    %c0_i32_0 = arith.constant 0 : i32
    %c0_i32_1 = arith.constant 0 : i32
    return %c0_i32, %c0_i32_0 : i32, i32
  }
  func.func @transform_5(%arg0: i32) -> (i32, i32) {
    %c0_i32 = arith.constant 0 : i32
    %c0_i32_0 = arith.constant 0 : i32
    return %arg0, %c0_i32 : i32, i32
  }
  func.func @transform_6(%arg0: i32) -> (i32, i32) {
    %c0_i32 = arith.constant 0 : i32
    %c0_i32_0 = arith.constant 0 : i32
    return %arg0, %c0_i32 : i32, i32
  }
}

module attributes {stable_mosaic.version = 14 : i64} {
  func.func @_layer2_body(%arg0: i32, %arg1: memref<1024x128xf32, #tpu.memory_space<vmem>>, %arg2: memref<1024x128xf32, #tpu.memory_space<vmem>>, %arg3: memref<1024x1xf32, #tpu.memory_space<vmem>>, %arg4: memref<1024x128xf32, #tpu.memory_space<vmem>>, %arg5: memref<128x128xf32, #tpu.memory_space<vmem>>, %arg6: memref<128x64xf32, #tpu.memory_space<vmem>>, %arg7: memref<1024x64xf32, #tpu.memory_space<vmem>>) attributes {dimension_semantics = [#tpu.dimension_semantics<arbitrary>], iteration_bounds = array<i64: 10>, scalar_prefetch = 0 : i64, scratch_operands = 0 : i64, tpu.core_type = #tpu.core_type<tc>, window_params = [{transform_indices = @transform_0, window_bounds = array<i64: 1024, 128>}, {transform_indices = @transform_1, window_bounds = array<i64: 1024, 128>}, {transform_indices = @transform_2, window_bounds = array<i64: 1024, 1>}, {transform_indices = @transform_3, window_bounds = array<i64: 1024, 128>}, {pipeline_mode = #tpu.pipeline_mode<synchronous>, transform_indices = @transform_4, window_bounds = array<i64: 128, 128>}, {pipeline_mode = #tpu.pipeline_mode<synchronous>, transform_indices = @transform_5, window_bounds = array<i64: 128, 64>}, {transform_indices = @transform_6, window_bounds = array<i64: 1024, 64>}]} {
    %get3A = arith.constant 0 : index
    %get3A_0 = arith.constant 0 : index
    %get3A_1 = vector.load %arg1[%get3A, %get3A_0] : memref<1024x128xf32, #tpu.memory_space<vmem>>, vector<1024x128xf32>
    %get3A_2 = arith.constant 0 : index
    %get3A_3 = arith.constant 0 : index
    %get3A_4 = vector.load %arg2[%get3A_2, %get3A_3] : memref<1024x128xf32, #tpu.memory_space<vmem>>, vector<1024x128xf32>
    %add3A = arith.addf %get3A_1, %get3A_4 : vector<1024x128xf32>
    %get3A_5 = arith.constant 0 : index
    %get3A_6 = arith.constant 0 : index
    %get3A_7 = vector.load %arg3[%get3A_5, %get3A_6] : memref<1024x1xf32, #tpu.memory_space<vmem>>, vector<1024x1xf32>
    %mul3A = vector.broadcast %get3A_7 : vector<1024x1xf32> to vector<1024x128xf32>
    %mul3A_8 = arith.mulf %add3A, %mul3A : vector<1024x128xf32>
    %get3A_9 = arith.constant 0 : index
    %get3A_10 = arith.constant 0 : index
    %get3A_11 = vector.load %arg5[%get3A_9, %get3A_10] : memref<128x128xf32, #tpu.memory_space<vmem>>, vector<128x128xf32>
    %dot_general3A = arith.constant dense<0.000000e+00> : vector<1024x128xf32>
    %dot_general3A_12 = tpu.matmul %mul3A_8, %get3A_11, %dot_general3A {dimension_numbers = #tpu.dot_dimension_numbers<[1], [0], [0], [1], [0, 0, 1, 1], [], []>, transpose_lhs_hint = false} : vector<1024x128xf32>, vector<128x128xf32>, vector<1024x128xf32> -> vector<1024x128xf32>
    %get3A_13 = arith.constant 0 : index
    %get3A_14 = arith.constant 0 : index
    %get3A_15 = vector.load %arg4[%get3A_13, %get3A_14] : memref<1024x128xf32, #tpu.memory_space<vmem>>, vector<1024x128xf32>
    %add3A_16 = arith.addf %dot_general3A_12, %get3A_15 : vector<1024x128xf32>
    %tanh3A = math.tanh %add3A_16 : vector<1024x128xf32>
    %get3A_17 = arith.constant 0 : index
    %get3A_18 = arith.constant 0 : index
    %get3A_19 = vector.load %arg3[%get3A_17, %get3A_18] : memref<1024x1xf32, #tpu.memory_space<vmem>>, vector<1024x1xf32>
    %mul3A_20 = vector.broadcast %get3A_19 : vector<1024x1xf32> to vector<1024x128xf32>
    %mul3A_21 = arith.mulf %tanh3A, %mul3A_20 : vector<1024x128xf32>
    %get3A_22 = arith.constant 0 : index
    %get3A_23 = arith.constant 0 : index
    %get3A_24 = vector.load %arg6[%get3A_22, %get3A_23] : memref<128x64xf32, #tpu.memory_space<vmem>>, vector<128x64xf32>
    %dot_general3A_25 = arith.constant dense<0.000000e+00> : vector<1024x64xf32>
    %dot_general3A_26 = tpu.matmul %mul3A_21, %get3A_24, %dot_general3A_25 {dimension_numbers = #tpu.dot_dimension_numbers<[1], [0], [0], [1], [0, 0, 1, 1], [], []>, transpose_lhs_hint = false} : vector<1024x128xf32>, vector<128x64xf32>, vector<1024x64xf32> -> vector<1024x64xf32>
    %swap3A = arith.constant 0 : index
    %swap3A_27 = arith.constant 0 : index
    %swap3A_28 = vector.load %arg7[%swap3A, %swap3A_27] : memref<1024x64xf32, #tpu.memory_space<vmem>>, vector<1024x64xf32>
    tpu.vector_store %arg7[%swap3A, %swap3A_27], %dot_general3A_26 {strides = array<i32>} : memref<1024x64xf32, #tpu.memory_space<vmem>>, vector<1024x64xf32>,
    return
  }
  func.func @transform_0(%arg0: i32) -> (i32, i32) {
    %c0_i32 = arith.constant 0 : i32
    %c0_i32_0 = arith.constant 0 : i32
    return %arg0, %c0_i32 : i32, i32
  }
  func.func @transform_1(%arg0: i32) -> (i32, i32) {
    %c0_i32 = arith.constant 0 : i32
    %c0_i32_0 = arith.constant 0 : i32
    return %arg0, %c0_i32 : i32, i32
  }
  func.func @transform_2(%arg0: i32) -> (i32, i32) {
    %c0_i32 = arith.constant 0 : i32
    %c0_i32_0 = arith.constant 0 : i32
    return %arg0, %c0_i32 : i32, i32
  }
  func.func @transform_3(%arg0: i32) -> (i32, i32) {
    %c0_i32 = arith.constant 0 : i32
    %c0_i32_0 = arith.constant 0 : i32
    return %arg0, %c0_i32 : i32, i32
  }
  func.func @transform_4(%arg0: i32) -> (i32, i32) {
    %c0_i32 = arith.constant 0 : i32
    %c0_i32_0 = arith.constant 0 : i32
    %c0_i32_1 = arith.constant 0 : i32
    return %c0_i32, %c0_i32_0 : i32, i32
  }
  func.func @transform_5(%arg0: i32) -> (i32, i32) {
    %c0_i32 = arith.constant 0 : i32
    %c0_i32_0 = arith.constant 0 : i32
    %c0_i32_1 = arith.constant 0 : i32
    return %c0_i32, %c0_i32_0 : i32, i32
  }
  func.func @transform_6(%arg0: i32) -> (i32, i32) {
    %c0_i32 = arith.constant 0 : i32
    %c0_i32_0 = arith.constant 0 : i32
    return %arg0, %c0_i32 : i32, i32
  }
}

module attributes {stable_mosaic.version = 14 : i64} {
  func.func @_final_body(%arg0: i32, %arg1: memref<1024x64xf32, #tpu.memory_space<vmem>>, %arg2: memref<1024x64xf32, #tpu.memory_space<vmem>>, %arg3: memref<1024x1xf32, #tpu.memory_space<vmem>>, %arg4: memref<1024x64xf32, #tpu.memory_space<vmem>>) attributes {dimension_semantics = [#tpu.dimension_semantics<arbitrary>], iteration_bounds = array<i64: 10>, scalar_prefetch = 0 : i64, scratch_operands = 0 : i64, tpu.core_type = #tpu.core_type<tc>, window_params = [{transform_indices = @transform_0, window_bounds = array<i64: 1024, 64>}, {transform_indices = @transform_1, window_bounds = array<i64: 1024, 64>}, {transform_indices = @transform_2, window_bounds = array<i64: 1024, 1>}, {transform_indices = @transform_3, window_bounds = array<i64: 1024, 64>}]} {
    %get3A = arith.constant 0 : index
    %get3A_0 = arith.constant 0 : index
    %get3A_1 = vector.load %arg1[%get3A, %get3A_0] : memref<1024x64xf32, #tpu.memory_space<vmem>>, vector<1024x64xf32>
    %get3A_2 = arith.constant 0 : index
    %get3A_3 = arith.constant 0 : index
    %get3A_4 = vector.load %arg2[%get3A_2, %get3A_3] : memref<1024x64xf32, #tpu.memory_space<vmem>>, vector<1024x64xf32>
    %add3A = arith.addf %get3A_1, %get3A_4 : vector<1024x64xf32>
    %get3A_5 = arith.constant 0 : index
    %get3A_6 = arith.constant 0 : index
    %get3A_7 = vector.load %arg3[%get3A_5, %get3A_6] : memref<1024x1xf32, #tpu.memory_space<vmem>>, vector<1024x1xf32>
    %mul3A = vector.broadcast %get3A_7 : vector<1024x1xf32> to vector<1024x64xf32>
    %mul3A_8 = arith.mulf %add3A, %mul3A : vector<1024x64xf32>
    %swap3A = arith.constant 0 : index
    %swap3A_9 = arith.constant 0 : index
    %swap3A_10 = vector.load %arg4[%swap3A, %swap3A_9] : memref<1024x64xf32, #tpu.memory_space<vmem>>, vector<1024x64xf32>
    tpu.vector_store %arg4[%swap3A, %swap3A_9], %mul3A_8 {strides = array<i32>} : memref<1024x64xf32, #tpu.memory_space<vmem>>, vector<1024x64xf32>,
    return
  }
  func.func @transform_0(%arg0: i32) -> (i32, i32) {
    %c0_i32 = arith.constant 0 : i32
    %c0_i32_0 = arith.constant 0 : i32
    return %arg0, %c0_i32 : i32, i32
  }
  func.func @transform_1(%arg0: i32) -> (i32, i32) {
    %c0_i32 = arith.constant 0 : i32
    %c0_i32_0 = arith.constant 0 : i32
    return %arg0, %c0_i32 : i32, i32
  }
  func.func @transform_2(%arg0: i32) -> (i32, i32) {
    %c0_i32 = arith.constant 0 : i32
    %c0_i32_0 = arith.constant 0 : i32
    return %arg0, %c0_i32 : i32, i32
  }
  func.func @transform_3(%arg0: i32) -> (i32, i32) {
    %c0_i32 = arith.constant 0 : i32
    %c0_i32_0 = arith.constant 0 : i32
    return %arg0, %c0_i32 : i32, i32
  }
}

</mosaic_0001>

<sc_bundles>
// kernel: kernel.10.cloned.1.call-start
scs
__scs_entry_jumppad:
0x0: {  	(pc) =	sbr.rel $0x88, $3  }
0x1: {  	(tag) =	ssettag $0x0;
	lr =	simm.s32 $0x1  }
0x2: {  	[smem:$0x3F99] =	sst lr;
	_ =	strace $0xD0000000  }
0x3: {  	_ = 	snop  }
0x4: {  	_ = 	snop  }
0x5: {  	_ = 	snop  }
0x6: {  	_ = 	snop  }
0x7: {  	_ = 	snop  }
__scs_overlays_trampoline_lowered:
0x8: {  	[smem:$0x3FA8] =	sst s0  }
0x9: {  	[smem:$0x3FA9] =	sst s1  }
0xa: {  	[smem:$0x3FAA] =	sst s2  }
0xb: {  	[smem:$0x3FAB] =	sst s3  }
0xc: {  	[smem:$0x3FAC] =	sst s4  }
0xd: {  	[smem:$0x3FAD] =	sst s5  }
0xe: {  	[smem:$0x3FAE] =	sst s6  }
0xf: {  	[smem:$0x3FAF] =	sst s7  }
0x10: {  	[smem:$0x3FB0] =	sst s8  }
0x11: {  	[smem:$0x3FB1] =	sst s9;
	s0 =	simm.s32 @!p0 $0x0  }
0x12: {  	s1 =	sld [smem:$0x3F97];
	s0 =	simm.s32 @p0 $0x1  }
0x13: {  	[smem:$0x3FB2] =	sst s0;
	s0 =	simm.s32 @!p1 $0x0  }
0x14: {  	s2 =	sld [smem:$0x3F96];
	s0 =	simm.s32 @p1 $0x1  }
0x15: {  	[smem:$0x3FB3] =	sst s0;
	s0 =	simm.s32 @!p2 $0x0  }
0x16: {  	s3 =	sld [smem:$0x3FDB];
	s0 =	simm.s32 @p2 $0x1  }
0x17: {  	s4 =	simm.s32 $0x1BF5;
	[smem:$0x3FB5] =	sst s0  }
0x18: {  	s0 =	sld [smem:$0x3F98];
	_ =	swait.ge [sflag:s4], $0x0  }
0x19: {  	s7 =	sld [smem:$0x3F99]  }
0x1a: {  	s8 =	sadd.s32 $0xFFFFE003, lr  }
0x1b: {  	s9 =	sadd.s32 $0xFFFFFEF7, lr;
	s5 =	simm.s32 $0xFFFFFFFF;
	p2 =	slt.u32 s8, $0xFFFFF086  }
0x1c: {  	p1 =	slt.u32 s9, $0xF7A;
	s5 =	simm.s32 @!p2 $0x0  }
0x1d: {  	s5 =	simm.s32 @p1 $0x1;
	p0 =	seq.s32 s7, s2  }
0x1e: {  	s7 =	smul.u32 @!p0 $0xF7A, s2;
	p2 =	seq.s32 @!p0 s5, $0x0  }
0x1f: {  	s9 =	smul.u32 $0xF7A, s1;
	s8 =	simm.s32 @!p0 $0x1BF5;
	p2 =	por !p2, p0  }
0x20: {  	[sflag:s8] =	ssyncset.s32 @!p0 $0xFFFFF086;
	s6 =	sadd.s32 @!p0 s3, s7;
	s7 =	simm.s32 @!p0 $0x108  }
0x21: {  	s3 =	sadd.s32 s3, s9;
	s6 =	sadd.s32 @!p0 $0x88, s6;
	s7 =	simm.s32 @p2 $0x1082  }
0x22: {  	[simem:s7], [sflag:s8] =	dma.local @!p0 [hbm:s6], $0xF7A  }
0x23: {  	s9 =	sor.u32 $0xD0000000, s2;
	s6 =	simm.s32 $0x108;
	_ =	swait.ge @!p0 [sflag:s8], $0x0  }
0x24: {  	s3 =	sadd.s32 $0x88, s3;
	s6 =	simm.s32 @!p1 $0x1082;
	[sflag:s4] =	ssyncset.s32 $0xFFFFF086  }
0x25: {  	[simem:s6], [sflag:s4] =	dma.local [hbm:s3], $0xF7A  }
0x26: {  	[smem:$0x3F99] =	sst s1;
	(tag) =	ssettag s2;
	_ =	strace s9  }
0x27: {  	s1 =	sld [smem:$0x3FA9]  }
0x28: {  	s2 =	sld [smem:$0x3FAA]  }
0x29: {  	s4 =	sld [smem:$0x3FAC]  }
0x2a: {  	p0 =	seq.s32 s5, $0x0;
	s5 =	sld [smem:$0x3FAD]  }
0x2b: {  	s6 =	sld [smem:$0x3FAE]  }
0x2c: {  	s7 =	sld [smem:$0x3FAF]  }
0x2d: {  	s3 =	simm.s32 $0x108;
	s8 =	sld [smem:$0x3FB0]  }
0x2e: {  	s3 =	simm.s32 @!p0 $0x1082;
	s9 =	sld [smem:$0x3FB1]  }
0x2f: {  	lr =	sadd.s32 s0, s3;
	s0 =	sld [smem:$0x3FA8]  }
0x30: {  	s3 =	sld [smem:$0x3FAB]  }
0x31: {  	[smem:$0x3FB4] =	sst s10  }
0x32: {  	s10 =	sld [smem:$0x3FB2];
	_ =	sdelay $0x3  }
0x33: {  	p0 =	seq.s32 s10, $0x1;
	s10 =	sld [smem:$0x3FB4];
	_ =	sdelay $0x3  }
0x34: {  	[smem:$0x3FB4] =	sst s10  }
0x35: {  	s10 =	sld [smem:$0x3FB3];
	_ =	sdelay $0x3  }
0x36: {  	p1 =	seq.s32 s10, $0x1;
	s10 =	sld [smem:$0x3FB4];
	_ =	sdelay $0x3  }
0x37: {  	[smem:$0x3FB4] =	sst s10  }
0x38: {  	s10 =	sld [smem:$0x3FB5]  }
0x39: {  	_ = 	snop;
	(pc) =	sbr.ind lr, $3  }
0x3a: {  	_ = 	snop  }
0x3b: {  	_ = 	snop  }
0x3c: {  	p2 =	seq.s32 s10, $0x1;
	s10 =	sld [smem:$0x3FB4]  }
0x3d: {  	_ =	shalt  }
0x3e: {  	_ =	shalt  }
0x3f: {  	_ =	shalt  }
0x40: {  	_ =	shalt  }
0x41: {  	_ =	shalt  }
0x42: {  	_ =	shalt  }
0x43: {  	_ =	shalt  }
0x44: {  	_ =	shalt  }
0x45: {  	_ =	shalt  }
0x46: {  	_ =	shalt  }
0x47: {  	_ =	shalt  }
0x48: {  	_ =	shalt  }
0x49: {  	_ =	shalt  }
0x4a: {  	_ =	shalt  }
0x4b: {  	_ =	shalt  }
0x4c: {  	_ =	shalt  }
0x4d: {  	_ =	shalt  }
0x4e: {  	_ =	shalt  }
0x4f: {  	_ =	shalt  }
0x50: {  	_ =	shalt  }
0x51: {  	_ =	shalt  }
0x52: {  	_ =	shalt  }
0x53: {  	_ =	shalt  }
0x54: {  	_ =	shalt  }
0x55: {  	_ =	shalt  }
0x56: {  	_ =	shalt  }
0x57: {  	_ =	shalt  }
0x58: {  	_ =	shalt  }
0x59: {  	_ =	shalt  }
0x5a: {  	_ =	shalt  }
0x5b: {  	_ =	shalt  }
0x5c: {  	_ =	shalt  }
0x5d: {  	_ =	shalt  }
0x5e: {  	_ =	shalt  }
0x5f: {  	_ =	shalt  }
0x60: {  	_ =	shalt  }
0x61: {  	_ =	shalt  }
0x62: {  	_ =	shalt  }
0x63: {  	_ =	shalt  }
0x64: {  	_ =	shalt  }
0x65: {  	_ =	shalt  }
0x66: {  	_ =	shalt  }
0x67: {  	_ =	shalt  }
0x68: {  	_ =	shalt  }
0x69: {  	_ =	shalt  }
0x6a: {  	_ =	shalt  }
0x6b: {  	_ =	shalt  }
0x6c: {  	_ =	shalt  }
0x6d: {  	_ =	shalt  }
0x6e: {  	_ =	shalt  }
0x6f: {  	_ =	shalt  }
0x70: {  	_ =	shalt  }
0x71: {  	_ =	shalt  }
0x72: {  	_ =	shalt  }
0x73: {  	_ =	shalt  }
0x74: {  	_ =	shalt  }
0x75: {  	_ =	shalt  }
0x76: {  	_ =	shalt  }
0x77: {  	_ =	shalt  }
0x78: {  	_ =	shalt  }
0x79: {  	_ =	shalt  }
0x7a: {  	_ =	shalt  }
0x7b: {  	_ =	shalt  }
0x7c: {  	_ =	shalt  }
0x7d: {  	_ =	shalt  }
0x7e: {  	_ =	shalt  }
0x7f: {  	_ =	shalt  }
0x80: {  	_ =	shalt  }
0x81: {  	_ =	shalt  }
0x82: {  	_ =	shalt  }
0x83: {  	_ =	shalt  }
0x84: {  	_ =	shalt  }
0x85: {  	_ =	shalt  }
0x86: {  	_ =	shalt  }
0x87: {  	_ =	shalt  }
.Lfunc_end0:
.L_simem_size_0:
called_computation_lowered:
.L_overlay_start_0:
0x88: {  	s2 =	sld [smem:$0x3FD9]  }
0x89: {  	s3 =	sld [smem:$0x3FFE];
	_ =	sdelay $0x1  }
0x8a: {  	s1 =	srdreg.scid  }
0x8b: {  	s0 =	sand.u32 $0x1, s1  }
0x8c: {  	s16 =	sshll.u32 s0, $0xA;
	s2 =	sadd.s32 s3, s2  }
0x8d: {  	s2 =	sadd.s32 s2, s16  }
0x8e: {  	[smem:$0x3FC0] =	sst s2  }
0x8f: {  	_ = 	snop  }
0x90: {  	(tm) =	ssettm $0x1  }
0x91: {  	s17 =	sld [smem:$0x3FFB];
	_ =	sdelay $0x3  }
0x92: {  	_ =	strace s17  }
0x93: {  	s2 =	sld [smem:$0x3FFC];
	_ =	sdelay $0x3  }
0x94: {  	_ =	strace s2  }
0x95: {  	s2 =	sld [smem:$0x3FFD];
	_ =	sdelay $0x3  }
0x96: {  	_ =	strace s2  }
0x97: {  	_ =	strace $0x8FFFFFFF  }
0x98: {  	s18 =	sld [smem:$0x3FDB];
	_ =	sdelay $0x1  }
0x99: {  	s19 =	simm.s32 $_scs_section_size  }
0x9a: {  	s4 =	simm.s32 $_size__tile_overlayer_lowered;
	s5 =	simm.s32 $_tile_overlayer_lowered  }
0x9b: {  	s22 =	simm.s32 $0x1BFF;
	s21 =	sshll.u32 s5, $0x1;
	s2 =	sadd.s32 s19, s18  }
0x9c: {  	s6 =	simm.s32 $0x0;
	s20 =	sshll.u32 s4, $0x1;
	s4 =	sadd.s32 s21, s2  }
0x9d: {  	[timem:s6], [sflag:s22] =	dma.local [hbm:s4], s20  }
0x9e: {  	_ =	swait.ge [sflag:s22], s20  }
0x9f: {  	s3 =	ssub.s32 $0x0, s20;
	[sflag:s22] =	ssyncset.done $0x0  }
0xa0: {  	[sflag:s22] =	ssyncadd.s32 s3;
	_ =	sdelay $0x1  }
0xa1: {  	s23 =	simm.s32 $0x1B8B  }
0xa2: {  	_ =	swait.ge [sflag:s23], $0x1  }
0xa3: {  	[sflag:s23] =	ssyncset.done $0x0  }
0xa4: {  	s25 =	simm.s32 $0x1B8E;
	s24 =	sld [smem:$0x3FFE];
	[sflag:s23] =	ssyncadd.s32 $0xFFFFFFFF  }
0xa5: {  	s26 =	simm.s32 $execute0_lowered;
	[smem:$0x3FD2] =	sst s25  }
0xa6: {  	s4 =	sshll.u32 s26, $0x1;
	_ =	strace $0x80000046;
	[dreg:$0x1] =	wrdreg $0xFFFFFFFF  }
0xa7: {  	s28 =	simm.s32 $_size_execute0_lowered;
	s2 =	sadd.s32 s2, s4;
	[dreg:$0x0] =	wrdreg $0x0  }
0xa8: {  	s4 =	sshll.u32 s28, $0x1;
	[dreg:$0x2] =	wrdreg s2  }
0xa9: {  	[dreg:$0x3] =	wrdreg s4  }
0xaa: {  	[dreg:$0x4] =	wrdreg $0xC0  }
0xab: {  	_ =	task [dreg:s6], $0x5FFFF  }
0xac: {  	[dreg:$0x1] =	wrdreg $0xFFFFFFFF  }
0xad: {  	[dreg:$0x0] =	wrdreg $0x60  }
0xae: {  	[dreg:$0x2] =	wrdreg s24  }
0xaf: {  	[dreg:$0x3] =	wrdreg $0x39000  }
0xb0: {  	[dreg:$0x4] =	wrdreg $0x9  }
0xb1: {  	_ =	task.clear_ibuf [dreg:s6], $0x5FFFF;
	_ =	strace $0x90000046  }
0xb2: {  	s29 =	simm.s32 $0x9;
	_ =	strace $0x80000048  }
0xb3: {  	_ =	swait.ge [sflag:s29], $0x1  }
0xb4: {  	[sflag:s29] =	ssyncadd.s32 $0xFFFFFFFF  }
0xb5: {  	_ =	strace $0x90000048  }
0xb6: {  	_ =	sfence  }
0xb7: {  	s30 =	sld [smem:$0x0];
	_ =	sdelay $0x2  }
0xb8: {  	s31 =	sshll.u32 s1, $0xD;
	s1 =	sshrl.u32 s1, $0x2  }
0xb9: {  	s3 =	sand.u32 $0x4000, s31;
	s1 =	sadd.s32 s1, s30  }
0xba: {  	s0 =	sor.u32 s3, s0;
	s1 =	sshll.u32 s1, $0x11  }
0xbb: {  	s0 =	sor.u32 s1, s0  }
0xbc: {  	s0 =	sadd.s32 $0x8F2B, s0  }
0xbd: {  	[sflag:s0] =	ssyncadd.remote.s32 $0x1  }
0xbe: {  	_ =	sfence.sel $0xFFFF  }
0xbf: {  	[dreg:$0x0] =	wrdreg $0xFFFFFFFF;
	(pc) =	sbr.abs _section_cstart, $3  }
0xc0: {  	[dreg:$0x1] =	wrdreg $0xFFFFFFFF  }
0xc1: {  	_ =	task.clear_ibuf [dreg:s6], $0x2FFFF;
	_ =	strace $0x9FFFFFFF  }
0xc2: {  	(tm) =	ssettm $0x7FFFFFFF  }
0xc3: {  	_ =	shalt  }
tec
execute0_lowered:
.L_overlay_start_1:
0x0: {  	(tag) =	ssettag $0x1  }
0x1: {  	s5 =	rddreg [dreg:$0x0]  }
0x2: {  	s0 =	srdreg.scid;
	s2 =	rddreg [dreg:$0x1]  }
0x3: {  	s3 =	simm.s32 $0x0;
	s10 =	sand.u32 $0x1, s0;
	s0 =	stileid.u32  }
0x4: {  	s14 =	simm.s32 $0x1;
	s15 =	simm.s32 $0x80;
	s6 =	smul.u32 $0x500, s0  }
0x5: {  	[smem:$0x7FF] =	sst s3;
	s1 =	sshll.u32 s10, $0x4;
	s7 =	smul.u32 $0xA000, s0  }
0x6: {  	s8 =	smul.u32 $0x5000, s10;
	s11 =	ssub.s32 $0x2, s10;
	p0 =	seq.s32 s10, $0x0  }
0x7: {  	s10 =	simm.s32 $0x62;
	s16 =	sshll.u32 s0, $0x6;
	s1 =	sor.u32 s0, s1  }
0x8: {  	s31 =	sshrl.u32 s11, $0x1;
	s10 =	simm.s32 @!p0 $0x3B;
	s16 =	sor.u32 $0x1C01, s16  }
0x9: {  	s4 =	smul.u32 $0x620, s1;
	s1 =	rddreg [dreg:$0x2];
	_ =	strace $0x80000047  }
0xa: {  	s30 =	sshrl.u32 s7, $0x2;
	s6 =	sadd.s32 s6, s8;
	s13 =	ssub.s32 s11, s31  }
0xb: {  	s12 =	sadd.s32 s6, s5;
	s9 =	sadd.s32 s4, s5;
	s4 =	sadd.s32 s30, s2  }
0xc: {  	s11 =	sadd.s32 $0x1CC00, s12;
	s12 =	smax.u32 s13, $0x1;
	s13 =	simm.s32 $0x3100  }
0xd: {  	s5 =	sadd.s32 $0x800, s4;
	s6 =	sadd.s32 $0x1000, s4;
	s7 =	sadd.s32 $0x1800, s4  }
0xe: {  	v0 =	vimm.f32 $0.0e+00;
	v1 =	vimm.f32 $1.000000000e+00;
	s8 =	sadd.s32 $0x2000, s4;
	s9 =	sadd.s32 $0x10800, s9;
	s17 =	sshrl.u32 s4, $0x3  }
.LBB2_1:
0xf: {  	s18 =	simm.s32 $0x40;
	s19 =	simm.s32 $0x0  }
.LBB2_2:
0x10: {  	p0 =	sne.s32 s18, $0x1FC0;
	[tilespmem:s19+$0x3100] =	vst v0;
	s19 =	smov.u32 s18;
	s18 =	sadd.s32 $0x40, s18  }
.Ltmp0:
0x11: {  	(pc) =	sbr.rel @p0 .LBB2_2-.Ltmp0, $2  }
0x12: {  	_ =	sdelay $0x2  }
0x13: {  	s19 =	sshra.s32 s19, $0x2  }
0x14: {  	[tilespmem:s19+$0x3100] =	vst v0  }
0x15: {  	[spmem:s4] =	stream.linear.scatter [tilespmem:s13], [sflag:$0x1], $0x800, $0x38;
	[tilespmem:$0x6100] =	vst v63  }
0x16: {  	_ =	swait.ge [sflag:s14], $0x800  }
0x17: {  	[sflag:s14] =	ssyncset.done $0x0  }
0x18: {  	[sflag:s14] =	ssyncadd.s32 $0xFFFFF800  }
0x19: {  	[spmem:s5] =	stream.linear.scatter [tilespmem:s13], [sflag:$0x1], $0x800, $0x38;
	[tilespmem:$0x6100] =	vst v63  }
0x1a: {  	_ =	swait.ge [sflag:s14], $0x800  }
0x1b: {  	[sflag:s14] =	ssyncset.done $0x0  }
0x1c: {  	[sflag:s14] =	ssyncadd.s32 $0xFFFFF800  }
0x1d: {  	[spmem:s6] =	stream.linear.scatter [tilespmem:s13], [sflag:$0x1], $0x800, $0x38;
	[tilespmem:$0x6100] =	vst v63  }
0x1e: {  	_ =	swait.ge [sflag:s14], $0x800  }
0x1f: {  	[sflag:s14] =	ssyncset.done $0x0  }
0x20: {  	[sflag:s14] =	ssyncadd.s32 $0xFFFFF800  }
0x21: {  	[spmem:s7] =	stream.linear.scatter [tilespmem:s13], [sflag:$0x1], $0x800, $0x38;
	[tilespmem:$0x6100] =	vst v63  }
0x22: {  	_ =	swait.ge [sflag:s14], $0x800  }
0x23: {  	[sflag:s14] =	ssyncset.done $0x0  }
0x24: {  	[sflag:s14] =	ssyncadd.s32 $0xFFFFF800  }
0x25: {  	[spmem:s8] =	stream.linear.scatter [tilespmem:s13], [sflag:$0x1], $0x800, $0x38;
	[tilespmem:$0x6100] =	vst v63  }
0x26: {  	_ =	swait.ge [sflag:s14], $0x800  }
0x27: {  	[sflag:s14] =	ssyncset.done $0x0  }
0x28: {  	s18 =	simm.s32 $0x40;
	s19 =	simm.s32 $0x0;
	[sflag:s14] =	ssyncadd.s32 $0xFFFFF800  }
.LBB2_4:
0x29: {  	p0 =	sne.s32 s18, $0x1FC0;
	[tilespmem:s19+$0x3100] =	vst v1;
	s19 =	smov.u32 s18;
	s18 =	sadd.s32 $0x40, s18  }
.Ltmp1:
0x2a: {  	(pc) =	sbr.rel @p0 .LBB2_4-.Ltmp1, $2  }
0x2b: {  	_ =	sdelay $0x2  }
0x2c: {  	s19 =	sshra.s32 s19, $0x2  }
0x2d: {  	[tilespmem:s19+$0x3100] =	vst v1;
	s18 =	simm.s32 $0x0  }
0x2e: {  	[tilespmem:s18], [sflag:$0x1] =	stream.linear.gather [hbm4b:s9+s18], $0x3100, $0x38;
	[tilespmem:$0x6100] =	vst v63  }
0x2f: {  	_ =	swait.ge [sflag:s14], $0x3100  }
0x30: {  	p0 =	sne.s32 s10, $0x1;
	[sflag:s14] =	ssyncset.done $0x0  }
.Ltmp2:
0x31: {  	[sflag:s14] =	ssyncadd.s32 $0xFFFFCF00;
	(pc) =	sbr.rel @!p0 .LBB2_7-.Ltmp2, $4  }
0x32: {  	[bflag:$0x0] =	sbarrier.arrive $0xFFFF  }
0x33: {  	[spmem:s2] =	stream.indirect.scatter.add.f32 [tilespmem:s13], [sflag:$0x1], $0x10, s18, s15, $0xb8;
	[tilespmem:$0x6100] =	vst v63  }
0x34: {  	_ =	swait.ge [sflag:s14], $0x800  }
0x35: {  	s19 =	sadd.s32 $0xFFFFFFFF, s10;
	[sflag:s14] =	ssyncset.done $0x0  }
.LBB2_6:
0x36: {  	p0 =	sne.s32 s19, $0x1;
	[sflag:s14] =	ssyncadd.s32 $0xFFFFF800;
	s18 =	sadd.s32 $0x80, s18  }
.Ltmp3:
0x37: {  	s19 =	sadd.s32 $0xFFFFFFFF, s19;
	(pc) =	sbr.rel @p0 .LBB2_6-.Ltmp3, $4  }
0x38: {  	_ = 	snop  }
0x39: {  	[spmem:s2] =	stream.indirect.scatter.add.f32 [tilespmem:s13], [sflag:$0x1], $0x10, s18, s15, $0xb8;
	[tilespmem:$0x6100] =	vst v63  }
0x3a: {  	_ =	swait.ge [sflag:s14], $0x800  }
0x3b: {  	[sflag:s14] =	ssyncset.done $0x0  }
.LBB2_7:
0x3c: {  	s3 =	sadd.s32 $0x1, s3  }
0x3d: {  	[sflag:s14] =	ssyncadd.s32 $0xFFFFF800;
	p0 =	sne.s32 s3, s12  }
.Ltmp4:
0x3e: {  	[bflag:$0x0] =	sbarrier.arrive $0xFFFF;
	(pc) =	sbr.rel @p0 .LBB2_1-.Ltmp4, $4  }
0x3f: {  	[hbm:s11], [sflag:s16] =	dma.local [spmem:s17], $0x500  }
0x40: {  	_ =	swait.ge [sflag:s14], $0x500  }
0x41: {  	[sflag:s14] =	ssyncset.done $0x0  }
0x42: {  	[sflag:s14] =	ssyncadd.s32 $0xFFFFFB00  }
0x43: {  	_ =	sfence.sel $0x180000  }
0x44: {  	[bflag:$0x0] =	sbarrier.arrive $0xFFFF  }
0x45: {  	p0 =	sne.s32 s0, $0x0;
	_ =	strace $0x90000047  }
0x46: {  	s0 =	sadd.s32 @!p0 $0x100000, s1;
	[bflag:$0x2] =	sbarrier.arrive $0xFFFF  }
0x47: {  	[sflag:s0] =	ssyncadd.tile.s32 @!p0 $0x1;
	_ =	shalt  }
.Lfunc_end2:
_tile_overlayer_lowered:
.L_overlay_start_2:
0x48: {  	(tag) =	ssettag $0x2  }
0x49: {  	s0 =	rddreg [dreg:$0x0];
	s2 =	stileid.u32  }
0x4a: {  	s1 =	rddreg [dreg:$0x1];
	p0 =	sne.s32 s2, $0x0  }
0x4b: {  	s3 =	rddreg [dreg:$0x2];
	[bflag:$0x3] =	sbarrier.arrive $0xFFFF;
	s2 =	simm.s32 @!p0 $0x1C01  }
0x4c: {  	[timem:s3], [sflag:s2] =	dma.local @!p0 [hbm:s0], s1  }
0x4d: {  	s0 =	simm.s32 @!p0 $0x1  }
0x4e: {  	_ =	swait.ge @!p0 [sflag:s0], s1  }
0x4f: {  	s1 =	ssub.s32 @!p0 $0x0, s1;
	[sflag:s0] =	ssyncset.done @!p0 $0x0  }
0x50: {  	[sflag:s0] =	ssyncadd.s32 @!p0 s1  }
0x51: {  	[bflag:$0x3] =	sbarrier.arrive $0xFFFF  }
0x52: {  	_ =	shalt  }

// kernel: kernel.13.cloned.1.call-start
scs
__scs_entry_jumppad:
0x0: {  	(pc) =	sbr.rel $0x88, $3  }
0x1: {  	(tag) =	ssettag $0x0;
	lr =	simm.s32 $0x1  }
0x2: {  	[smem:$0x3F99] =	sst lr;
	_ =	strace $0xD0000000  }
0x3: {  	_ = 	snop  }
0x4: {  	_ = 	snop  }
0x5: {  	_ = 	snop  }
0x6: {  	_ = 	snop  }
0x7: {  	_ = 	snop  }
__scs_overlays_trampoline_lowered:
0x8: {  	[smem:$0x3FA8] =	sst s0  }
0x9: {  	[smem:$0x3FA9] =	sst s1  }
0xa: {  	[smem:$0x3FAA] =	sst s2  }
0xb: {  	[smem:$0x3FAB] =	sst s3  }
0xc: {  	[smem:$0x3FAC] =	sst s4  }
0xd: {  	[smem:$0x3FAD] =	sst s5  }
0xe: {  	[smem:$0x3FAE] =	sst s6  }
0xf: {  	[smem:$0x3FAF] =	sst s7  }
0x10: {  	[smem:$0x3FB0] =	sst s8  }
0x11: {  	[smem:$0x3FB1] =	sst s9;
	s0 =	simm.s32 @!p0 $0x0  }
0x12: {  	s1 =	sld [smem:$0x3F97];
	s0 =	simm.s32 @p0 $0x1  }
0x13: {  	[smem:$0x3FB2] =	sst s0;
	s0 =	simm.s32 @!p1 $0x0  }
0x14: {  	s2 =	sld [smem:$0x3F96];
	s0 =	simm.s32 @p1 $0x1  }
0x15: {  	[smem:$0x3FB3] =	sst s0;
	s0 =	simm.s32 @!p2 $0x0  }
0x16: {  	s3 =	sld [smem:$0x3FDB];
	s0 =	simm.s32 @p2 $0x1  }
0x17: {  	s4 =	simm.s32 $0x1BF5;
	[smem:$0x3FB5] =	sst s0  }
0x18: {  	s0 =	sld [smem:$0x3F98];
	_ =	swait.ge [sflag:s4], $0x0  }
0x19: {  	s7 =	sld [smem:$0x3F99]  }
0x1a: {  	s8 =	sadd.s32 $0xFFFFE003, lr  }
0x1b: {  	s9 =	sadd.s32 $0xFFFFFEF7, lr;
	s5 =	simm.s32 $0xFFFFFFFF;
	p2 =	slt.u32 s8, $0xFFFFF086  }
0x1c: {  	p1 =	slt.u32 s9, $0xF7A;
	s5 =	simm.s32 @!p2 $0x0  }
0x1d: {  	s5 =	simm.s32 @p1 $0x1;
	p0 =	seq.s32 s7, s2  }
0x1e: {  	s7 =	smul.u32 @!p0 $0xF7A, s2;
	p2 =	seq.s32 @!p0 s5, $0x0  }
0x1f: {  	s9 =	smul.u32 $0xF7A, s1;
	s8 =	simm.s32 @!p0 $0x1BF5;
	p2 =	por !p2, p0  }
0x20: {  	[sflag:s8] =	ssyncset.s32 @!p0 $0xFFFFF086;
	s6 =	sadd.s32 @!p0 s3, s7;
	s7 =	simm.s32 @!p0 $0x108  }
0x21: {  	s3 =	sadd.s32 s3, s9;
	s6 =	sadd.s32 @!p0 $0x88, s6;
	s7 =	simm.s32 @p2 $0x1082  }
0x22: {  	[simem:s7], [sflag:s8] =	dma.local @!p0 [hbm:s6], $0xF7A  }
0x23: {  	s9 =	sor.u32 $0xD0000000, s2;
	s6 =	simm.s32 $0x108;
	_ =	swait.ge @!p0 [sflag:s8], $0x0  }
0x24: {  	s3 =	sadd.s32 $0x88, s3;
	s6 =	simm.s32 @!p1 $0x1082;
	[sflag:s4] =	ssyncset.s32 $0xFFFFF086  }
0x25: {  	[simem:s6], [sflag:s4] =	dma.local [hbm:s3], $0xF7A  }
0x26: {  	[smem:$0x3F99] =	sst s1;
	(tag) =	ssettag s2;
	_ =	strace s9  }
0x27: {  	s1 =	sld [smem:$0x3FA9]  }
0x28: {  	s2 =	sld [smem:$0x3FAA]  }
0x29: {  	s4 =	sld [smem:$0x3FAC]  }
0x2a: {  	p0 =	seq.s32 s5, $0x0;
	s5 =	sld [smem:$0x3FAD]  }
0x2b: {  	s6 =	sld [smem:$0x3FAE]  }
0x2c: {  	s7 =	sld [smem:$0x3FAF]  }
0x2d: {  	s3 =	simm.s32 $0x108;
	s8 =	sld [smem:$0x3FB0]  }
0x2e: {  	s3 =	simm.s32 @!p0 $0x1082;
	s9 =	sld [smem:$0x3FB1]  }
0x2f: {  	lr =	sadd.s32 s0, s3;
	s0 =	sld [smem:$0x3FA8]  }
0x30: {  	s3 =	sld [smem:$0x3FAB]  }
0x31: {  	[smem:$0x3FB4] =	sst s10  }
0x32: {  	s10 =	sld [smem:$0x3FB2];
	_ =	sdelay $0x3  }
0x33: {  	p0 =	seq.s32 s10, $0x1;
	s10 =	sld [smem:$0x3FB4];
	_ =	sdelay $0x3  }
0x34: {  	[smem:$0x3FB4] =	sst s10  }
0x35: {  	s10 =	sld [smem:$0x3FB3];
	_ =	sdelay $0x3  }
0x36: {  	p1 =	seq.s32 s10, $0x1;
	s10 =	sld [smem:$0x3FB4];
	_ =	sdelay $0x3  }
0x37: {  	[smem:$0x3FB4] =	sst s10  }
0x38: {  	s10 =	sld [smem:$0x3FB5]  }
0x39: {  	_ = 	snop;
	(pc) =	sbr.ind lr, $3  }
0x3a: {  	_ = 	snop  }
0x3b: {  	_ = 	snop  }
0x3c: {  	p2 =	seq.s32 s10, $0x1;
	s10 =	sld [smem:$0x3FB4]  }
0x3d: {  	_ =	shalt  }
0x3e: {  	_ =	shalt  }
0x3f: {  	_ =	shalt  }
0x40: {  	_ =	shalt  }
0x41: {  	_ =	shalt  }
0x42: {  	_ =	shalt  }
0x43: {  	_ =	shalt  }
0x44: {  	_ =	shalt  }
0x45: {  	_ =	shalt  }
0x46: {  	_ =	shalt  }
0x47: {  	_ =	shalt  }
0x48: {  	_ =	shalt  }
0x49: {  	_ =	shalt  }
0x4a: {  	_ =	shalt  }
0x4b: {  	_ =	shalt  }
0x4c: {  	_ =	shalt  }
0x4d: {  	_ =	shalt  }
0x4e: {  	_ =	shalt  }
0x4f: {  	_ =	shalt  }
0x50: {  	_ =	shalt  }
0x51: {  	_ =	shalt  }
0x52: {  	_ =	shalt  }
0x53: {  	_ =	shalt  }
0x54: {  	_ =	shalt  }
0x55: {  	_ =	shalt  }
0x56: {  	_ =	shalt  }
0x57: {  	_ =	shalt  }
0x58: {  	_ =	shalt  }
0x59: {  	_ =	shalt  }
0x5a: {  	_ =	shalt  }
0x5b: {  	_ =	shalt  }
0x5c: {  	_ =	shalt  }
0x5d: {  	_ =	shalt  }
0x5e: {  	_ =	shalt  }
0x5f: {  	_ =	shalt  }
0x60: {  	_ =	shalt  }
0x61: {  	_ =	shalt  }
0x62: {  	_ =	shalt  }
0x63: {  	_ =	shalt  }
0x64: {  	_ =	shalt  }
0x65: {  	_ =	shalt  }
0x66: {  	_ =	shalt  }
0x67: {  	_ =	shalt  }
0x68: {  	_ =	shalt  }
0x69: {  	_ =	shalt  }
0x6a: {  	_ =	shalt  }
0x6b: {  	_ =	shalt  }
0x6c: {  	_ =	shalt  }
0x6d: {  	_ =	shalt  }
0x6e: {  	_ =	shalt  }
0x6f: {  	_ =	shalt  }
0x70: {  	_ =	shalt  }
0x71: {  	_ =	shalt  }
0x72: {  	_ =	shalt  }
0x73: {  	_ =	shalt  }
0x74: {  	_ =	shalt  }
0x75: {  	_ =	shalt  }
0x76: {  	_ =	shalt  }
0x77: {  	_ =	shalt  }
0x78: {  	_ =	shalt  }
0x79: {  	_ =	shalt  }
0x7a: {  	_ =	shalt  }
0x7b: {  	_ =	shalt  }
0x7c: {  	_ =	shalt  }
0x7d: {  	_ =	shalt  }
0x7e: {  	_ =	shalt  }
0x7f: {  	_ =	shalt  }
0x80: {  	_ =	shalt  }
0x81: {  	_ =	shalt  }
0x82: {  	_ =	shalt  }
0x83: {  	_ =	shalt  }
0x84: {  	_ =	shalt  }
0x85: {  	_ =	shalt  }
0x86: {  	_ =	shalt  }
0x87: {  	_ =	shalt  }
.Lfunc_end0:
.L_simem_size_0:
called_computation.1_lowered:
.L_overlay_start_0:
0x88: {  	s2 =	sld [smem:$0x3FD9]  }
0x89: {  	s3 =	sld [smem:$0x3FFE];
	_ =	sdelay $0x1  }
0x8a: {  	s1 =	srdreg.scid  }
0x8b: {  	s0 =	sand.u32 $0x1, s1  }
0x8c: {  	s17 =	sshll.u32 s0, $0xA;
	s2 =	sadd.s32 s3, s2  }
0x8d: {  	s2 =	sadd.s32 s2, s17  }
0x8e: {  	[smem:$0x3FC0] =	sst s2  }
0x8f: {  	_ = 	snop  }
0x90: {  	s2 =	sld [smem:$0x3FD0];
	(tm) =	ssettm $0x1  }
0x91: {  	s18 =	sld [smem:$0x3FFB];
	_ =	sdelay $0x3  }
0x92: {  	_ =	strace s18  }
0x93: {  	s3 =	sld [smem:$0x3FFC];
	_ =	sdelay $0x3  }
0x94: {  	_ =	strace s3  }
0x95: {  	s3 =	sld [smem:$0x3FFD];
	_ =	sdelay $0x3  }
0x96: {  	_ =	strace s3  }
0x97: {  	_ =	strace $0x8FFFFFFF  }
0x98: {  	s19 =	sld [smem:$0x3FDB];
	_ =	sdelay $0x1  }
0x99: {  	s4 =	simm.s32 $_scs_section_size  }
0x9a: {  	s5 =	simm.s32 $_size__tile_overlayer_lowered;
	s6 =	simm.s32 $_tile_overlayer_lowered  }
0x9b: {  	s22 =	simm.s32 $0x1BFF;
	s21 =	sshll.u32 s6, $0x1;
	s3 =	sadd.s32 s4, s19  }
0x9c: {  	s7 =	simm.s32 $0x0;
	s20 =	sshll.u32 s5, $0x1;
	s5 =	sadd.s32 s21, s3  }
0x9d: {  	[timem:s7], [sflag:s22] =	dma.local [hbm:s5], s20  }
0x9e: {  	_ =	swait.ge [sflag:s22], s20  }
0x9f: {  	s4 =	ssub.s32 $0x0, s20;
	[sflag:s22] =	ssyncset.done $0x0  }
0xa0: {  	[sflag:s22] =	ssyncadd.s32 s4;
	_ =	sdelay $0x1  }
0xa1: {  	s23 =	simm.s32 $0x1B8B  }
0xa2: {  	_ =	swait.ge [sflag:s23], $0x1  }
0xa3: {  	[sflag:s23] =	ssyncset.done $0x0  }
0xa4: {  	s25 =	simm.s32 $0x1B8E;
	s24 =	sld [smem:$0x3FFE];
	[sflag:s23] =	ssyncadd.s32 $0xFFFFFFFF  }
0xa5: {  	s26 =	simm.s32 $execute0_lowered;
	[smem:$0x3FD2] =	sst s25  }
0xa6: {  	s5 =	sshll.u32 s26, $0x1;
	_ =	strace $0x80000049;
	[dreg:$0x1] =	wrdreg $0xFFFFFFFF  }
0xa7: {  	s28 =	simm.s32 $_size_execute0_lowered;
	s3 =	sadd.s32 s3, s5;
	[dreg:$0x0] =	wrdreg $0x0  }
0xa8: {  	s5 =	sshll.u32 s28, $0x1;
	[dreg:$0x2] =	wrdreg s3  }
0xa9: {  	[dreg:$0x3] =	wrdreg s5  }
0xaa: {  	[dreg:$0x4] =	wrdreg $0xC0  }
0xab: {  	_ =	task [dreg:s7], $0x5FFFF  }
0xac: {  	[dreg:$0x1] =	wrdreg $0xFFFFFFFF  }
0xad: {  	[dreg:$0x0] =	wrdreg $0x60  }
0xae: {  	[dreg:$0x2] =	wrdreg s24  }
0xaf: {  	[dreg:$0x3] =	wrdreg s2  }
0xb0: {  	[dreg:$0x4] =	wrdreg $0xA8000  }
0xb1: {  	[dreg:$0x5] =	wrdreg $0x9  }
0xb2: {  	_ =	task.clear_ibuf [dreg:s7], $0x6FFFF;
	_ =	strace $0x90000049  }
0xb3: {  	s29 =	simm.s32 $0x9;
	_ =	strace $0x8000004B  }
0xb4: {  	_ =	swait.ge [sflag:s29], $0x1  }
0xb5: {  	[sflag:s29] =	ssyncadd.s32 $0xFFFFFFFF  }
0xb6: {  	_ =	strace $0x9000004B  }
0xb7: {  	_ =	sfence  }
0xb8: {  	s30 =	sld [smem:$0x0];
	_ =	sdelay $0x2  }
0xb9: {  	s31 =	sshll.u32 s1, $0xD;
	s1 =	sshrl.u32 s1, $0x2  }
0xba: {  	s3 =	sand.u32 $0x4000, s31;
	s1 =	sadd.s32 s1, s30  }
0xbb: {  	s0 =	sor.u32 s3, s0;
	s1 =	sshll.u32 s1, $0x11  }
0xbc: {  	s0 =	sor.u32 s1, s0  }
0xbd: {  	s0 =	sadd.s32 $0x8F2B, s0  }
0xbe: {  	[sflag:s0] =	ssyncadd.remote.s32 $0x1  }
0xbf: {  	_ =	sfence.sel $0xFFFF  }
0xc0: {  	[dreg:$0x0] =	wrdreg $0xFFFFFFFF;
	(pc) =	sbr.abs _section_cstart, $3  }
0xc1: {  	[dreg:$0x1] =	wrdreg $0xFFFFFFFF  }
0xc2: {  	_ =	task.clear_ibuf [dreg:s7], $0x2FFFF;
	_ =	strace $0x9FFFFFFF  }
0xc3: {  	(tm) =	ssettm $0x7FFFFFFF  }
tec
execute0_lowered:
.L_overlay_start_1:
0x0: {  	(tag) =	ssettag $0x1  }
0x1: {  	s5 =	rddreg [dreg:$0x0]  }
0x2: {  	s12 =	rddreg [dreg:$0x1]  }
0x3: {  	s0 =	srdreg.scid;
	s2 =	rddreg [dreg:$0x2]  }
0x4: {  	s3 =	simm.s32 $0x0;
	s10 =	sand.u32 $0x1, s0;
	s0 =	stileid.u32  }
0x5: {  	s16 =	simm.s32 $0x2;
	s17 =	simm.s32 $0x80;
	s6 =	smul.u32 $0x2800, s0  }
0x6: {  	s18 =	simm.s32 $0x1;
	[smem:$0x7FF] =	sst s3;
	s7 =	smul.u32 $0x28000, s10  }
0x7: {  	s4 =	sadd.s32 $0x4EC00, s5;
	s1 =	sshll.u32 s10, $0x4;
	s8 =	smul.u32 $0x50000, s0  }
0x8: {  	s9 =	ssub.s32 $0x2, s10;
	p0 =	seq.s32 s10, $0x0;
	s10 =	simm.s32 $0x62  }
0x9: {  	s19 =	sshll.u32 s0, $0x6;
	s1 =	sor.u32 s0, s1;
	s31 =	sshrl.u32 s9, $0x1  }
0xa: {  	s10 =	simm.s32 @!p0 $0x3B;
	s19 =	sor.u32 $0x1C02, s19;
	s13 =	smul.u32 $0x680, s1  }
0xb: {  	s1 =	rddreg [dreg:$0x3];
	_ =	strace $0x8000004A;
	s6 =	sadd.s32 s6, s7  }
0xc: {  	s8 =	sshrl.u32 s8, $0x2;
	s15 =	ssub.s32 s9, s31;
	s14 =	sadd.s32 s6, s5  }
0xd: {  	s11 =	sadd.s32 s13, s5;
	s5 =	sadd.s32 s8, s2;
	s12 =	sadd.s32 s12, s13  }
0xe: {  	s13 =	sadd.s32 $0x9EC00, s14;
	s14 =	smax.u32 s15, $0x1;
	s15 =	simm.s32 $0x6800  }
0xf: {  	s6 =	sadd.s32 $0x4000, s5;
	s7 =	sadd.s32 $0x8000, s5;
	s8 =	sadd.s32 $0xC000, s5  }
0x10: {  	v0 =	vimm.f32 $0.0e+00;
	s9 =	sadd.s32 $0x10000, s5;
	s11 =	sadd.s32 $0x3800, s11;
	s20 =	sshrl.u32 s5, $0x3  }
.LBB2_1:
0x11: {  	s21 =	simm.s32 $0x0;
	s22 =	simm.s32 $0x200  }
.LBB2_2:
0x12: {  	p0 =	sne.s32 s22, $0xFE00;
	[tilespmem:s21+$0x6870] =	vst v0  }
0x13: {  	[tilespmem:s21+$0x6800] =	vst v0  }
0x14: {  	[tilespmem:s21+$0x6810] =	vst v0  }
.Ltmp0:
0x15: {  	[tilespmem:s21+$0x6820] =	vst v0;
	(pc) =	sbr.rel @p0 .LBB2_2-.Ltmp0, $4  }
0x16: {  	[tilespmem:s21+$0x6830] =	vst v0  }
0x17: {  	[tilespmem:s21+$0x6840] =	vst v0  }
0x18: {  	[tilespmem:s21+$0x6850] =	vst v0  }
0x19: {  	[tilespmem:s21+$0x6860] =	vst v0;
	s21 =	sshra.s32 s22, $0x2;
	s22 =	sadd.s32 $0x200, s22  }
0x1a: {  	[tilespmem:s21+$0x6870] =	vst v0  }
0x1b: {  	[tilespmem:s21+$0x6800] =	vst v0  }
0x1c: {  	[tilespmem:s21+$0x6810] =	vst v0  }
0x1d: {  	[tilespmem:s21+$0x6820] =	vst v0  }
0x1e: {  	[tilespmem:s21+$0x6830] =	vst v0  }
0x1f: {  	[tilespmem:s21+$0x6840] =	vst v0  }
0x20: {  	[tilespmem:s21+$0x6850] =	vst v0  }
0x21: {  	[tilespmem:s21+$0x6860] =	vst v0  }
0x22: {  	[spmem:s5] =	stream.linear.scatter [tilespmem:s15], [sflag:$0x2], $0x4000, $0x38;
	[tilespmem:$0x1E800] =	vst v63  }
0x23: {  	_ =	swait.ge [sflag:s16], $0x4000  }
0x24: {  	[sflag:s16] =	ssyncset.done $0x0  }
0x25: {  	[sflag:s16] =	ssyncadd.s32 $0xFFFFC000  }
0x26: {  	[spmem:s6] =	stream.linear.scatter [tilespmem:s15], [sflag:$0x2], $0x4000, $0x38;
	[tilespmem:$0x1E800] =	vst v63  }
0x27: {  	_ =	swait.ge [sflag:s16], $0x4000  }
0x28: {  	[sflag:s16] =	ssyncset.done $0x0  }
0x29: {  	[sflag:s16] =	ssyncadd.s32 $0xFFFFC000  }
0x2a: {  	[spmem:s7] =	stream.linear.scatter [tilespmem:s15], [sflag:$0x2], $0x4000, $0x38;
	[tilespmem:$0x1E800] =	vst v63  }
0x2b: {  	_ =	swait.ge [sflag:s16], $0x4000  }
0x2c: {  	[sflag:s16] =	ssyncset.done $0x0  }
0x2d: {  	[sflag:s16] =	ssyncadd.s32 $0xFFFFC000  }
0x2e: {  	[spmem:s8] =	stream.linear.scatter [tilespmem:s15], [sflag:$0x2], $0x4000, $0x38;
	[tilespmem:$0x1E800] =	vst v63  }
0x2f: {  	_ =	swait.ge [sflag:s16], $0x4000  }
0x30: {  	[sflag:s16] =	ssyncset.done $0x0  }
0x31: {  	[sflag:s16] =	ssyncadd.s32 $0xFFFFC000  }
0x32: {  	[spmem:s9] =	stream.linear.scatter [tilespmem:s15], [sflag:$0x2], $0x4000, $0x38;
	[tilespmem:$0x1E800] =	vst v63  }
0x33: {  	_ =	swait.ge [sflag:s16], $0x4000  }
0x34: {  	[sflag:s16] =	ssyncset.done $0x0  }
0x35: {  	s21 =	simm.s32 $0x0;
	s22 =	simm.s32 $0x3400;
	[sflag:s16] =	ssyncadd.s32 $0xFFFFC000  }
0x36: {  	[tilespmem:s22], [sflag:$0x2] =	stream.linear.gather [hbm4b:s11+s21], $0x3100, $0x38;
	[tilespmem:$0x1E800] =	vst v63  }
0x37: {  	_ =	swait.ge [sflag:s16], $0x3100  }
0x38: {  	[sflag:s16] =	ssyncset.done $0x0  }
0x39: {  	[sflag:s16] =	ssyncadd.s32 $0xFFFFCF00  }
0x3a: {  	[tilespmem:s21], [sflag:$0x2] =	stream.linear.gather [hbm4b:s12+s21], $0x3100, $0x38;
	[tilespmem:$0x1E800] =	vst v63  }
0x3b: {  	_ =	swait.ge [sflag:s16], $0x3100  }
0x3c: {  	[sflag:s16] =	ssyncset.done $0x0  }
0x3d: {  	[sflag:s16] =	ssyncadd.s32 $0xFFFFCF00  }
0x3e: {  	[bflag:$0x0] =	sbarrier.arrive $0xFFFF  }
0x3f: {  	[tilespmem:s15], [sflag:$0x1] =	stream.indirect.gather [hbm4b:s4+s17], $0x80, s21, s17, $0xb8;
	[tilespmem:$0x1E800] =	vst v63  }
0x40: {  	p0 =	sne.s32 s10, $0x1;
	_ =	swait.ge [sflag:s18], $0x4000  }
.Ltmp1:
0x41: {  	[sflag:s18] =	ssyncset.done $0x0;
	(pc) =	sbr.rel @!p0 .LBB2_5-.Ltmp1, $4  }
0x42: {  	[sflag:s18] =	ssyncadd.s32 $0xFFFFC000  }
0x43: {  	[spmem:s2] =	stream.indirect.scatter.add.f32 [tilespmem:s15], [sflag:$0x2], $0x80, s22, s17, $0xb8;
	[tilespmem:$0x1E800] =	vst v63  }
0x44: {  	_ =	swait.ge [sflag:s16], $0x4000  }
0x45: {  	s23 =	sadd.s32 $0xFFFFFFFF, s10;
	[sflag:s16] =	ssyncset.done $0x0  }
.LBB2_4:
0x46: {  	[sflag:s16] =	ssyncadd.s32 $0xFFFFC000;
	s21 =	sadd.s32 $0x80, s21;
	s22 =	sadd.s32 $0x80, s22  }
0x47: {  	[tilespmem:s15], [sflag:$0x1] =	stream.indirect.gather [hbm4b:s4+s17], $0x80, s21, s17, $0xb8;
	[tilespmem:$0x1E800] =	vst v63  }
0x48: {  	p0 =	sne.s32 s23, $0x1;
	s23 =	sadd.s32 $0xFFFFFFFF, s23;
	_ =	swait.ge [sflag:s18], $0x4000  }
.Ltmp2:
0x49: {  	[sflag:s18] =	ssyncset.done $0x0;
	(pc) =	sbr.rel @p0 .LBB2_4-.Ltmp2, $4  }
0x4a: {  	[sflag:s18] =	ssyncadd.s32 $0xFFFFC000  }
0x4b: {  	[spmem:s2] =	stream.indirect.scatter.add.f32 [tilespmem:s15], [sflag:$0x2], $0x80, s22, s17, $0xb8;
	[tilespmem:$0x1E800] =	vst v63  }
0x4c: {  	_ =	swait.ge [sflag:s16], $0x4000  }
0x4d: {  	[sflag:s16] =	ssyncset.done $0x0  }
.LBB2_5:
0x4e: {  	s3 =	sadd.s32 $0x1, s3  }
0x4f: {  	[sflag:s16] =	ssyncadd.s32 $0xFFFFC000;
	p0 =	sne.s32 s3, s14  }
.Ltmp3:
0x50: {  	[bflag:$0x0] =	sbarrier.arrive $0xFFFF;
	(pc) =	sbr.rel @p0 .LBB2_1-.Ltmp3, $4  }
0x51: {  	[hbm:s13], [sflag:s19] =	dma.local [spmem:s20], $0x2800  }
0x52: {  	_ =	swait.ge [sflag:s16], $0x2800  }
0x53: {  	[sflag:s16] =	ssyncset.done $0x0  }
0x54: {  	[sflag:s16] =	ssyncadd.s32 $0xFFFFD800  }
0x55: {  	_ =	sfence.sel $0x180000  }
0x56: {  	[bflag:$0x0] =	sbarrier.arrive $0xFFFF  }
0x57: {  	p0 =	sne.s32 s0, $0x0;
	_ =	strace $0x9000004A  }
0x58: {  	s0 =	sadd.s32 @!p0 $0x100000, s1;
	[bflag:$0x2] =	sbarrier.arrive $0xFFFF  }
0x59: {  	[sflag:s0] =	ssyncadd.tile.s32 @!p0 $0x1;
	_ =	shalt  }
.Lfunc_end2:
_tile_overlayer_lowered:
.L_overlay_start_2:
0x5a: {  	(tag) =	ssettag $0x2  }
0x5b: {  	s0 =	rddreg [dreg:$0x0];
	s2 =	stileid.u32  }
0x5c: {  	s1 =	rddreg [dreg:$0x1];
	p0 =	sne.s32 s2, $0x0  }
0x5d: {  	s3 =	rddreg [dreg:$0x2];
	[bflag:$0x3] =	sbarrier.arrive $0xFFFF;
	s2 =	simm.s32 @!p0 $0x1C02  }
0x5e: {  	[timem:s3], [sflag:s2] =	dma.local @!p0 [hbm:s0], s1  }
0x5f: {  	s0 =	simm.s32 @!p0 $0x2  }
0x60: {  	_ =	swait.ge @!p0 [sflag:s0], s1  }
0x61: {  	s1 =	ssub.s32 @!p0 $0x0, s1;
	[sflag:s0] =	ssyncset.done @!p0 $0x0  }
0x62: {  	[sflag:s0] =	ssyncadd.s32 @!p0 s1  }
0x63: {  	[bflag:$0x3] =	sbarrier.arrive $0xFFFF  }
0x64: {  	_ =	shalt  }

// kernel: kernel.16.cloned.1.call-start
scs
__scs_entry_jumppad:
0x0: {  	(pc) =	sbr.rel $0x88, $3  }
0x1: {  	(tag) =	ssettag $0x0;
	lr =	simm.s32 $0x1  }
0x2: {  	[smem:$0x3F99] =	sst lr;
	_ =	strace $0xD0000000  }
0x3: {  	_ = 	snop  }
0x4: {  	_ = 	snop  }
0x5: {  	_ = 	snop  }
0x6: {  	_ = 	snop  }
0x7: {  	_ = 	snop  }
__scs_overlays_trampoline_lowered:
0x8: {  	[smem:$0x3FA8] =	sst s0  }
0x9: {  	[smem:$0x3FA9] =	sst s1  }
0xa: {  	[smem:$0x3FAA] =	sst s2  }
0xb: {  	[smem:$0x3FAB] =	sst s3  }
0xc: {  	[smem:$0x3FAC] =	sst s4  }
0xd: {  	[smem:$0x3FAD] =	sst s5  }
0xe: {  	[smem:$0x3FAE] =	sst s6  }
0xf: {  	[smem:$0x3FAF] =	sst s7  }
0x10: {  	[smem:$0x3FB0] =	sst s8  }
0x11: {  	[smem:$0x3FB1] =	sst s9;
	s0 =	simm.s32 @!p0 $0x0  }
0x12: {  	s1 =	sld [smem:$0x3F97];
	s0 =	simm.s32 @p0 $0x1  }
0x13: {  	[smem:$0x3FB2] =	sst s0;
	s0 =	simm.s32 @!p1 $0x0  }
0x14: {  	s2 =	sld [smem:$0x3F96];
	s0 =	simm.s32 @p1 $0x1  }
0x15: {  	[smem:$0x3FB3] =	sst s0;
	s0 =	simm.s32 @!p2 $0x0  }
0x16: {  	s3 =	sld [smem:$0x3FDB];
	s0 =	simm.s32 @p2 $0x1  }
0x17: {  	s4 =	simm.s32 $0x1BF5;
	[smem:$0x3FB5] =	sst s0  }
0x18: {  	s0 =	sld [smem:$0x3F98];
	_ =	swait.ge [sflag:s4], $0x0  }
0x19: {  	s7 =	sld [smem:$0x3F99]  }
0x1a: {  	s8 =	sadd.s32 $0xFFFFE003, lr  }
0x1b: {  	s9 =	sadd.s32 $0xFFFFFEF7, lr;
	s5 =	simm.s32 $0xFFFFFFFF;
	p2 =	slt.u32 s8, $0xFFFFF086  }
0x1c: {  	p1 =	slt.u32 s9, $0xF7A;
	s5 =	simm.s32 @!p2 $0x0  }
0x1d: {  	s5 =	simm.s32 @p1 $0x1;
	p0 =	seq.s32 s7, s2  }
0x1e: {  	s7 =	smul.u32 @!p0 $0xF7A, s2;
	p2 =	seq.s32 @!p0 s5, $0x0  }
0x1f: {  	s9 =	smul.u32 $0xF7A, s1;
	s8 =	simm.s32 @!p0 $0x1BF5;
	p2 =	por !p2, p0  }
0x20: {  	[sflag:s8] =	ssyncset.s32 @!p0 $0xFFFFF086;
	s6 =	sadd.s32 @!p0 s3, s7;
	s7 =	simm.s32 @!p0 $0x108  }
0x21: {  	s3 =	sadd.s32 s3, s9;
	s6 =	sadd.s32 @!p0 $0x88, s6;
	s7 =	simm.s32 @p2 $0x1082  }
0x22: {  	[simem:s7], [sflag:s8] =	dma.local @!p0 [hbm:s6], $0xF7A  }
0x23: {  	s9 =	sor.u32 $0xD0000000, s2;
	s6 =	simm.s32 $0x108;
	_ =	swait.ge @!p0 [sflag:s8], $0x0  }
0x24: {  	s3 =	sadd.s32 $0x88, s3;
	s6 =	simm.s32 @!p1 $0x1082;
	[sflag:s4] =	ssyncset.s32 $0xFFFFF086  }
0x25: {  	[simem:s6], [sflag:s4] =	dma.local [hbm:s3], $0xF7A  }
0x26: {  	[smem:$0x3F99] =	sst s1;
	(tag) =	ssettag s2;
	_ =	strace s9  }
0x27: {  	s1 =	sld [smem:$0x3FA9]  }
0x28: {  	s2 =	sld [smem:$0x3FAA]  }
0x29: {  	s4 =	sld [smem:$0x3FAC]  }
0x2a: {  	p0 =	seq.s32 s5, $0x0;
	s5 =	sld [smem:$0x3FAD]  }
0x2b: {  	s6 =	sld [smem:$0x3FAE]  }
0x2c: {  	s7 =	sld [smem:$0x3FAF]  }
0x2d: {  	s3 =	simm.s32 $0x108;
	s8 =	sld [smem:$0x3FB0]  }
0x2e: {  	s3 =	simm.s32 @!p0 $0x1082;
	s9 =	sld [smem:$0x3FB1]  }
0x2f: {  	lr =	sadd.s32 s0, s3;
	s0 =	sld [smem:$0x3FA8]  }
0x30: {  	s3 =	sld [smem:$0x3FAB]  }
0x31: {  	[smem:$0x3FB4] =	sst s10  }
0x32: {  	s10 =	sld [smem:$0x3FB2];
	_ =	sdelay $0x3  }
0x33: {  	p0 =	seq.s32 s10, $0x1;
	s10 =	sld [smem:$0x3FB4];
	_ =	sdelay $0x3  }
0x34: {  	[smem:$0x3FB4] =	sst s10  }
0x35: {  	s10 =	sld [smem:$0x3FB3];
	_ =	sdelay $0x3  }
0x36: {  	p1 =	seq.s32 s10, $0x1;
	s10 =	sld [smem:$0x3FB4];
	_ =	sdelay $0x3  }
0x37: {  	[smem:$0x3FB4] =	sst s10  }
0x38: {  	s10 =	sld [smem:$0x3FB5]  }
0x39: {  	_ = 	snop;
	(pc) =	sbr.ind lr, $3  }
0x3a: {  	_ = 	snop  }
0x3b: {  	_ = 	snop  }
0x3c: {  	p2 =	seq.s32 s10, $0x1;
	s10 =	sld [smem:$0x3FB4]  }
0x3d: {  	_ =	shalt  }
0x3e: {  	_ =	shalt  }
0x3f: {  	_ =	shalt  }
0x40: {  	_ =	shalt  }
0x41: {  	_ =	shalt  }
0x42: {  	_ =	shalt  }
0x43: {  	_ =	shalt  }
0x44: {  	_ =	shalt  }
0x45: {  	_ =	shalt  }
0x46: {  	_ =	shalt  }
0x47: {  	_ =	shalt  }
0x48: {  	_ =	shalt  }
0x49: {  	_ =	shalt  }
0x4a: {  	_ =	shalt  }
0x4b: {  	_ =	shalt  }
0x4c: {  	_ =	shalt  }
0x4d: {  	_ =	shalt  }
0x4e: {  	_ =	shalt  }
0x4f: {  	_ =	shalt  }
0x50: {  	_ =	shalt  }
0x51: {  	_ =	shalt  }
0x52: {  	_ =	shalt  }
0x53: {  	_ =	shalt  }
0x54: {  	_ =	shalt  }
0x55: {  	_ =	shalt  }
0x56: {  	_ =	shalt  }
0x57: {  	_ =	shalt  }
0x58: {  	_ =	shalt  }
0x59: {  	_ =	shalt  }
0x5a: {  	_ =	shalt  }
0x5b: {  	_ =	shalt  }
0x5c: {  	_ =	shalt  }
0x5d: {  	_ =	shalt  }
0x5e: {  	_ =	shalt  }
0x5f: {  	_ =	shalt  }
0x60: {  	_ =	shalt  }
0x61: {  	_ =	shalt  }
0x62: {  	_ =	shalt  }
0x63: {  	_ =	shalt  }
0x64: {  	_ =	shalt  }
0x65: {  	_ =	shalt  }
0x66: {  	_ =	shalt  }
0x67: {  	_ =	shalt  }
0x68: {  	_ =	shalt  }
0x69: {  	_ =	shalt  }
0x6a: {  	_ =	shalt  }
0x6b: {  	_ =	shalt  }
0x6c: {  	_ =	shalt  }
0x6d: {  	_ =	shalt  }
0x6e: {  	_ =	shalt  }
0x6f: {  	_ =	shalt  }
0x70: {  	_ =	shalt  }
0x71: {  	_ =	shalt  }
0x72: {  	_ =	shalt  }
0x73: {  	_ =	shalt  }
0x74: {  	_ =	shalt  }
0x75: {  	_ =	shalt  }
0x76: {  	_ =	shalt  }
0x77: {  	_ =	shalt  }
0x78: {  	_ =	shalt  }
0x79: {  	_ =	shalt  }
0x7a: {  	_ =	shalt  }
0x7b: {  	_ =	shalt  }
0x7c: {  	_ =	shalt  }
0x7d: {  	_ =	shalt  }
0x7e: {  	_ =	shalt  }
0x7f: {  	_ =	shalt  }
0x80: {  	_ =	shalt  }
0x81: {  	_ =	shalt  }
0x82: {  	_ =	shalt  }
0x83: {  	_ =	shalt  }
0x84: {  	_ =	shalt  }
0x85: {  	_ =	shalt  }
0x86: {  	_ =	shalt  }
0x87: {  	_ =	shalt  }
.Lfunc_end0:
.L_simem_size_0:
called_computation.2_lowered:
.L_overlay_start_0:
0x88: {  	s2 =	sld [smem:$0x3FD9]  }
0x89: {  	s3 =	sld [smem:$0x3FFE];
	_ =	sdelay $0x1  }
0x8a: {  	s1 =	srdreg.scid  }
0x8b: {  	s0 =	sand.u32 $0x1, s1  }
0x8c: {  	s17 =	sshll.u32 s0, $0xA;
	s2 =	sadd.s32 s3, s2  }
0x8d: {  	s2 =	sadd.s32 s2, s17  }
0x8e: {  	[smem:$0x3FC0] =	sst s2  }
0x8f: {  	_ = 	snop  }
0x90: {  	s2 =	sld [smem:$0x3FD0];
	(tm) =	ssettm $0x1  }
0x91: {  	s18 =	sld [smem:$0x3FFB];
	_ =	sdelay $0x3  }
0x92: {  	_ =	strace s18  }
0x93: {  	s3 =	sld [smem:$0x3FFC];
	_ =	sdelay $0x3  }
0x94: {  	_ =	strace s3  }
0x95: {  	s3 =	sld [smem:$0x3FFD];
	_ =	sdelay $0x3  }
0x96: {  	_ =	strace s3  }
0x97: {  	_ =	strace $0x8FFFFFFF  }
0x98: {  	s19 =	sld [smem:$0x3FDB];
	_ =	sdelay $0x1  }
0x99: {  	s4 =	simm.s32 $_scs_section_size  }
0x9a: {  	s5 =	simm.s32 $_size__tile_overlayer_lowered;
	s6 =	simm.s32 $_tile_overlayer_lowered  }
0x9b: {  	s22 =	simm.s32 $0x1BFF;
	s21 =	sshll.u32 s6, $0x1;
	s3 =	sadd.s32 s4, s19  }
0x9c: {  	s7 =	simm.s32 $0x0;
	s20 =	sshll.u32 s5, $0x1;
	s5 =	sadd.s32 s21, s3  }
0x9d: {  	[timem:s7], [sflag:s22] =	dma.local [hbm:s5], s20  }
0x9e: {  	_ =	swait.ge [sflag:s22], s20  }
0x9f: {  	s4 =	ssub.s32 $0x0, s20;
	[sflag:s22] =	ssyncset.done $0x0  }
0xa0: {  	[sflag:s22] =	ssyncadd.s32 s4;
	_ =	sdelay $0x1  }
0xa1: {  	s23 =	simm.s32 $0x1B8B  }
0xa2: {  	_ =	swait.ge [sflag:s23], $0x1  }
0xa3: {  	[sflag:s23] =	ssyncset.done $0x0  }
0xa4: {  	s25 =	simm.s32 $0x1B8E;
	s24 =	sld [smem:$0x3FFE];
	[sflag:s23] =	ssyncadd.s32 $0xFFFFFFFF  }
0xa5: {  	s26 =	simm.s32 $execute0_lowered;
	[smem:$0x3FD2] =	sst s25  }
0xa6: {  	s5 =	sshll.u32 s26, $0x1;
	_ =	strace $0x8000004C;
	[dreg:$0x1] =	wrdreg $0xFFFFFFFF  }
0xa7: {  	s28 =	simm.s32 $_size_execute0_lowered;
	s3 =	sadd.s32 s3, s5;
	[dreg:$0x0] =	wrdreg $0x0  }
0xa8: {  	s5 =	sshll.u32 s28, $0x1;
	[dreg:$0x2] =	wrdreg s3  }
0xa9: {  	[dreg:$0x3] =	wrdreg s5  }
0xaa: {  	[dreg:$0x4] =	wrdreg $0xC0  }
0xab: {  	_ =	task [dreg:s7], $0x5FFFF  }
0xac: {  	[dreg:$0x1] =	wrdreg $0xFFFFFFFF  }
0xad: {  	[dreg:$0x0] =	wrdreg $0x60  }
0xae: {  	[dreg:$0x2] =	wrdreg s24  }
0xaf: {  	[dreg:$0x3] =	wrdreg s2  }
0xb0: {  	[dreg:$0x4] =	wrdreg $0xA8000  }
0xb1: {  	[dreg:$0x5] =	wrdreg $0x9  }
0xb2: {  	_ =	task.clear_ibuf [dreg:s7], $0x6FFFF;
	_ =	strace $0x9000004C  }
0xb3: {  	s29 =	simm.s32 $0x9;
	_ =	strace $0x8000004E  }
0xb4: {  	_ =	swait.ge [sflag:s29], $0x1  }
0xb5: {  	[sflag:s29] =	ssyncadd.s32 $0xFFFFFFFF  }
0xb6: {  	_ =	strace $0x9000004E  }
0xb7: {  	_ =	sfence  }
0xb8: {  	s30 =	sld [smem:$0x0];
	_ =	sdelay $0x2  }
0xb9: {  	s31 =	sshll.u32 s1, $0xD;
	s1 =	sshrl.u32 s1, $0x2  }
0xba: {  	s3 =	sand.u32 $0x4000, s31;
	s1 =	sadd.s32 s1, s30  }
0xbb: {  	s0 =	sor.u32 s3, s0;
	s1 =	sshll.u32 s1, $0x11  }
0xbc: {  	s0 =	sor.u32 s1, s0  }
0xbd: {  	s0 =	sadd.s32 $0x8F2B, s0  }
0xbe: {  	[sflag:s0] =	ssyncadd.remote.s32 $0x1  }
0xbf: {  	_ =	sfence.sel $0xFFFF  }
0xc0: {  	[dreg:$0x0] =	wrdreg $0xFFFFFFFF;
	(pc) =	sbr.abs _section_cstart, $3  }
0xc1: {  	[dreg:$0x1] =	wrdreg $0xFFFFFFFF  }
0xc2: {  	_ =	task.clear_ibuf [dreg:s7], $0x2FFFF;
	_ =	strace $0x9FFFFFFF  }
0xc3: {  	(tm) =	ssettm $0x7FFFFFFF  }
tec
execute0_lowered:
.L_overlay_start_1:
0x0: {  	(tag) =	ssettag $0x1  }
0x1: {  	s5 =	rddreg [dreg:$0x0]  }
0x2: {  	s12 =	rddreg [dreg:$0x1]  }
0x3: {  	s0 =	srdreg.scid;
	s2 =	rddreg [dreg:$0x2]  }
0x4: {  	s3 =	simm.s32 $0x0;
	s10 =	sand.u32 $0x1, s0;
	s0 =	stileid.u32  }
0x5: {  	s16 =	simm.s32 $0x2;
	s17 =	simm.s32 $0x80;
	s6 =	smul.u32 $0x2800, s0  }
0x6: {  	s18 =	simm.s32 $0x1;
	[smem:$0x7FF] =	sst s3;
	s7 =	smul.u32 $0x28000, s10  }
0x7: {  	s4 =	sadd.s32 $0x1CC00, s5;
	s1 =	sshll.u32 s10, $0x4;
	s8 =	smul.u32 $0x50000, s0  }
0x8: {  	s9 =	ssub.s32 $0x2, s10;
	p0 =	seq.s32 s10, $0x0;
	s10 =	simm.s32 $0x62  }
0x9: {  	s19 =	sshll.u32 s0, $0x6;
	s1 =	sor.u32 s0, s1;
	s31 =	sshrl.u32 s9, $0x1  }
0xa: {  	s10 =	simm.s32 @!p0 $0x3B;
	s19 =	sor.u32 $0x1C02, s19;
	s13 =	smul.u32 $0x680, s1  }
0xb: {  	s1 =	rddreg [dreg:$0x3];
	_ =	strace $0x8000004D;
	s6 =	sadd.s32 s6, s7  }
0xc: {  	s8 =	sshrl.u32 s8, $0x2;
	s15 =	ssub.s32 s9, s31;
	s14 =	sadd.s32 s6, s5  }
0xd: {  	s11 =	sadd.s32 s13, s5;
	s5 =	sadd.s32 s8, s2;
	s12 =	sadd.s32 s12, s13  }
0xe: {  	s13 =	sadd.s32 $0x9EC00, s14;
	s14 =	smax.u32 s15, $0x1;
	s15 =	simm.s32 $0x6800  }
0xf: {  	s6 =	sadd.s32 $0x4000, s5;
	s7 =	sadd.s32 $0x8000, s5;
	s8 =	sadd.s32 $0xC000, s5  }
0x10: {  	v0 =	vimm.f32 $0.0e+00;
	s9 =	sadd.s32 $0x10000, s5;
	s11 =	sadd.s32 $0x3800, s11;
	s20 =	sshrl.u32 s5, $0x3  }
.LBB2_1:
0x11: {  	s21 =	simm.s32 $0x0;
	s22 =	simm.s32 $0x200  }
.LBB2_2:
0x12: {  	p0 =	sne.s32 s22, $0xFE00;
	[tilespmem:s21+$0x6870] =	vst v0  }
0x13: {  	[tilespmem:s21+$0x6800] =	vst v0  }
0x14: {  	[tilespmem:s21+$0x6810] =	vst v0  }
.Ltmp0:
0x15: {  	[tilespmem:s21+$0x6820] =	vst v0;
	(pc) =	sbr.rel @p0 .LBB2_2-.Ltmp0, $4  }
0x16: {  	[tilespmem:s21+$0x6830] =	vst v0  }
0x17: {  	[tilespmem:s21+$0x6840] =	vst v0  }
0x18: {  	[tilespmem:s21+$0x6850] =	vst v0  }
0x19: {  	[tilespmem:s21+$0x6860] =	vst v0;
	s21 =	sshra.s32 s22, $0x2;
	s22 =	sadd.s32 $0x200, s22  }
0x1a: {  	[tilespmem:s21+$0x6870] =	vst v0  }
0x1b: {  	[tilespmem:s21+$0x6800] =	vst v0  }
0x1c: {  	[tilespmem:s21+$0x6810] =	vst v0  }
0x1d: {  	[tilespmem:s21+$0x6820] =	vst v0  }
0x1e: {  	[tilespmem:s21+$0x6830] =	vst v0  }
0x1f: {  	[tilespmem:s21+$0x6840] =	vst v0  }
0x20: {  	[tilespmem:s21+$0x6850] =	vst v0  }
0x21: {  	[tilespmem:s21+$0x6860] =	vst v0  }
0x22: {  	[spmem:s5] =	stream.linear.scatter [tilespmem:s15], [sflag:$0x2], $0x4000, $0x38;
	[tilespmem:$0x1E800] =	vst v63  }
0x23: {  	_ =	swait.ge [sflag:s16], $0x4000  }
0x24: {  	[sflag:s16] =	ssyncset.done $0x0  }
0x25: {  	[sflag:s16] =	ssyncadd.s32 $0xFFFFC000  }
0x26: {  	[spmem:s6] =	stream.linear.scatter [tilespmem:s15], [sflag:$0x2], $0x4000, $0x38;
	[tilespmem:$0x1E800] =	vst v63  }
0x27: {  	_ =	swait.ge [sflag:s16], $0x4000  }
0x28: {  	[sflag:s16] =	ssyncset.done $0x0  }
0x29: {  	[sflag:s16] =	ssyncadd.s32 $0xFFFFC000  }
0x2a: {  	[spmem:s7] =	stream.linear.scatter [tilespmem:s15], [sflag:$0x2], $0x4000, $0x38;
	[tilespmem:$0x1E800] =	vst v63  }
0x2b: {  	_ =	swait.ge [sflag:s16], $0x4000  }
0x2c: {  	[sflag:s16] =	ssyncset.done $0x0  }
0x2d: {  	[sflag:s16] =	ssyncadd.s32 $0xFFFFC000  }
0x2e: {  	[spmem:s8] =	stream.linear.scatter [tilespmem:s15], [sflag:$0x2], $0x4000, $0x38;
	[tilespmem:$0x1E800] =	vst v63  }
0x2f: {  	_ =	swait.ge [sflag:s16], $0x4000  }
0x30: {  	[sflag:s16] =	ssyncset.done $0x0  }
0x31: {  	[sflag:s16] =	ssyncadd.s32 $0xFFFFC000  }
0x32: {  	[spmem:s9] =	stream.linear.scatter [tilespmem:s15], [sflag:$0x2], $0x4000, $0x38;
	[tilespmem:$0x1E800] =	vst v63  }
0x33: {  	_ =	swait.ge [sflag:s16], $0x4000  }
0x34: {  	[sflag:s16] =	ssyncset.done $0x0  }
0x35: {  	s21 =	simm.s32 $0x0;
	s22 =	simm.s32 $0x3400;
	[sflag:s16] =	ssyncadd.s32 $0xFFFFC000  }
0x36: {  	[tilespmem:s22], [sflag:$0x2] =	stream.linear.gather [hbm4b:s11+s21], $0x3100, $0x38;
	[tilespmem:$0x1E800] =	vst v63  }
0x37: {  	_ =	swait.ge [sflag:s16], $0x3100  }
0x38: {  	[sflag:s16] =	ssyncset.done $0x0  }
0x39: {  	[sflag:s16] =	ssyncadd.s32 $0xFFFFCF00  }
0x3a: {  	[tilespmem:s21], [sflag:$0x2] =	stream.linear.gather [hbm4b:s12+s21], $0x3100, $0x38;
	[tilespmem:$0x1E800] =	vst v63  }
0x3b: {  	_ =	swait.ge [sflag:s16], $0x3100  }
0x3c: {  	[sflag:s16] =	ssyncset.done $0x0  }
0x3d: {  	[sflag:s16] =	ssyncadd.s32 $0xFFFFCF00  }
0x3e: {  	[bflag:$0x0] =	sbarrier.arrive $0xFFFF  }
0x3f: {  	[tilespmem:s15], [sflag:$0x1] =	stream.indirect.gather [hbm4b:s4+s17], $0x80, s21, s17, $0xb8;
	[tilespmem:$0x1E800] =	vst v63  }
0x40: {  	p0 =	sne.s32 s10, $0x1;
	_ =	swait.ge [sflag:s18], $0x4000  }
.Ltmp1:
0x41: {  	[sflag:s18] =	ssyncset.done $0x0;
	(pc) =	sbr.rel @!p0 .LBB2_5-.Ltmp1, $4  }
0x42: {  	[sflag:s18] =	ssyncadd.s32 $0xFFFFC000  }
0x43: {  	[spmem:s2] =	stream.indirect.scatter.add.f32 [tilespmem:s15], [sflag:$0x2], $0x80, s22, s17, $0xb8;
	[tilespmem:$0x1E800] =	vst v63  }
0x44: {  	_ =	swait.ge [sflag:s16], $0x4000  }
0x45: {  	s23 =	sadd.s32 $0xFFFFFFFF, s10;
	[sflag:s16] =	ssyncset.done $0x0  }
.LBB2_4:
0x46: {  	[sflag:s16] =	ssyncadd.s32 $0xFFFFC000;
	s21 =	sadd.s32 $0x80, s21;
	s22 =	sadd.s32 $0x80, s22  }
0x47: {  	[tilespmem:s15], [sflag:$0x1] =	stream.indirect.gather [hbm4b:s4+s17], $0x80, s21, s17, $0xb8;
	[tilespmem:$0x1E800] =	vst v63  }
0x48: {  	p0 =	sne.s32 s23, $0x1;
	s23 =	sadd.s32 $0xFFFFFFFF, s23;
	_ =	swait.ge [sflag:s18], $0x4000  }
.Ltmp2:
0x49: {  	[sflag:s18] =	ssyncset.done $0x0;
	(pc) =	sbr.rel @p0 .LBB2_4-.Ltmp2, $4  }
0x4a: {  	[sflag:s18] =	ssyncadd.s32 $0xFFFFC000  }
0x4b: {  	[spmem:s2] =	stream.indirect.scatter.add.f32 [tilespmem:s15], [sflag:$0x2], $0x80, s22, s17, $0xb8;
	[tilespmem:$0x1E800] =	vst v63  }
0x4c: {  	_ =	swait.ge [sflag:s16], $0x4000  }
0x4d: {  	[sflag:s16] =	ssyncset.done $0x0  }
.LBB2_5:
0x4e: {  	s3 =	sadd.s32 $0x1, s3  }
0x4f: {  	[sflag:s16] =	ssyncadd.s32 $0xFFFFC000;
	p0 =	sne.s32 s3, s14  }
.Ltmp3:
0x50: {  	[bflag:$0x0] =	sbarrier.arrive $0xFFFF;
	(pc) =	sbr.rel @p0 .LBB2_1-.Ltmp3, $4  }
0x51: {  	[hbm:s13], [sflag:s19] =	dma.local [spmem:s20], $0x2800  }
0x52: {  	_ =	swait.ge [sflag:s16], $0x2800  }
0x53: {  	[sflag:s16] =	ssyncset.done $0x0  }
0x54: {  	[sflag:s16] =	ssyncadd.s32 $0xFFFFD800  }
0x55: {  	_ =	sfence.sel $0x180000  }
0x56: {  	[bflag:$0x0] =	sbarrier.arrive $0xFFFF  }
0x57: {  	p0 =	sne.s32 s0, $0x0;
	_ =	strace $0x9000004D  }
0x58: {  	s0 =	sadd.s32 @!p0 $0x100000, s1;
	[bflag:$0x2] =	sbarrier.arrive $0xFFFF  }
0x59: {  	[sflag:s0] =	ssyncadd.tile.s32 @!p0 $0x1;
	_ =	shalt  }
.Lfunc_end2:
_tile_overlayer_lowered:
.L_overlay_start_2:
0x5a: {  	(tag) =	ssettag $0x2  }
0x5b: {  	s0 =	rddreg [dreg:$0x0];
	s2 =	stileid.u32  }
0x5c: {  	s1 =	rddreg [dreg:$0x1];
	p0 =	sne.s32 s2, $0x0  }
0x5d: {  	s3 =	rddreg [dreg:$0x2];
	[bflag:$0x3] =	sbarrier.arrive $0xFFFF;
	s2 =	simm.s32 @!p0 $0x1C02  }
0x5e: {  	[timem:s3], [sflag:s2] =	dma.local @!p0 [hbm:s0], s1  }
0x5f: {  	s0 =	simm.s32 @!p0 $0x2  }
0x60: {  	_ =	swait.ge @!p0 [sflag:s0], s1  }
0x61: {  	s1 =	ssub.s32 @!p0 $0x0, s1;
	[sflag:s0] =	ssyncset.done @!p0 $0x0  }
0x62: {  	[sflag:s0] =	ssyncadd.s32 @!p0 s1  }
0x63: {  	[bflag:$0x3] =	sbarrier.arrive $0xFFFF  }
0x64: {  	_ =	shalt  }

// kernel: kernel.19.cloned.1.call-start
scs
__scs_entry_jumppad:
0x0: {  	(pc) =	sbr.rel $0x88, $3  }
0x1: {  	(tag) =	ssettag $0x0;
	lr =	simm.s32 $0x1  }
0x2: {  	[smem:$0x3F99] =	sst lr;
	_ =	strace $0xD0000000  }
0x3: {  	_ = 	snop  }
0x4: {  	_ = 	snop  }
0x5: {  	_ = 	snop  }
0x6: {  	_ = 	snop  }
0x7: {  	_ = 	snop  }
__scs_overlays_trampoline_lowered:
0x8: {  	[smem:$0x3FA8] =	sst s0  }
0x9: {  	[smem:$0x3FA9] =	sst s1  }
0xa: {  	[smem:$0x3FAA] =	sst s2  }
0xb: {  	[smem:$0x3FAB] =	sst s3  }
0xc: {  	[smem:$0x3FAC] =	sst s4  }
0xd: {  	[smem:$0x3FAD] =	sst s5  }
0xe: {  	[smem:$0x3FAE] =	sst s6  }
0xf: {  	[smem:$0x3FAF] =	sst s7  }
0x10: {  	[smem:$0x3FB0] =	sst s8  }
0x11: {  	[smem:$0x3FB1] =	sst s9;
	s0 =	simm.s32 @!p0 $0x0  }
0x12: {  	s1 =	sld [smem:$0x3F97];
	s0 =	simm.s32 @p0 $0x1  }
0x13: {  	[smem:$0x3FB2] =	sst s0;
	s0 =	simm.s32 @!p1 $0x0  }
0x14: {  	s2 =	sld [smem:$0x3F96];
	s0 =	simm.s32 @p1 $0x1  }
0x15: {  	[smem:$0x3FB3] =	sst s0;
	s0 =	simm.s32 @!p2 $0x0  }
0x16: {  	s3 =	sld [smem:$0x3FDB];
	s0 =	simm.s32 @p2 $0x1  }
0x17: {  	s4 =	simm.s32 $0x1BF5;
	[smem:$0x3FB5] =	sst s0  }
0x18: {  	s0 =	sld [smem:$0x3F98];
	_ =	swait.ge [sflag:s4], $0x0  }
0x19: {  	s7 =	sld [smem:$0x3F99]  }
0x1a: {  	s8 =	sadd.s32 $0xFFFFE003, lr  }
0x1b: {  	s9 =	sadd.s32 $0xFFFFFEF7, lr;
	s5 =	simm.s32 $0xFFFFFFFF;
	p2 =	slt.u32 s8, $0xFFFFF086  }
0x1c: {  	p1 =	slt.u32 s9, $0xF7A;
	s5 =	simm.s32 @!p2 $0x0  }
0x1d: {  	s5 =	simm.s32 @p1 $0x1;
	p0 =	seq.s32 s7, s2  }
0x1e: {  	s7 =	smul.u32 @!p0 $0xF7A, s2;
	p2 =	seq.s32 @!p0 s5, $0x0  }
0x1f: {  	s9 =	smul.u32 $0xF7A, s1;
	s8 =	simm.s32 @!p0 $0x1BF5;
	p2 =	por !p2, p0  }
0x20: {  	[sflag:s8] =	ssyncset.s32 @!p0 $0xFFFFF086;
	s6 =	sadd.s32 @!p0 s3, s7;
	s7 =	simm.s32 @!p0 $0x108  }
0x21: {  	s3 =	sadd.s32 s3, s9;
	s6 =	sadd.s32 @!p0 $0x88, s6;
	s7 =	simm.s32 @p2 $0x1082  }
0x22: {  	[simem:s7], [sflag:s8] =	dma.local @!p0 [hbm:s6], $0xF7A  }
0x23: {  	s9 =	sor.u32 $0xD0000000, s2;
	s6 =	simm.s32 $0x108;
	_ =	swait.ge @!p0 [sflag:s8], $0x0  }
0x24: {  	s3 =	sadd.s32 $0x88, s3;
	s6 =	simm.s32 @!p1 $0x1082;
	[sflag:s4] =	ssyncset.s32 $0xFFFFF086  }
0x25: {  	[simem:s6], [sflag:s4] =	dma.local [hbm:s3], $0xF7A  }
0x26: {  	[smem:$0x3F99] =	sst s1;
	(tag) =	ssettag s2;
	_ =	strace s9  }
0x27: {  	s1 =	sld [smem:$0x3FA9]  }
0x28: {  	s2 =	sld [smem:$0x3FAA]  }
0x29: {  	s4 =	sld [smem:$0x3FAC]  }
0x2a: {  	p0 =	seq.s32 s5, $0x0;
	s5 =	sld [smem:$0x3FAD]  }
0x2b: {  	s6 =	sld [smem:$0x3FAE]  }
0x2c: {  	s7 =	sld [smem:$0x3FAF]  }
0x2d: {  	s3 =	simm.s32 $0x108;
	s8 =	sld [smem:$0x3FB0]  }
0x2e: {  	s3 =	simm.s32 @!p0 $0x1082;
	s9 =	sld [smem:$0x3FB1]  }
0x2f: {  	lr =	sadd.s32 s0, s3;
	s0 =	sld [smem:$0x3FA8]  }
0x30: {  	s3 =	sld [smem:$0x3FAB]  }
0x31: {  	[smem:$0x3FB4] =	sst s10  }
0x32: {  	s10 =	sld [smem:$0x3FB2];
	_ =	sdelay $0x3  }
0x33: {  	p0 =	seq.s32 s10, $0x1;
	s10 =	sld [smem:$0x3FB4];
	_ =	sdelay $0x3  }
0x34: {  	[smem:$0x3FB4] =	sst s10  }
0x35: {  	s10 =	sld [smem:$0x3FB3];
	_ =	sdelay $0x3  }
0x36: {  	p1 =	seq.s32 s10, $0x1;
	s10 =	sld [smem:$0x3FB4];
	_ =	sdelay $0x3  }
0x37: {  	[smem:$0x3FB4] =	sst s10  }
0x38: {  	s10 =	sld [smem:$0x3FB5]  }
0x39: {  	_ = 	snop;
	(pc) =	sbr.ind lr, $3  }
0x3a: {  	_ = 	snop  }
0x3b: {  	_ = 	snop  }
0x3c: {  	p2 =	seq.s32 s10, $0x1;
	s10 =	sld [smem:$0x3FB4]  }
0x3d: {  	_ =	shalt  }
0x3e: {  	_ =	shalt  }
0x3f: {  	_ =	shalt  }
0x40: {  	_ =	shalt  }
0x41: {  	_ =	shalt  }
0x42: {  	_ =	shalt  }
0x43: {  	_ =	shalt  }
0x44: {  	_ =	shalt  }
0x45: {  	_ =	shalt  }
0x46: {  	_ =	shalt  }
0x47: {  	_ =	shalt  }
0x48: {  	_ =	shalt  }
0x49: {  	_ =	shalt  }
0x4a: {  	_ =	shalt  }
0x4b: {  	_ =	shalt  }
0x4c: {  	_ =	shalt  }
0x4d: {  	_ =	shalt  }
0x4e: {  	_ =	shalt  }
0x4f: {  	_ =	shalt  }
0x50: {  	_ =	shalt  }
0x51: {  	_ =	shalt  }
0x52: {  	_ =	shalt  }
0x53: {  	_ =	shalt  }
0x54: {  	_ =	shalt  }
0x55: {  	_ =	shalt  }
0x56: {  	_ =	shalt  }
0x57: {  	_ =	shalt  }
0x58: {  	_ =	shalt  }
0x59: {  	_ =	shalt  }
0x5a: {  	_ =	shalt  }
0x5b: {  	_ =	shalt  }
0x5c: {  	_ =	shalt  }
0x5d: {  	_ =	shalt  }
0x5e: {  	_ =	shalt  }
0x5f: {  	_ =	shalt  }
0x60: {  	_ =	shalt  }
0x61: {  	_ =	shalt  }
0x62: {  	_ =	shalt  }
0x63: {  	_ =	shalt  }
0x64: {  	_ =	shalt  }
0x65: {  	_ =	shalt  }
0x66: {  	_ =	shalt  }
0x67: {  	_ =	shalt  }
0x68: {  	_ =	shalt  }
0x69: {  	_ =	shalt  }
0x6a: {  	_ =	shalt  }
0x6b: {  	_ =	shalt  }
0x6c: {  	_ =	shalt  }
0x6d: {  	_ =	shalt  }
0x6e: {  	_ =	shalt  }
0x6f: {  	_ =	shalt  }
0x70: {  	_ =	shalt  }
0x71: {  	_ =	shalt  }
0x72: {  	_ =	shalt  }
0x73: {  	_ =	shalt  }
0x74: {  	_ =	shalt  }
0x75: {  	_ =	shalt  }
0x76: {  	_ =	shalt  }
0x77: {  	_ =	shalt  }
0x78: {  	_ =	shalt  }
0x79: {  	_ =	shalt  }
0x7a: {  	_ =	shalt  }
0x7b: {  	_ =	shalt  }
0x7c: {  	_ =	shalt  }
0x7d: {  	_ =	shalt  }
0x7e: {  	_ =	shalt  }
0x7f: {  	_ =	shalt  }
0x80: {  	_ =	shalt  }
0x81: {  	_ =	shalt  }
0x82: {  	_ =	shalt  }
0x83: {  	_ =	shalt  }
0x84: {  	_ =	shalt  }
0x85: {  	_ =	shalt  }
0x86: {  	_ =	shalt  }
0x87: {  	_ =	shalt  }
.Lfunc_end0:
.L_simem_size_0:
called_computation.3_lowered:
.L_overlay_start_0:
0x88: {  	s2 =	sld [smem:$0x3FD9]  }
0x89: {  	s3 =	sld [smem:$0x3FFE];
	_ =	sdelay $0x1  }
0x8a: {  	s1 =	srdreg.scid  }
0x8b: {  	s0 =	sand.u32 $0x1, s1  }
0x8c: {  	s16 =	sshll.u32 s0, $0xA;
	s2 =	sadd.s32 s3, s2  }
0x8d: {  	s2 =	sadd.s32 s2, s16  }
0x8e: {  	[smem:$0x3FC0] =	sst s2  }
0x8f: {  	_ = 	snop  }
0x90: {  	(tm) =	ssettm $0x1  }
0x91: {  	s17 =	sld [smem:$0x3FFB];
	_ =	sdelay $0x3  }
0x92: {  	_ =	strace s17  }
0x93: {  	s2 =	sld [smem:$0x3FFC];
	_ =	sdelay $0x3  }
0x94: {  	_ =	strace s2  }
0x95: {  	s2 =	sld [smem:$0x3FFD];
	_ =	sdelay $0x3  }
0x96: {  	_ =	strace s2  }
0x97: {  	_ =	strace $0x8FFFFFFF  }
0x98: {  	s18 =	sld [smem:$0x3FDB];
	_ =	sdelay $0x1  }
0x99: {  	s19 =	simm.s32 $_scs_section_size  }
0x9a: {  	s4 =	simm.s32 $_size__tile_overlayer_lowered;
	s5 =	simm.s32 $_tile_overlayer_lowered  }
0x9b: {  	s22 =	simm.s32 $0x1BFF;
	s21 =	sshll.u32 s5, $0x1;
	s2 =	sadd.s32 s19, s18  }
0x9c: {  	s6 =	simm.s32 $0x0;
	s20 =	sshll.u32 s4, $0x1;
	s4 =	sadd.s32 s21, s2  }
0x9d: {  	[timem:s6], [sflag:s22] =	dma.local [hbm:s4], s20  }
0x9e: {  	_ =	swait.ge [sflag:s22], s20  }
0x9f: {  	s3 =	ssub.s32 $0x0, s20;
	[sflag:s22] =	ssyncset.done $0x0  }
0xa0: {  	[sflag:s22] =	ssyncadd.s32 s3;
	_ =	sdelay $0x1  }
0xa1: {  	s23 =	simm.s32 $0x1B8B  }
0xa2: {  	_ =	swait.ge [sflag:s23], $0x1  }
0xa3: {  	[sflag:s23] =	ssyncset.done $0x0  }
0xa4: {  	s25 =	simm.s32 $0x1B8E;
	s24 =	sld [smem:$0x3FFE];
	[sflag:s23] =	ssyncadd.s32 $0xFFFFFFFF  }
0xa5: {  	s26 =	simm.s32 $execute0_lowered;
	[smem:$0x3FD2] =	sst s25  }
0xa6: {  	s4 =	sshll.u32 s26, $0x1;
	_ =	strace $0x8000004F;
	[dreg:$0x1] =	wrdreg $0xFFFFFFFF  }
0xa7: {  	s28 =	simm.s32 $_size_execute0_lowered;
	s2 =	sadd.s32 s2, s4;
	[dreg:$0x0] =	wrdreg $0x0  }
0xa8: {  	s4 =	sshll.u32 s28, $0x1;
	[dreg:$0x2] =	wrdreg s2  }
0xa9: {  	[dreg:$0x3] =	wrdreg s4  }
0xaa: {  	[dreg:$0x4] =	wrdreg $0xC0  }
0xab: {  	_ =	task [dreg:s6], $0x5FFFF  }
0xac: {  	[dreg:$0x1] =	wrdreg $0xFFFFFFFF  }
0xad: {  	[dreg:$0x0] =	wrdreg $0x60  }
0xae: {  	[dreg:$0x2] =	wrdreg s24  }
0xaf: {  	[dreg:$0x3] =	wrdreg $0x82000  }
0xb0: {  	[dreg:$0x4] =	wrdreg $0x9  }
0xb1: {  	_ =	task.clear_ibuf [dreg:s6], $0x5FFFF;
	_ =	strace $0x9000004F  }
0xb2: {  	s29 =	simm.s32 $0x9;
	_ =	strace $0x80000051  }
0xb3: {  	_ =	swait.ge [sflag:s29], $0x1  }
0xb4: {  	[sflag:s29] =	ssyncadd.s32 $0xFFFFFFFF  }
0xb5: {  	_ =	strace $0x90000051  }
0xb6: {  	_ =	sfence  }
0xb7: {  	s30 =	sld [smem:$0x0];
	_ =	sdelay $0x2  }
0xb8: {  	s31 =	sshll.u32 s1, $0xD;
	s1 =	sshrl.u32 s1, $0x2  }
0xb9: {  	s3 =	sand.u32 $0x4000, s31;
	s1 =	sadd.s32 s1, s30  }
0xba: {  	s0 =	sor.u32 s3, s0;
	s1 =	sshll.u32 s1, $0x11  }
0xbb: {  	s0 =	sor.u32 s1, s0  }
0xbc: {  	s0 =	sadd.s32 $0x8F2B, s0  }
0xbd: {  	[sflag:s0] =	ssyncadd.remote.s32 $0x1  }
0xbe: {  	_ =	sfence.sel $0xFFFF  }
0xbf: {  	[dreg:$0x0] =	wrdreg $0xFFFFFFFF;
	(pc) =	sbr.abs _section_cstart, $3  }
0xc0: {  	[dreg:$0x1] =	wrdreg $0xFFFFFFFF  }
0xc1: {  	_ =	task.clear_ibuf [dreg:s6], $0x2FFFF;
	_ =	strace $0x9FFFFFFF  }
0xc2: {  	(tm) =	ssettm $0x7FFFFFFF  }
0xc3: {  	_ =	shalt  }
tec
execute0_lowered:
.L_overlay_start_1:
0x0: {  	(tag) =	ssettag $0x1  }
0x1: {  	s5 =	rddreg [dreg:$0x0]  }
0x2: {  	s0 =	srdreg.scid;
	s2 =	rddreg [dreg:$0x1]  }
0x3: {  	s3 =	simm.s32 $0x0;
	s15 =	simm.s32 $0x6200;
	s16 =	simm.s32 $0x2  }
0x4: {  	s17 =	simm.s32 $0x80;
	s10 =	sand.u32 $0x1, s0;
	s0 =	stileid.u32  }
0x5: {  	s18 =	simm.s32 $0x1;
	[smem:$0x7FF] =	sst s3;
	s7 =	smul.u32 $0x1400, s0  }
0x6: {  	s4 =	sadd.s32 $0x1CC00, s5;
	s1 =	sshll.u32 s10, $0x4;
	s8 =	smul.u32 $0x14000, s10  }
0x7: {  	s9 =	smul.u32 $0x28000, s0;
	s30 =	ssub.s32 $0x2, s10;
	p0 =	seq.s32 s10, $0x0  }
0x8: {  	s10 =	simm.s32 $0x62;
	s19 =	sshll.u32 s0, $0x6;
	s1 =	sor.u32 s0, s1  }
0x9: {  	s31 =	sshrl.u32 s30, $0x1;
	s10 =	simm.s32 @!p0 $0x3B;
	s19 =	sor.u32 $0x1C02, s19  }
0xa: {  	s6 =	smul.u32 $0x620, s1;
	s1 =	rddreg [dreg:$0x2];
	_ =	strace $0x80000050  }
0xb: {  	s7 =	sadd.s32 s7, s8;
	s9 =	sshrl.u32 s9, $0x2;
	s14 =	ssub.s32 s30, s31  }
0xc: {  	s13 =	sadd.s32 s7, s5;
	s12 =	sadd.s32 s6, s5;
	s5 =	sadd.s32 s9, s2  }
0xd: {  	s14 =	smax.u32 s14, $0x1;
	s13 =	sadd.s32 $0x30C00, s13;
	s6 =	sadd.s32 $0x2000, s5  }
0xe: {  	s7 =	sadd.s32 $0x4000, s5;
	s8 =	sadd.s32 $0x6000, s5;
	s9 =	sadd.s32 $0x8000, s5  }
0xf: {  	v0 =	vimm.f32 $0.0e+00;
	s11 =	sadd.s32 $0x10800, s12;
	s12 =	sadd.s32 $0xEEC00, s12;
	s20 =	sshrl.u32 s5, $0x3  }
.LBB2_1:
0x10: {  	s22 =	simm.s32 $0x100;
	s21 =	simm.s32 $0x0  }
.LBB2_2:
0x11: {  	p0 =	sne.s32 s22, $0x7F00;
	[tilespmem:s21+$0x6230] =	vst v0;
	s23 =	smov.u32 s22;
	s22 =	sadd.s32 $0x100, s22  }
.Ltmp0:
0x12: {  	[tilespmem:s21+$0x6220] =	vst v0;
	(pc) =	sbr.rel @p0 .LBB2_2-.Ltmp0, $3  }
0x13: {  	[tilespmem:s21+$0x6200] =	vst v0  }
0x14: {  	[tilespmem:s21+$0x6210] =	vst v0;
	_ =	sdelay $0x1  }
0x15: {  	s21 =	sshra.s32 s23, $0x2  }
0x16: {  	[tilespmem:s21+$0x6230] =	vst v0  }
0x17: {  	[tilespmem:s21+$0x6220] =	vst v0  }
0x18: {  	[tilespmem:s21+$0x6200] =	vst v0  }
0x19: {  	[tilespmem:s21+$0x6210] =	vst v0  }
0x1a: {  	[spmem:s5] =	stream.linear.scatter [tilespmem:s15], [sflag:$0x2], $0x2000, $0x38;
	[tilespmem:$0x12200] =	vst v63  }
0x1b: {  	_ =	swait.ge [sflag:s16], $0x2000  }
0x1c: {  	[sflag:s16] =	ssyncset.done $0x0  }
0x1d: {  	[sflag:s16] =	ssyncadd.s32 $0xFFFFE000  }
0x1e: {  	[spmem:s6] =	stream.linear.scatter [tilespmem:s15], [sflag:$0x2], $0x2000, $0x38;
	[tilespmem:$0x12200] =	vst v63  }
0x1f: {  	_ =	swait.ge [sflag:s16], $0x2000  }
0x20: {  	[sflag:s16] =	ssyncset.done $0x0  }
0x21: {  	[sflag:s16] =	ssyncadd.s32 $0xFFFFE000  }
0x22: {  	[spmem:s7] =	stream.linear.scatter [tilespmem:s15], [sflag:$0x2], $0x2000, $0x38;
	[tilespmem:$0x12200] =	vst v63  }
0x23: {  	_ =	swait.ge [sflag:s16], $0x2000  }
0x24: {  	[sflag:s16] =	ssyncset.done $0x0  }
0x25: {  	[sflag:s16] =	ssyncadd.s32 $0xFFFFE000  }
0x26: {  	[spmem:s8] =	stream.linear.scatter [tilespmem:s15], [sflag:$0x2], $0x2000, $0x38;
	[tilespmem:$0x12200] =	vst v63  }
0x27: {  	_ =	swait.ge [sflag:s16], $0x2000  }
0x28: {  	[sflag:s16] =	ssyncset.done $0x0  }
0x29: {  	[sflag:s16] =	ssyncadd.s32 $0xFFFFE000  }
0x2a: {  	[spmem:s9] =	stream.linear.scatter [tilespmem:s15], [sflag:$0x2], $0x2000, $0x38;
	[tilespmem:$0x12200] =	vst v63  }
0x2b: {  	_ =	swait.ge [sflag:s16], $0x2000  }
0x2c: {  	[sflag:s16] =	ssyncset.done $0x0  }
0x2d: {  	s21 =	simm.s32 $0x0;
	s22 =	simm.s32 $0x3100;
	[sflag:s16] =	ssyncadd.s32 $0xFFFFE000  }
0x2e: {  	[tilespmem:s22], [sflag:$0x2] =	stream.linear.gather [hbm4b:s11+s21], $0x3100, $0x38;
	[tilespmem:$0x12200] =	vst v63  }
0x2f: {  	_ =	swait.ge [sflag:s16], $0x3100  }
0x30: {  	[sflag:s16] =	ssyncset.done $0x0  }
0x31: {  	[sflag:s16] =	ssyncadd.s32 $0xFFFFCF00  }
0x32: {  	[tilespmem:s21], [sflag:$0x2] =	stream.linear.gather [hbm4b:s12+s21], $0x3100, $0x38;
	[tilespmem:$0x12200] =	vst v63  }
0x33: {  	_ =	swait.ge [sflag:s16], $0x3100  }
0x34: {  	[sflag:s16] =	ssyncset.done $0x0  }
0x35: {  	[sflag:s16] =	ssyncadd.s32 $0xFFFFCF00  }
0x36: {  	[bflag:$0x0] =	sbarrier.arrive $0xFFFF  }
0x37: {  	[tilespmem:s15], [sflag:$0x1] =	stream.indirect.gather [hbm4b:s4+s17], $0x40, s21, s17, $0xb8;
	[tilespmem:$0x12200] =	vst v63  }
0x38: {  	p0 =	sne.s32 s10, $0x1;
	_ =	swait.ge [sflag:s18], $0x2000  }
.Ltmp1:
0x39: {  	[sflag:s18] =	ssyncset.done $0x0;
	(pc) =	sbr.rel @!p0 .LBB2_5-.Ltmp1, $4  }
0x3a: {  	[sflag:s18] =	ssyncadd.s32 $0xFFFFE000  }
0x3b: {  	[spmem:s2] =	stream.indirect.scatter.add.f32 [tilespmem:s15], [sflag:$0x2], $0x40, s22, s17, $0xb8;
	[tilespmem:$0x12200] =	vst v63  }
0x3c: {  	_ =	swait.ge [sflag:s16], $0x2000  }
0x3d: {  	s23 =	sadd.s32 $0xFFFFFFFF, s10;
	[sflag:s16] =	ssyncset.done $0x0  }
.LBB2_4:
0x3e: {  	[sflag:s16] =	ssyncadd.s32 $0xFFFFE000;
	s21 =	sadd.s32 $0x80, s21;
	s22 =	sadd.s32 $0x80, s22  }
0x3f: {  	[tilespmem:s15], [sflag:$0x1] =	stream.indirect.gather [hbm4b:s4+s17], $0x40, s21, s17, $0xb8;
	[tilespmem:$0x12200] =	vst v63  }
0x40: {  	p0 =	sne.s32 s23, $0x1;
	s23 =	sadd.s32 $0xFFFFFFFF, s23;
	_ =	swait.ge [sflag:s18], $0x2000  }
.Ltmp2:
0x41: {  	[sflag:s18] =	ssyncset.done $0x0;
	(pc) =	sbr.rel @p0 .LBB2_4-.Ltmp2, $4  }
0x42: {  	[sflag:s18] =	ssyncadd.s32 $0xFFFFE000  }
0x43: {  	[spmem:s2] =	stream.indirect.scatter.add.f32 [tilespmem:s15], [sflag:$0x2], $0x40, s22, s17, $0xb8;
	[tilespmem:$0x12200] =	vst v63  }
0x44: {  	_ =	swait.ge [sflag:s16], $0x2000  }
0x45: {  	[sflag:s16] =	ssyncset.done $0x0  }
.LBB2_5:
0x46: {  	s3 =	sadd.s32 $0x1, s3  }
0x47: {  	[sflag:s16] =	ssyncadd.s32 $0xFFFFE000;
	p0 =	sne.s32 s3, s14  }
.Ltmp3:
0x48: {  	[bflag:$0x0] =	sbarrier.arrive $0xFFFF;
	(pc) =	sbr.rel @p0 .LBB2_1-.Ltmp3, $4  }
0x49: {  	[hbm:s13], [sflag:s19] =	dma.local [spmem:s20], $0x1400  }
0x4a: {  	_ =	swait.ge [sflag:s16], $0x1400  }
0x4b: {  	[sflag:s16] =	ssyncset.done $0x0  }
0x4c: {  	[sflag:s16] =	ssyncadd.s32 $0xFFFFEC00  }
0x4d: {  	_ =	sfence.sel $0x180000  }
0x4e: {  	[bflag:$0x0] =	sbarrier.arrive $0xFFFF  }
0x4f: {  	p0 =	sne.s32 s0, $0x0;
	_ =	strace $0x90000050  }
0x50: {  	s0 =	sadd.s32 @!p0 $0x100000, s1;
	[bflag:$0x2] =	sbarrier.arrive $0xFFFF  }
0x51: {  	[sflag:s0] =	ssyncadd.tile.s32 @!p0 $0x1;
	_ =	shalt  }
.Lfunc_end2:
_tile_overlayer_lowered:
.L_overlay_start_2:
0x52: {  	(tag) =	ssettag $0x2  }
0x53: {  	s0 =	rddreg [dreg:$0x0];
	s2 =	stileid.u32  }
0x54: {  	s1 =	rddreg [dreg:$0x1];
	p0 =	sne.s32 s2, $0x0  }
0x55: {  	s3 =	rddreg [dreg:$0x2];
	[bflag:$0x3] =	sbarrier.arrive $0xFFFF;
	s2 =	simm.s32 @!p0 $0x1C02  }
0x56: {  	[timem:s3], [sflag:s2] =	dma.local @!p0 [hbm:s0], s1  }
0x57: {  	s0 =	simm.s32 @!p0 $0x2  }
0x58: {  	_ =	swait.ge @!p0 [sflag:s0], s1  }
0x59: {  	s1 =	ssub.s32 @!p0 $0x0, s1;
	[sflag:s0] =	ssyncset.done @!p0 $0x0  }
0x5a: {  	[sflag:s0] =	ssyncadd.s32 @!p0 s1  }
0x5b: {  	[bflag:$0x3] =	sbarrier.arrive $0xFFFF  }
0x5c: {  	_ =	shalt  }

</sc_bundles>
